<compile_context>
chip_gen: v7x
topology: tpu7x:2x2x1
jax: 0.10.2.dev20260603
libtpu: 0.0.44.dev20260713+nightly
codegen_flags: <defaults>
</compile_context>

<pallas_src>
import functools

import jax
import jax.numpy as jnp
from jax import lax
from jax.experimental import pallas as pl
from jax.experimental.pallas import tpu as pltpu
from jax.experimental.pallas import tpu_sc as plsc

N = 10000
E = 160000
D = 256
NPAD = 10240
NC, NS = 2, 16
NT = NC * NS
EPT = E // NT
FG = 4
NGRP = D // (NT * FG)
CE = 8000
NPAIR = E // (2 * CE)

_mesh = plsc.VectorSubcoreMesh(
    core_axis_name="c", subcore_axis_name="s", num_cores=NC, num_subcores=NS)
_CP = pltpu.CompilerParams(needs_layout_passes=False)


@functools.partial(
    pl.kernel,
    out_type=jax.ShapeDtypeStruct((NT, NPAD), jnp.float32),
    mesh=_mesh,
    compiler_params=_CP,
    scratch_types=[
        pltpu.VMEM((NPAD + 16,), jnp.float32),
        pltpu.VMEM((EPT + 8,), jnp.int32),
    ],
)
def _deg_kernel(dst_hbm, degp_hbm, counts, dbuf):
    w = lax.axis_index("c") * NS + lax.axis_index("s")

    def _zero(i, _):
        counts[pl.ds(i * 16, 16)] = jnp.zeros((16,), jnp.float32)
        return 0
    lax.fori_loop(0, (NPAD + 16) // 16, _zero, 0)

    dbuf[pl.ds(EPT - 8, 16)] = jnp.full((16,), NPAD, jnp.int32)
    pltpu.sync_copy(dst_hbm.at[pl.ds(w * EPT, EPT)], dbuf.at[pl.ds(0, EPT)])

    ones = jnp.ones((16,), jnp.float32)

    def _count(i, _):
        dv = dbuf[pl.ds(i * 16, 16)]
        plsc.addupdate_scatter(counts, [dv], ones)
        return 0
    lax.fori_loop(0, (EPT + 8) // 16, _count, 0)

    pltpu.sync_copy(counts.at[pl.ds(0, NPAD)], degp_hbm.at[w])


@functools.partial(
    pl.kernel,
    out_type=jax.ShapeDtypeStruct((D, NPAD), jnp.float32),
    mesh=_mesh,
    compiler_params=_CP,
    scratch_types=[
        pltpu.VMEM((FG, NPAD), jnp.float32),
        pltpu.VMEM((FG, NPAD), jnp.float32),
        pltpu.VMEM((CE,), jnp.int32),
        pltpu.VMEM((CE,), jnp.int32),
        pltpu.VMEM((CE,), jnp.int32),
        pltpu.VMEM((CE,), jnp.int32),
        pltpu.SemaphoreType.DMA,
        pltpu.SemaphoreType.DMA,
    ],
)
def _agg_kernel(ht_hbm, src_hbm, dst_hbm, aggt_hbm, hbuf, acc, sbuf0, sbuf1,
                dbuf0, dbuf1, sem0, sem1):
    w = lax.axis_index("c") * NS + lax.axis_index("s")
    slots = ((sbuf0, dbuf0, sem0), (sbuf1, dbuf1, sem1))

    def _start(ci, slot):
        sb, db, sem = slots[slot]
        pltpu.async_copy(src_hbm.at[pl.ds(ci * CE, CE)], sb, sem)
        pltpu.async_copy(dst_hbm.at[pl.ds(ci * CE, CE)], db, sem)

    def _wait(slot):
        sb, db, sem = slots[slot]
        pltpu.make_async_copy(src_hbm.at[pl.ds(0, CE)], sb, sem).wait()
        pltpu.make_async_copy(dst_hbm.at[pl.ds(0, CE)], db, sem).wait()

    def _process(slot):
        sb, db, _ = slots[slot]

        @plsc.parallel_loop(0, CE // 16, unroll=4)
        def _vec(i):
            sv = sb[pl.ds(i * 16, 16)]
            dv = db[pl.ds(i * 16, 16)]
            for fl in range(FG):
                fidx = jnp.full((16,), fl, jnp.int32)
                vals = plsc.load_gather(hbuf, [fidx, sv])
                plsc.addupdate_scatter(acc, [fidx, dv], vals)

    for g in range(NGRP):
        fbase = w * (FG * NGRP) + g * FG
        _start(0, 0)
        pltpu.sync_copy(ht_hbm.at[pl.ds(fbase, FG)], hbuf)
        pltpu.sync_copy(ht_hbm.at[pl.ds(fbase, FG)], acc)

        def _pair(p, _):
            _start(2 * p + 1, 1)
            _wait(0)
            _process(0)

            @pl.when(p < NPAIR - 1)
            def _():
                _start(2 * p + 2, 0)
            _wait(1)
            _process(1)
            return 0
        lax.fori_loop(0, NPAIR, _pair, 0)

        pltpu.sync_copy(acc, aggt_hbm.at[pl.ds(fbase, FG)])


BLK = NPAD // 4


def _dis_row(degp_blk):
    deg = jnp.sum(degp_blk, axis=0) + 1.0
    return (1.0 / jnp.sqrt(deg))[None, :]


def _mm1_body(x_ref, w_ref, degp_ref, o_ref):
    dis = _dis_row(degp_ref[...])
    o_ref[...] = lax.dot_general(
        w_ref[...], x_ref[...], (((0,), (1,)), ((), ())),
        preferred_element_type=jnp.float32) * dis


def _mid_body(a_ref, degp_ref, b_ref, w_ref, o_ref):
    dis = _dis_row(degp_ref[...])
    y = jnp.maximum(a_ref[...] * dis + b_ref[...], 0.0)
    o_ref[...] = lax.dot_general(
        w_ref[...], y, (((0,), (0,)), ((), ())),
        preferred_element_type=jnp.float32) * dis


def _final_body(a_ref, degp_ref, b_ref, o_ref):
    dis = _dis_row(degp_ref[...])
    o_ref[...] = jnp.maximum(a_ref[...] * dis + b_ref[...], 0.0).T


_rows_spec = pl.BlockSpec((BLK, D), lambda i: (i, 0))
_t_spec = pl.BlockSpec((D, BLK), lambda i: (0, i))
_w_spec = pl.BlockSpec((D, D), lambda i: (0, 0))
_degp_spec = pl.BlockSpec((NT, BLK), lambda i: (0, i))
_bcol_spec = pl.BlockSpec((D, 1), lambda i: (0, 0))
_t_sds = jax.ShapeDtypeStruct((D, NPAD), jnp.float32)

_mm1 = pl.pallas_call(
    _mm1_body, grid=(NPAD // BLK,),
    in_specs=[_rows_spec, _w_spec, _degp_spec],
    out_specs=_t_spec, out_shape=_t_sds)

_mid = pl.pallas_call(
    _mid_body, grid=(NPAD // BLK,),
    in_specs=[_t_spec, _degp_spec, _bcol_spec, _w_spec],
    out_specs=_t_spec, out_shape=_t_sds)

_final = pl.pallas_call(
    _final_body, grid=(NPAD // BLK,),
    in_specs=[_t_spec, _degp_spec, _bcol_spec],
    out_specs=_rows_spec,
    out_shape=jax.ShapeDtypeStruct((NPAD, D), jnp.float32))


def kernel(x, A, W1, b1, W2, b2):
    src = A[0]
    dst = A[1]
    x_pad = jnp.pad(x, ((0, NPAD - N), (0, 0)))
    b1c = b1.reshape(D, 1)
    b2c = b2.reshape(D, 1)

    degp = _deg_kernel(dst)
    h1t = _mm1(x_pad, W1, degp)
    agg1t = _agg_kernel(h1t, src, dst)
    h2t = _mid(agg1t, degp, b1c, W2)
    agg2t = _agg_kernel(h2t, src, dst)
    out = _final(agg2t, degp, b2c)
    return out[:N]

# --- scband reference (transcript-rebuilt; emitter-appended) ---
"""Pipeline reference for scband-encoder-75265006895624 (READ-ONLY COPY).

The authoritative reference and input builder live on the scoring server;
editing this copy changes nothing except your own understanding.
"""

import jax, jax.numpy as jnp
import numpy as np

N = 10000
E = 160000
D = 256


def setup_inputs(seed: int = 0) -> dict:
    key = jax.random.key(seed)
    k1, k2, k3, k4, k5, k6 = jax.random.split(key, 6)
    x = jax.random.normal(k1, (N, D), dtype=jnp.float32)
    A = jax.random.randint(k2, (2, E), 0, N, dtype=jnp.int32)
    scale = float(np.sqrt(6.0 / (D + D)))
    W1 = jax.random.uniform(k3, (D, D), dtype=jnp.float32, minval=-scale, maxval=scale)
    b1 = jnp.zeros((D,), dtype=jnp.float32)
    W2 = jax.random.uniform(k4, (D, D), dtype=jnp.float32, minval=-scale, maxval=scale)
    b2 = jnp.zeros((D,), dtype=jnp.float32)
    return {"x": x, "A": A, "W1": W1, "b1": b1, "W2": W2, "b2": b2}


def _gcn_layer(x, src, dst, deg_inv_sqrt, W, b):
    # GCNConv: out = D^{-1/2} A_hat D^{-1/2} (x W) + b, A_hat includes self-loops
    h = x @ W
    norm = (deg_inv_sqrt[src] * deg_inv_sqrt[dst])[:, None]
    msgs = jnp.take(h, src, axis=0) * norm
    agg = jax.ops.segment_sum(msgs, dst, num_segments=N)
    return agg + b


def reference(x, A, W1, b1, W2, b2):
    # add self-loops (GCNConv default)
    loops = jnp.arange(N, dtype=A.dtype)
    src = jnp.concatenate([A[0], loops])
    dst = jnp.concatenate([A[1], loops])
    deg = jax.ops.segment_sum(jnp.ones_like(dst, dtype=jnp.float32), dst, num_segments=N)
    deg_inv_sqrt = jnp.where(deg > 0, 1.0 / jnp.sqrt(deg), 0.0)
    # Encoder.forward: k=2 layers, x = activation(conv_i(x, None, A))
    h = jax.nn.relu(_gcn_layer(x, src, dst, deg_inv_sqrt, W1, b1))
    h = jax.nn.relu(_gcn_layer(h, src, dst, deg_inv_sqrt, W2, b2))
    return h

if __name__ == "__main__":
    import jax
    _d = setup_inputs()
    print(jax.jit(kernel)(*tuple(_d.values())))

</pallas_src>

<mosaic_0001>
#map = affine_map<(d0, d1) -> (0)>
#map1 = affine_map<(d0, d1) -> (0, 0)>
module attributes {stable_mosaic.version = 14 : i64} {
  func.func @_deg_kernel(%arg0: i32, %arg1: i32, %arg2: memref<160000xi32, #tpu.memory_space<hbm>>, %arg3: memref<32x10240xf32, #tpu.memory_space<hbm>>, %arg4: memref<10256xf32, #tpu.memory_space<vmem>>, %arg5: memref<5008xi32, #tpu.memory_space<vmem>>) attributes {dimension_semantics = [#tpu.dimension_semantics<core_parallel>, #tpu.dimension_semantics<subcore_parallel>], iteration_bounds = array<i64: 2, 16>, scalar_prefetch = 0 : i64, scratch_operands = 2 : i64, tpu.core_type = #tpu.core_type<sc_vector_subcore>, window_params = [{transform_indices = #map}, {transform_indices = #map1}]} {
    %mul3A = arith.constant 16 : i32
    %mul3A_0 = arith.muli %arg0, %mul3A : i32
    %add3A = arith.addi %mul3A_0, %arg1 : i32
    %scan3A = arith.constant 0 : i32
    %scan3A_1 = arith.constant 0 : i32
    %scan3A_2 = arith.constant 641 : i32
    %scan3A_3 = arith.addi %scan3A_1, %scan3A_2 : i32
    %scan3A_4 = arith.constant 1 : i32
    %scan3A_5 = scf.for %scan3A_20 = %scan3A_1 to %scan3A_3 step %scan3A_4 iter_args(%scan3A_21 = %scan3A) -> (i32)  : i32 {
      %broadcast_in_dim3A_22 = arith.constant 0.000000e+00 : f32
      %broadcast_in_dim3A_23 = vector.broadcast %broadcast_in_dim3A_22 : f32 to vector<16xf32>
      %mul3A_24 = arith.constant 16 : i32
      %mul3A_25 = arith.muli %scan3A_20, %mul3A_24 : i32
      %swap3A_26 = arith.index_cast %mul3A_25 : i32 to index
      %swap3A_27 = tpu.vector_load %arg4[%swap3A_26] {strides = array<i32>} : memref<10256xf32, #tpu.memory_space<vmem>>, vector<16xf32>,
      tpu.vector_store %arg4[%swap3A_26], %broadcast_in_dim3A_23 {strides = array<i32>} : memref<10256xf32, #tpu.memory_space<vmem>>, vector<16xf32>,
      %scan3A_28 = arith.constant 0 : i32
      scf.yield %scan3A_28 : i32
    }
    %scan3A_6 = arith.constant 641 : i32
    %broadcast_in_dim3A = arith.constant 10240 : i32
    %broadcast_in_dim3A_7 = vector.broadcast %broadcast_in_dim3A : i32 to vector<16xi32>
    %swap3A = arith.constant 4992 : index
    %swap3A_8 = tpu.vector_load %arg5[%swap3A] {strides = array<i32>} : memref<5008xi32, #tpu.memory_space<vmem>>, vector<16xi32>,
    tpu.vector_store %arg5[%swap3A], %broadcast_in_dim3A_7 {strides = array<i32>} : memref<5008xi32, #tpu.memory_space<vmem>>, vector<16xi32>,
    %mul3A_9 = arith.constant 5000 : i32
    %mul3A_10 = arith.muli %add3A, %mul3A_9 : i32
    "tpu.region"() ({
      %run_scoped3A = tpu.sem_alloc : memref<!tpu.dma_semaphore, #tpu.memory_space<semaphore_mem>>
      %dma_start3A = arith.constant 0 : i32
      %dma_start3A_20 = tpu.memref_slice %arg5[%dma_start3A] : memref<5008xi32, #tpu.memory_space<vmem>> -> memref<5000xi32, #tpu.memory_space<vmem>>
      %dma_start3A_21 = tpu.memref_slice %arg2[%mul3A_10] : memref<160000xi32, #tpu.memory_space<hbm>> -> memref<5000xi32, #tpu.memory_space<hbm>>
      %dma_start3A_22 = arith.constant 0 : i32
      %dma_start3A_23 = tpu.memref_slice %arg5[%dma_start3A_22] : memref<5008xi32, #tpu.memory_space<vmem>> -> memref<5000xi32, #tpu.memory_space<vmem>>
      %dma_start3A_24 = tpu.memref_slice %arg2[%mul3A_10] : memref<160000xi32, #tpu.memory_space<hbm>> -> memref<5000xi32, #tpu.memory_space<hbm>>
      tpu.enqueue_dma source(%dma_start3A_24 : memref<5000xi32, #tpu.memory_space<hbm>>) target(%dma_start3A_23 : memref<5000xi32, #tpu.memory_space<vmem>>) target_semaphore(%run_scoped3A : memref<!tpu.dma_semaphore, #tpu.memory_space<semaphore_mem>>)
      %dma_wait3A = arith.constant 0 : i32
      %dma_wait3A_25 = tpu.memref_slice %arg5[%dma_wait3A] : memref<5008xi32, #tpu.memory_space<vmem>> -> memref<5000xi32, #tpu.memory_space<vmem>>
      %dma_wait3A_26 = tpu.memref_slice %arg2[%mul3A_10] : memref<160000xi32, #tpu.memory_space<hbm>> -> memref<5000xi32, #tpu.memory_space<hbm>>
      %dma_wait3A_27 = arith.constant 0 : i32
      %dma_wait3A_28 = tpu.memref_slice %arg5[%dma_wait3A_27] : memref<5008xi32, #tpu.memory_space<vmem>> -> memref<5000xi32, #tpu.memory_space<vmem>>
      %dma_wait3A_29 = tpu.memref_slice %arg2[%mul3A_10] : memref<160000xi32, #tpu.memory_space<hbm>> -> memref<5000xi32, #tpu.memory_space<hbm>>
      tpu.wait_dma2 semaphore(%run_scoped3A : memref<!tpu.dma_semaphore, #tpu.memory_space<semaphore_mem>>) src(%dma_wait3A_29 : memref<5000xi32, #tpu.memory_space<hbm>>) dst(%dma_wait3A_28 : memref<5000xi32, #tpu.memory_space<vmem>>)
      tpu.yield
    }) : () -> ()
    %broadcast_in_dim3A_11 = arith.constant 1.000000e+00 : f32
    %broadcast_in_dim3A_12 = vector.broadcast %broadcast_in_dim3A_11 : f32 to vector<16xf32>
    %scan3A_13 = arith.constant 0 : i32
    %scan3A_14 = arith.constant 0 : i32
    %scan3A_15 = arith.constant 313 : i32
    %scan3A_16 = arith.addi %scan3A_14, %scan3A_15 : i32
    %scan3A_17 = arith.constant 1 : i32
    %scan3A_18 = scf.for %scan3A_20 = %scan3A_14 to %scan3A_16 step %scan3A_17 iter_args(%scan3A_21 = %scan3A_13) -> (i32)  : i32 {
      %mul3A_22 = arith.constant 16 : i32
      %mul3A_23 = arith.muli %scan3A_20, %mul3A_22 : i32
      %get3A = arith.index_cast %mul3A_23 : i32 to index
      %get3A_24 = tpu.vector_load %arg5[%get3A] {strides = array<i32>} : memref<5008xi32, #tpu.memory_space<vmem>>, vector<16xi32>,
      tpu.vector_store_idx %arg4[%get3A_24], %broadcast_in_dim3A_12 {add = true} : memref<10256xf32, #tpu.memory_space<vmem>>[vector<16xi32>], vector<16xf32>,
      %scan3A_25 = arith.constant 0 : i32
      scf.yield %scan3A_25 : i32
    }
    %scan3A_19 = arith.constant 313 : i32
    "tpu.region"() ({
      %run_scoped3A = tpu.sem_alloc : memref<!tpu.dma_semaphore, #tpu.memory_space<semaphore_mem>>
      %dma_start3A = arith.constant 0 : i32
      %dma_start3A_20 = tpu.memref_slice %arg4[%dma_start3A] : memref<10256xf32, #tpu.memory_space<vmem>> -> memref<10240xf32, #tpu.memory_space<vmem>>
      %dma_start3A_21 = arith.constant 0 : i32
      %dma_start3A_22 = tpu.memref_slice %arg3[%add3A, %dma_start3A_21] : memref<32x10240xf32, #tpu.memory_space<hbm>> -> memref<1x10240xf32, #tpu.memory_space<hbm>>
      %dma_start3A_23 = tpu.memref_squeeze %dma_start3A_22 : memref<1x10240xf32, #tpu.memory_space<hbm>> -> memref<10240xf32, #tpu.memory_space<hbm>>
      %dma_start3A_24 = arith.constant 0 : i32
      %dma_start3A_25 = tpu.memref_slice %arg3[%add3A, %dma_start3A_24] : memref<32x10240xf32, #tpu.memory_space<hbm>> -> memref<1x10240xf32, #tpu.memory_space<hbm>>
      %dma_start3A_26 = tpu.memref_squeeze %dma_start3A_25 : memref<1x10240xf32, #tpu.memory_space<hbm>> -> memref<10240xf32, #tpu.memory_space<hbm>>
      %dma_start3A_27 = arith.constant 0 : i32
      %dma_start3A_28 = tpu.memref_slice %arg4[%dma_start3A_27] : memref<10256xf32, #tpu.memory_space<vmem>> -> memref<10240xf32, #tpu.memory_space<vmem>>
      tpu.enqueue_dma source(%dma_start3A_28 : memref<10240xf32, #tpu.memory_space<vmem>>) target(%dma_start3A_26 : memref<10240xf32, #tpu.memory_space<hbm>>) target_semaphore(%run_scoped3A : memref<!tpu.dma_semaphore, #tpu.memory_space<semaphore_mem>>)
      %dma_wait3A = arith.constant 0 : i32
      %dma_wait3A_29 = tpu.memref_slice %arg4[%dma_wait3A] : memref<10256xf32, #tpu.memory_space<vmem>> -> memref<10240xf32, #tpu.memory_space<vmem>>
      %dma_wait3A_30 = arith.constant 0 : i32
      %dma_wait3A_31 = tpu.memref_slice %arg3[%add3A, %dma_wait3A_30] : memref<32x10240xf32, #tpu.memory_space<hbm>> -> memref<1x10240xf32, #tpu.memory_space<hbm>>
      %dma_wait3A_32 = tpu.memref_squeeze %dma_wait3A_31 : memref<1x10240xf32, #tpu.memory_space<hbm>> -> memref<10240xf32, #tpu.memory_space<hbm>>
      %dma_wait3A_33 = arith.constant 0 : i32
      %dma_wait3A_34 = tpu.memref_slice %arg3[%add3A, %dma_wait3A_33] : memref<32x10240xf32, #tpu.memory_space<hbm>> -> memref<1x10240xf32, #tpu.memory_space<hbm>>
      %dma_wait3A_35 = tpu.memref_squeeze %dma_wait3A_34 : memref<1x10240xf32, #tpu.memory_space<hbm>> -> memref<10240xf32, #tpu.memory_space<hbm>>
      %dma_wait3A_36 = arith.constant 0 : i32
      %dma_wait3A_37 = tpu.memref_slice %arg4[%dma_wait3A_36] : memref<10256xf32, #tpu.memory_space<vmem>> -> memref<10240xf32, #tpu.memory_space<vmem>>
      tpu.wait_dma2 semaphore(%run_scoped3A : memref<!tpu.dma_semaphore, #tpu.memory_space<semaphore_mem>>) src(%dma_wait3A_37 : memref<10240xf32, #tpu.memory_space<vmem>>) dst(%dma_wait3A_35 : memref<10240xf32, #tpu.memory_space<hbm>>)
      tpu.yield
    }) : () -> ()
    return
  }
}

#map = affine_map<(d0, d1) -> (0, 0)>
#map1 = affine_map<(d0, d1) -> (0)>
module attributes {stable_mosaic.version = 14 : i64} {
  func.func @_agg_kernel(%arg0: i32, %arg1: i32, %arg2: memref<256x10240xf32, #tpu.memory_space<hbm>>, %arg3: memref<160000xi32, #tpu.memory_space<hbm>>, %arg4: memref<160000xi32, #tpu.memory_space<hbm>>, %arg5: memref<256x10240xf32, #tpu.memory_space<hbm>>, %arg6: memref<4x10240xf32, #tpu.memory_space<vmem>>, %arg7: memref<4x10240xf32, #tpu.memory_space<vmem>>, %arg8: memref<8000xi32, #tpu.memory_space<vmem>>, %arg9: memref<8000xi32, #tpu.memory_space<vmem>>, %arg10: memref<8000xi32, #tpu.memory_space<vmem>>, %arg11: memref<8000xi32, #tpu.memory_space<vmem>>, %arg12: memref<!tpu.dma_semaphore, #tpu.memory_space<semaphore_mem>>, %arg13: memref<!tpu.dma_semaphore, #tpu.memory_space<semaphore_mem>>) attributes {dimension_semantics = [#tpu.dimension_semantics<core_parallel>, #tpu.dimension_semantics<subcore_parallel>], iteration_bounds = array<i64: 2, 16>, scalar_prefetch = 0 : i64, scratch_operands = 8 : i64, tpu.core_type = #tpu.core_type<sc_vector_subcore>, window_params = [{transform_indices = #map}, {transform_indices = #map1}, {transform_indices = #map1}, {transform_indices = #map}]} {
    %mul3A = arith.constant 16 : i32
    %mul3A_0 = arith.muli %arg0, %mul3A : i32
    %add3A = arith.addi %mul3A_0, %arg1 : i32
    %mul3A_1 = arith.constant 8 : i32
    %mul3A_2 = arith.muli %add3A, %mul3A_1 : i32
    %add3A_3 = arith.constant 0 : i32
    %add3A_4 = arith.addi %mul3A_2, %add3A_3 : i32
    %dma_start3A = arith.constant 0 : i32
    %dma_start3A_5 = tpu.memref_slice %arg3[%dma_start3A] : memref<160000xi32, #tpu.memory_space<hbm>> -> memref<8000xi32, #tpu.memory_space<hbm>>
    %dma_start3A_6 = arith.constant 0 : i32
    %dma_start3A_7 = tpu.memref_slice %arg3[%dma_start3A_6] : memref<160000xi32, #tpu.memory_space<hbm>> -> memref<8000xi32, #tpu.memory_space<hbm>>
    tpu.enqueue_dma source(%dma_start3A_7 : memref<8000xi32, #tpu.memory_space<hbm>>) target(%arg8 : memref<8000xi32, #tpu.memory_space<vmem>>) target_semaphore(%arg12 : memref<!tpu.dma_semaphore, #tpu.memory_space<semaphore_mem>>)
    %dma_start3A_8 = arith.constant 0 : i32
    %dma_start3A_9 = tpu.memref_slice %arg4[%dma_start3A_8] : memref<160000xi32, #tpu.memory_space<hbm>> -> memref<8000xi32, #tpu.memory_space<hbm>>
    %dma_start3A_10 = arith.constant 0 : i32
    %dma_start3A_11 = tpu.memref_slice %arg4[%dma_start3A_10] : memref<160000xi32, #tpu.memory_space<hbm>> -> memref<8000xi32, #tpu.memory_space<hbm>>
    tpu.enqueue_dma source(%dma_start3A_11 : memref<8000xi32, #tpu.memory_space<hbm>>) target(%arg10 : memref<8000xi32, #tpu.memory_space<vmem>>) target_semaphore(%arg12 : memref<!tpu.dma_semaphore, #tpu.memory_space<semaphore_mem>>)
    "tpu.region"() ({
      %run_scoped3A = tpu.sem_alloc : memref<!tpu.dma_semaphore, #tpu.memory_space<semaphore_mem>>
      %dma_start3A_37 = arith.constant 0 : i32
      %dma_start3A_38 = tpu.memref_slice %arg2[%add3A_4, %dma_start3A_37] : memref<256x10240xf32, #tpu.memory_space<hbm>> -> memref<4x10240xf32, #tpu.memory_space<hbm>>
      %dma_start3A_39 = arith.constant 0 : i32
      %dma_start3A_40 = tpu.memref_slice %arg2[%add3A_4, %dma_start3A_39] : memref<256x10240xf32, #tpu.memory_space<hbm>> -> memref<4x10240xf32, #tpu.memory_space<hbm>>
      tpu.enqueue_dma source(%dma_start3A_40 : memref<4x10240xf32, #tpu.memory_space<hbm>>) target(%arg6 : memref<4x10240xf32, #tpu.memory_space<vmem>>) target_semaphore(%run_scoped3A : memref<!tpu.dma_semaphore, #tpu.memory_space<semaphore_mem>>)
      %dma_wait3A = arith.constant 0 : i32
      %dma_wait3A_41 = tpu.memref_slice %arg2[%add3A_4, %dma_wait3A] : memref<256x10240xf32, #tpu.memory_space<hbm>> -> memref<4x10240xf32, #tpu.memory_space<hbm>>
      %dma_wait3A_42 = arith.constant 0 : i32
      %dma_wait3A_43 = tpu.memref_slice %arg2[%add3A_4, %dma_wait3A_42] : memref<256x10240xf32, #tpu.memory_space<hbm>> -> memref<4x10240xf32, #tpu.memory_space<hbm>>
      tpu.wait_dma2 semaphore(%run_scoped3A : memref<!tpu.dma_semaphore, #tpu.memory_space<semaphore_mem>>) src(%dma_wait3A_43 : memref<4x10240xf32, #tpu.memory_space<hbm>>) dst(%arg6 : memref<4x10240xf32, #tpu.memory_space<vmem>>)
      tpu.yield
    }) : () -> ()
    "tpu.region"() ({
      %run_scoped3A = tpu.sem_alloc : memref<!tpu.dma_semaphore, #tpu.memory_space<semaphore_mem>>
      %dma_start3A_37 = arith.constant 0 : i32
      %dma_start3A_38 = tpu.memref_slice %arg2[%add3A_4, %dma_start3A_37] : memref<256x10240xf32, #tpu.memory_space<hbm>> -> memref<4x10240xf32, #tpu.memory_space<hbm>>
      %dma_start3A_39 = arith.constant 0 : i32
      %dma_start3A_40 = tpu.memref_slice %arg2[%add3A_4, %dma_start3A_39] : memref<256x10240xf32, #tpu.memory_space<hbm>> -> memref<4x10240xf32, #tpu.memory_space<hbm>>
      tpu.enqueue_dma source(%dma_start3A_40 : memref<4x10240xf32, #tpu.memory_space<hbm>>) target(%arg7 : memref<4x10240xf32, #tpu.memory_space<vmem>>) target_semaphore(%run_scoped3A : memref<!tpu.dma_semaphore, #tpu.memory_space<semaphore_mem>>)
      %dma_wait3A = arith.constant 0 : i32
      %dma_wait3A_41 = tpu.memref_slice %arg2[%add3A_4, %dma_wait3A] : memref<256x10240xf32, #tpu.memory_space<hbm>> -> memref<4x10240xf32, #tpu.memory_space<hbm>>
      %dma_wait3A_42 = arith.constant 0 : i32
      %dma_wait3A_43 = tpu.memref_slice %arg2[%add3A_4, %dma_wait3A_42] : memref<256x10240xf32, #tpu.memory_space<hbm>> -> memref<4x10240xf32, #tpu.memory_space<hbm>>
      tpu.wait_dma2 semaphore(%run_scoped3A : memref<!tpu.dma_semaphore, #tpu.memory_space<semaphore_mem>>) src(%dma_wait3A_43 : memref<4x10240xf32, #tpu.memory_space<hbm>>) dst(%arg7 : memref<4x10240xf32, #tpu.memory_space<vmem>>)
      tpu.yield
    }) : () -> ()
    %scan3A = arith.constant 0 : i32
    %scan3A_12 = arith.constant 0 : i32
    %scan3A_13 = arith.constant 10 : i32
    %scan3A_14 = arith.addi %scan3A_12, %scan3A_13 : i32
    %scan3A_15 = arith.constant 1 : i32
    %scan3A_16 = scf.for %scan3A_37 = %scan3A_12 to %scan3A_14 step %scan3A_15 iter_args(%scan3A_38 = %scan3A) -> (i32)  : i32 {
      %mul3A_39 = arith.constant 2 : i32
      %mul3A_40 = arith.muli %mul3A_39, %scan3A_37 : i32
      %add3A_41 = arith.constant 1 : i32
      %add3A_42 = arith.addi %mul3A_40, %add3A_41 : i32
      %mul3A_43 = arith.constant 8000 : i32
      %mul3A_44 = arith.muli %add3A_42, %mul3A_43 : i32
      %dma_start3A_45 = tpu.memref_slice %arg3[%mul3A_44] : memref<160000xi32, #tpu.memory_space<hbm>> -> memref<8000xi32, #tpu.memory_space<hbm>>
      %dma_start3A_46 = tpu.memref_slice %arg3[%mul3A_44] : memref<160000xi32, #tpu.memory_space<hbm>> -> memref<8000xi32, #tpu.memory_space<hbm>>
      tpu.enqueue_dma source(%dma_start3A_46 : memref<8000xi32, #tpu.memory_space<hbm>>) target(%arg9 : memref<8000xi32, #tpu.memory_space<vmem>>) target_semaphore(%arg13 : memref<!tpu.dma_semaphore, #tpu.memory_space<semaphore_mem>>)
      %mul3A_47 = arith.constant 8000 : i32
      %mul3A_48 = arith.muli %add3A_42, %mul3A_47 : i32
      %dma_start3A_49 = tpu.memref_slice %arg4[%mul3A_48] : memref<160000xi32, #tpu.memory_space<hbm>> -> memref<8000xi32, #tpu.memory_space<hbm>>
      %dma_start3A_50 = tpu.memref_slice %arg4[%mul3A_48] : memref<160000xi32, #tpu.memory_space<hbm>> -> memref<8000xi32, #tpu.memory_space<hbm>>
      tpu.enqueue_dma source(%dma_start3A_50 : memref<8000xi32, #tpu.memory_space<hbm>>) target(%arg11 : memref<8000xi32, #tpu.memory_space<vmem>>) target_semaphore(%arg13 : memref<!tpu.dma_semaphore, #tpu.memory_space<semaphore_mem>>)
      %dma_wait3A = arith.constant 0 : i32
      %dma_wait3A_51 = tpu.memref_slice %arg3[%dma_wait3A] : memref<160000xi32, #tpu.memory_space<hbm>> -> memref<8000xi32, #tpu.memory_space<hbm>>
      %dma_wait3A_52 = arith.constant 0 : i32
      %dma_wait3A_53 = tpu.memref_slice %arg3[%dma_wait3A_52] : memref<160000xi32, #tpu.memory_space<hbm>> -> memref<8000xi32, #tpu.memory_space<hbm>>
      tpu.wait_dma2 semaphore(%arg12 : memref<!tpu.dma_semaphore, #tpu.memory_space<semaphore_mem>>) src(%dma_wait3A_53 : memref<8000xi32, #tpu.memory_space<hbm>>) dst(%arg8 : memref<8000xi32, #tpu.memory_space<vmem>>)
      %dma_wait3A_54 = arith.constant 0 : i32
      %dma_wait3A_55 = tpu.memref_slice %arg4[%dma_wait3A_54] : memref<160000xi32, #tpu.memory_space<hbm>> -> memref<8000xi32, #tpu.memory_space<hbm>>
      %dma_wait3A_56 = arith.constant 0 : i32
      %dma_wait3A_57 = tpu.memref_slice %arg4[%dma_wait3A_56] : memref<160000xi32, #tpu.memory_space<hbm>> -> memref<8000xi32, #tpu.memory_space<hbm>>
      tpu.wait_dma2 semaphore(%arg12 : memref<!tpu.dma_semaphore, #tpu.memory_space<semaphore_mem>>) src(%dma_wait3A_57 : memref<8000xi32, #tpu.memory_space<hbm>>) dst(%arg10 : memref<8000xi32, #tpu.memory_space<vmem>>)
      %parallel_loop3A = arith.constant 0 : i32
      %parallel_loop3A_58 = arith.constant 500 : i32
      %parallel_loop3A_59 = arith.constant 1 : i32
      scf.for %parallel_loop3A_74 = %parallel_loop3A to %parallel_loop3A_58 step %parallel_loop3A_59  : i32 {
        %parallel_loop3A_75 = arith.constant 16 : i32
        %parallel_loop3A_76 = arith.muli %parallel_loop3A_74, %parallel_loop3A_75 : i32
        %parallel_loop3A_77 = arith.index_cast %parallel_loop3A_76 : i32 to index
        %parallel_loop3A_78 = tpu.vector_load %arg8[%parallel_loop3A_77] {strides = array<i32>} : memref<8000xi32, #tpu.memory_space<vmem>>, vector<16xi32>,
        %parallel_loop3A_79 = arith.constant 16 : i32
        %parallel_loop3A_80 = arith.muli %parallel_loop3A_74, %parallel_loop3A_79 : i32
        %parallel_loop3A_81 = arith.index_cast %parallel_loop3A_80 : i32 to index
        %parallel_loop3A_82 = tpu.vector_load %arg10[%parallel_loop3A_81] {strides = array<i32>} : memref<8000xi32, #tpu.memory_space<vmem>>, vector<16xi32>,
        %parallel_loop3A_83 = arith.constant 0 : i32
        %parallel_loop3A_84 = vector.broadcast %parallel_loop3A_83 : i32 to vector<16xi32>
        %parallel_loop3A_85 = tpu.vector_load_idx %arg6[%parallel_loop3A_84, %parallel_loop3A_78] : memref<4x10240xf32, #tpu.memory_space<vmem>>[vector<16xi32>, vector<16xi32>], vector<16xf32>,
        tpu.vector_store_idx %arg7[%parallel_loop3A_84, %parallel_loop3A_82], %parallel_loop3A_85 {add = true} : memref<4x10240xf32, #tpu.memory_space<vmem>>[vector<16xi32>, vector<16xi32>], vector<16xf32>,
        %parallel_loop3A_86 = arith.constant 1 : i32
        %parallel_loop3A_87 = vector.broadcast %parallel_loop3A_86 : i32 to vector<16xi32>
        %parallel_loop3A_88 = tpu.vector_load_idx %arg6[%parallel_loop3A_87, %parallel_loop3A_78] : memref<4x10240xf32, #tpu.memory_space<vmem>>[vector<16xi32>, vector<16xi32>], vector<16xf32>,
        tpu.vector_store_idx %arg7[%parallel_loop3A_87, %parallel_loop3A_82], %parallel_loop3A_88 {add = true} : memref<4x10240xf32, #tpu.memory_space<vmem>>[vector<16xi32>, vector<16xi32>], vector<16xf32>,
        %parallel_loop3A_89 = arith.constant 2 : i32
        %parallel_loop3A_90 = vector.broadcast %parallel_loop3A_89 : i32 to vector<16xi32>
        %parallel_loop3A_91 = tpu.vector_load_idx %arg6[%parallel_loop3A_90, %parallel_loop3A_78] : memref<4x10240xf32, #tpu.memory_space<vmem>>[vector<16xi32>, vector<16xi32>], vector<16xf32>,
        tpu.vector_store_idx %arg7[%parallel_loop3A_90, %parallel_loop3A_82], %parallel_loop3A_91 {add = true} : memref<4x10240xf32, #tpu.memory_space<vmem>>[vector<16xi32>, vector<16xi32>], vector<16xf32>,
        %parallel_loop3A_92 = arith.constant 3 : i32
        %parallel_loop3A_93 = vector.broadcast %parallel_loop3A_92 : i32 to vector<16xi32>
        %parallel_loop3A_94 = tpu.vector_load_idx %arg6[%parallel_loop3A_93, %parallel_loop3A_78] : memref<4x10240xf32, #tpu.memory_space<vmem>>[vector<16xi32>, vector<16xi32>], vector<16xf32>,
        tpu.vector_store_idx %arg7[%parallel_loop3A_93, %parallel_loop3A_82], %parallel_loop3A_94 {add = true} : memref<4x10240xf32, #tpu.memory_space<vmem>>[vector<16xi32>, vector<16xi32>], vector<16xf32>,
      } {sc.loop_unroll_factor = 4 : i64, sc.parallel_access}
      %lt3A = arith.constant 9 : i32
      %lt3A_60 = arith.cmpi slt, %scan3A_37, %lt3A : i32
      %convert_element_type3A = arith.extui %lt3A_60 : i1 to i32
      %cond3A = arith.constant 0 : i32
      %cond3A_61 = arith.cmpi ne, %convert_element_type3A, %cond3A : i32
      scf.if %cond3A_61 {
        %mul3A_74 = arith.constant 2 : i32
        %mul3A_75 = arith.muli %mul3A_74, %scan3A_37 : i32
        %add3A_76 = arith.constant 2 : i32
        %add3A_77 = arith.addi %mul3A_75, %add3A_76 : i32
        %mul3A_78 = arith.constant 8000 : i32
        %mul3A_79 = arith.muli %add3A_77, %mul3A_78 : i32
        %dma_start3A_80 = tpu.memref_slice %arg3[%mul3A_79] : memref<160000xi32, #tpu.memory_space<hbm>> -> memref<8000xi32, #tpu.memory_space<hbm>>
        %dma_start3A_81 = tpu.memref_slice %arg3[%mul3A_79] : memref<160000xi32, #tpu.memory_space<hbm>> -> memref<8000xi32, #tpu.memory_space<hbm>>
        tpu.enqueue_dma source(%dma_start3A_81 : memref<8000xi32, #tpu.memory_space<hbm>>) target(%arg8 : memref<8000xi32, #tpu.memory_space<vmem>>) target_semaphore(%arg12 : memref<!tpu.dma_semaphore, #tpu.memory_space<semaphore_mem>>)
        %mul3A_82 = arith.constant 8000 : i32
        %mul3A_83 = arith.muli %add3A_77, %mul3A_82 : i32
        %dma_start3A_84 = tpu.memref_slice %arg4[%mul3A_83] : memref<160000xi32, #tpu.memory_space<hbm>> -> memref<8000xi32, #tpu.memory_space<hbm>>
        %dma_start3A_85 = tpu.memref_slice %arg4[%mul3A_83] : memref<160000xi32, #tpu.memory_space<hbm>> -> memref<8000xi32, #tpu.memory_space<hbm>>
        tpu.enqueue_dma source(%dma_start3A_85 : memref<8000xi32, #tpu.memory_space<hbm>>) target(%arg10 : memref<8000xi32, #tpu.memory_space<vmem>>) target_semaphore(%arg12 : memref<!tpu.dma_semaphore, #tpu.memory_space<semaphore_mem>>)
      } else {
      }
      %dma_wait3A_62 = arith.constant 0 : i32
      %dma_wait3A_63 = tpu.memref_slice %arg3[%dma_wait3A_62] : memref<160000xi32, #tpu.memory_space<hbm>> -> memref<8000xi32, #tpu.memory_space<hbm>>
      %dma_wait3A_64 = arith.constant 0 : i32
      %dma_wait3A_65 = tpu.memref_slice %arg3[%dma_wait3A_64] : memref<160000xi32, #tpu.memory_space<hbm>> -> memref<8000xi32, #tpu.memory_space<hbm>>
      tpu.wait_dma2 semaphore(%arg13 : memref<!tpu.dma_semaphore, #tpu.memory_space<semaphore_mem>>) src(%dma_wait3A_65 : memref<8000xi32, #tpu.memory_space<hbm>>) dst(%arg9 : memref<8000xi32, #tpu.memory_space<vmem>>)
      %dma_wait3A_66 = arith.constant 0 : i32
      %dma_wait3A_67 = tpu.memref_slice %arg4[%dma_wait3A_66] : memref<160000xi32, #tpu.memory_space<hbm>> -> memref<8000xi32, #tpu.memory_space<hbm>>
      %dma_wait3A_68 = arith.constant 0 : i32
      %dma_wait3A_69 = tpu.memref_slice %arg4[%dma_wait3A_68] : memref<160000xi32, #tpu.memory_space<hbm>> -> memref<8000xi32, #tpu.memory_space<hbm>>
      tpu.wait_dma2 semaphore(%arg13 : memref<!tpu.dma_semaphore, #tpu.memory_space<semaphore_mem>>) src(%dma_wait3A_69 : memref<8000xi32, #tpu.memory_space<hbm>>) dst(%arg11 : memref<8000xi32, #tpu.memory_space<vmem>>)
      %parallel_loop3A_70 = arith.constant 0 : i32
      %parallel_loop3A_71 = arith.constant 500 : i32
      %parallel_loop3A_72 = arith.constant 1 : i32
      scf.for %parallel_loop3A_74 = %parallel_loop3A_70 to %parallel_loop3A_71 step %parallel_loop3A_72  : i32 {
        %parallel_loop3A_75 = arith.constant 16 : i32
        %parallel_loop3A_76 = arith.muli %parallel_loop3A_74, %parallel_loop3A_75 : i32
        %parallel_loop3A_77 = arith.index_cast %parallel_loop3A_76 : i32 to index
        %parallel_loop3A_78 = tpu.vector_load %arg9[%parallel_loop3A_77] {strides = array<i32>} : memref<8000xi32, #tpu.memory_space<vmem>>, vector<16xi32>,
        %parallel_loop3A_79 = arith.constant 16 : i32
        %parallel_loop3A_80 = arith.muli %parallel_loop3A_74, %parallel_loop3A_79 : i32
        %parallel_loop3A_81 = arith.index_cast %parallel_loop3A_80 : i32 to index
        %parallel_loop3A_82 = tpu.vector_load %arg11[%parallel_loop3A_81] {strides = array<i32>} : memref<8000xi32, #tpu.memory_space<vmem>>, vector<16xi32>,
        %parallel_loop3A_83 = arith.constant 0 : i32
        %parallel_loop3A_84 = vector.broadcast %parallel_loop3A_83 : i32 to vector<16xi32>
        %parallel_loop3A_85 = tpu.vector_load_idx %arg6[%parallel_loop3A_84, %parallel_loop3A_78] : memref<4x10240xf32, #tpu.memory_space<vmem>>[vector<16xi32>, vector<16xi32>], vector<16xf32>,
        tpu.vector_store_idx %arg7[%parallel_loop3A_84, %parallel_loop3A_82], %parallel_loop3A_85 {add = true} : memref<4x10240xf32, #tpu.memory_space<vmem>>[vector<16xi32>, vector<16xi32>], vector<16xf32>,
        %parallel_loop3A_86 = arith.constant 1 : i32
        %parallel_loop3A_87 = vector.broadcast %parallel_loop3A_86 : i32 to vector<16xi32>
        %parallel_loop3A_88 = tpu.vector_load_idx %arg6[%parallel_loop3A_87, %parallel_loop3A_78] : memref<4x10240xf32, #tpu.memory_space<vmem>>[vector<16xi32>, vector<16xi32>], vector<16xf32>,
        tpu.vector_store_idx %arg7[%parallel_loop3A_87, %parallel_loop3A_82], %parallel_loop3A_88 {add = true} : memref<4x10240xf32, #tpu.memory_space<vmem>>[vector<16xi32>, vector<16xi32>], vector<16xf32>,
        %parallel_loop3A_89 = arith.constant 2 : i32
        %parallel_loop3A_90 = vector.broadcast %parallel_loop3A_89 : i32 to vector<16xi32>
        %parallel_loop3A_91 = tpu.vector_load_idx %arg6[%parallel_loop3A_90, %parallel_loop3A_78] : memref<4x10240xf32, #tpu.memory_space<vmem>>[vector<16xi32>, vector<16xi32>], vector<16xf32>,
        tpu.vector_store_idx %arg7[%parallel_loop3A_90, %parallel_loop3A_82], %parallel_loop3A_91 {add = true} : memref<4x10240xf32, #tpu.memory_space<vmem>>[vector<16xi32>, vector<16xi32>], vector<16xf32>,
        %parallel_loop3A_92 = arith.constant 3 : i32
        %parallel_loop3A_93 = vector.broadcast %parallel_loop3A_92 : i32 to vector<16xi32>
        %parallel_loop3A_94 = tpu.vector_load_idx %arg6[%parallel_loop3A_93, %parallel_loop3A_78] : memref<4x10240xf32, #tpu.memory_space<vmem>>[vector<16xi32>, vector<16xi32>], vector<16xf32>,
        tpu.vector_store_idx %arg7[%parallel_loop3A_93, %parallel_loop3A_82], %parallel_loop3A_94 {add = true} : memref<4x10240xf32, #tpu.memory_space<vmem>>[vector<16xi32>, vector<16xi32>], vector<16xf32>,
      } {sc.loop_unroll_factor = 4 : i64, sc.parallel_access}
      %scan3A_73 = arith.constant 0 : i32
      scf.yield %scan3A_73 : i32
    }
    %scan3A_17 = arith.constant 10 : i32
    "tpu.region"() ({
      %run_scoped3A = tpu.sem_alloc : memref<!tpu.dma_semaphore, #tpu.memory_space<semaphore_mem>>
      %dma_start3A_37 = arith.constant 0 : i32
      %dma_start3A_38 = tpu.memref_slice %arg5[%add3A_4, %dma_start3A_37] : memref<256x10240xf32, #tpu.memory_space<hbm>> -> memref<4x10240xf32, #tpu.memory_space<hbm>>
      %dma_start3A_39 = arith.constant 0 : i32
      %dma_start3A_40 = tpu.memref_slice %arg5[%add3A_4, %dma_start3A_39] : memref<256x10240xf32, #tpu.memory_space<hbm>> -> memref<4x10240xf32, #tpu.memory_space<hbm>>
      tpu.enqueue_dma source(%arg7 : memref<4x10240xf32, #tpu.memory_space<vmem>>) target(%dma_start3A_40 : memref<4x10240xf32, #tpu.memory_space<hbm>>) target_semaphore(%run_scoped3A : memref<!tpu.dma_semaphore, #tpu.memory_space<semaphore_mem>>)
      %dma_wait3A = arith.constant 0 : i32
      %dma_wait3A_41 = tpu.memref_slice %arg5[%add3A_4, %dma_wait3A] : memref<256x10240xf32, #tpu.memory_space<hbm>> -> memref<4x10240xf32, #tpu.memory_space<hbm>>
      %dma_wait3A_42 = arith.constant 0 : i32
      %dma_wait3A_43 = tpu.memref_slice %arg5[%add3A_4, %dma_wait3A_42] : memref<256x10240xf32, #tpu.memory_space<hbm>> -> memref<4x10240xf32, #tpu.memory_space<hbm>>
      tpu.wait_dma2 semaphore(%run_scoped3A : memref<!tpu.dma_semaphore, #tpu.memory_space<semaphore_mem>>) src(%arg7 : memref<4x10240xf32, #tpu.memory_space<vmem>>) dst(%dma_wait3A_43 : memref<4x10240xf32, #tpu.memory_space<hbm>>)
      tpu.yield
    }) : () -> ()
    %mul3A_18 = arith.constant 8 : i32
    %mul3A_19 = arith.muli %add3A, %mul3A_18 : i32
    %add3A_20 = arith.constant 4 : i32
    %add3A_21 = arith.addi %mul3A_19, %add3A_20 : i32
    %dma_start3A_22 = arith.constant 0 : i32
    %dma_start3A_23 = tpu.memref_slice %arg3[%dma_start3A_22] : memref<160000xi32, #tpu.memory_space<hbm>> -> memref<8000xi32, #tpu.memory_space<hbm>>
    %dma_start3A_24 = arith.constant 0 : i32
    %dma_start3A_25 = tpu.memref_slice %arg3[%dma_start3A_24] : memref<160000xi32, #tpu.memory_space<hbm>> -> memref<8000xi32, #tpu.memory_space<hbm>>
    tpu.enqueue_dma source(%dma_start3A_25 : memref<8000xi32, #tpu.memory_space<hbm>>) target(%arg8 : memref<8000xi32, #tpu.memory_space<vmem>>) target_semaphore(%arg12 : memref<!tpu.dma_semaphore, #tpu.memory_space<semaphore_mem>>)
    %dma_start3A_26 = arith.constant 0 : i32
    %dma_start3A_27 = tpu.memref_slice %arg4[%dma_start3A_26] : memref<160000xi32, #tpu.memory_space<hbm>> -> memref<8000xi32, #tpu.memory_space<hbm>>
    %dma_start3A_28 = arith.constant 0 : i32
    %dma_start3A_29 = tpu.memref_slice %arg4[%dma_start3A_28] : memref<160000xi32, #tpu.memory_space<hbm>> -> memref<8000xi32, #tpu.memory_space<hbm>>
    tpu.enqueue_dma source(%dma_start3A_29 : memref<8000xi32, #tpu.memory_space<hbm>>) target(%arg10 : memref<8000xi32, #tpu.memory_space<vmem>>) target_semaphore(%arg12 : memref<!tpu.dma_semaphore, #tpu.memory_space<semaphore_mem>>)
    "tpu.region"() ({
      %run_scoped3A = tpu.sem_alloc : memref<!tpu.dma_semaphore, #tpu.memory_space<semaphore_mem>>
      %dma_start3A_37 = arith.constant 0 : i32
      %dma_start3A_38 = tpu.memref_slice %arg2[%add3A_21, %dma_start3A_37] : memref<256x10240xf32, #tpu.memory_space<hbm>> -> memref<4x10240xf32, #tpu.memory_space<hbm>>
      %dma_start3A_39 = arith.constant 0 : i32
      %dma_start3A_40 = tpu.memref_slice %arg2[%add3A_21, %dma_start3A_39] : memref<256x10240xf32, #tpu.memory_space<hbm>> -> memref<4x10240xf32, #tpu.memory_space<hbm>>
      tpu.enqueue_dma source(%dma_start3A_40 : memref<4x10240xf32, #tpu.memory_space<hbm>>) target(%arg6 : memref<4x10240xf32, #tpu.memory_space<vmem>>) target_semaphore(%run_scoped3A : memref<!tpu.dma_semaphore, #tpu.memory_space<semaphore_mem>>)
      %dma_wait3A = arith.constant 0 : i32
      %dma_wait3A_41 = tpu.memref_slice %arg2[%add3A_21, %dma_wait3A] : memref<256x10240xf32, #tpu.memory_space<hbm>> -> memref<4x10240xf32, #tpu.memory_space<hbm>>
      %dma_wait3A_42 = arith.constant 0 : i32
      %dma_wait3A_43 = tpu.memref_slice %arg2[%add3A_21, %dma_wait3A_42] : memref<256x10240xf32, #tpu.memory_space<hbm>> -> memref<4x10240xf32, #tpu.memory_space<hbm>>
      tpu.wait_dma2 semaphore(%run_scoped3A : memref<!tpu.dma_semaphore, #tpu.memory_space<semaphore_mem>>) src(%dma_wait3A_43 : memref<4x10240xf32, #tpu.memory_space<hbm>>) dst(%arg6 : memref<4x10240xf32, #tpu.memory_space<vmem>>)
      tpu.yield
    }) : () -> ()
    "tpu.region"() ({
      %run_scoped3A = tpu.sem_alloc : memref<!tpu.dma_semaphore, #tpu.memory_space<semaphore_mem>>
      %dma_start3A_37 = arith.constant 0 : i32
      %dma_start3A_38 = tpu.memref_slice %arg2[%add3A_21, %dma_start3A_37] : memref<256x10240xf32, #tpu.memory_space<hbm>> -> memref<4x10240xf32, #tpu.memory_space<hbm>>
      %dma_start3A_39 = arith.constant 0 : i32
      %dma_start3A_40 = tpu.memref_slice %arg2[%add3A_21, %dma_start3A_39] : memref<256x10240xf32, #tpu.memory_space<hbm>> -> memref<4x10240xf32, #tpu.memory_space<hbm>>
      tpu.enqueue_dma source(%dma_start3A_40 : memref<4x10240xf32, #tpu.memory_space<hbm>>) target(%arg7 : memref<4x10240xf32, #tpu.memory_space<vmem>>) target_semaphore(%run_scoped3A : memref<!tpu.dma_semaphore, #tpu.memory_space<semaphore_mem>>)
      %dma_wait3A = arith.constant 0 : i32
      %dma_wait3A_41 = tpu.memref_slice %arg2[%add3A_21, %dma_wait3A] : memref<256x10240xf32, #tpu.memory_space<hbm>> -> memref<4x10240xf32, #tpu.memory_space<hbm>>
      %dma_wait3A_42 = arith.constant 0 : i32
      %dma_wait3A_43 = tpu.memref_slice %arg2[%add3A_21, %dma_wait3A_42] : memref<256x10240xf32, #tpu.memory_space<hbm>> -> memref<4x10240xf32, #tpu.memory_space<hbm>>
      tpu.wait_dma2 semaphore(%run_scoped3A : memref<!tpu.dma_semaphore, #tpu.memory_space<semaphore_mem>>) src(%dma_wait3A_43 : memref<4x10240xf32, #tpu.memory_space<hbm>>) dst(%arg7 : memref<4x10240xf32, #tpu.memory_space<vmem>>)
      tpu.yield
    }) : () -> ()
    %scan3A_30 = arith.constant 0 : i32
    %scan3A_31 = arith.constant 0 : i32
    %scan3A_32 = arith.constant 10 : i32
    %scan3A_33 = arith.addi %scan3A_31, %scan3A_32 : i32
    %scan3A_34 = arith.constant 1 : i32
    %scan3A_35 = scf.for %scan3A_37 = %scan3A_31 to %scan3A_33 step %scan3A_34 iter_args(%scan3A_38 = %scan3A_30) -> (i32)  : i32 {
      %mul3A_39 = arith.constant 2 : i32
      %mul3A_40 = arith.muli %mul3A_39, %scan3A_37 : i32
      %add3A_41 = arith.constant 1 : i32
      %add3A_42 = arith.addi %mul3A_40, %add3A_41 : i32
      %mul3A_43 = arith.constant 8000 : i32
      %mul3A_44 = arith.muli %add3A_42, %mul3A_43 : i32
      %dma_start3A_45 = tpu.memref_slice %arg3[%mul3A_44] : memref<160000xi32, #tpu.memory_space<hbm>> -> memref<8000xi32, #tpu.memory_space<hbm>>
      %dma_start3A_46 = tpu.memref_slice %arg3[%mul3A_44] : memref<160000xi32, #tpu.memory_space<hbm>> -> memref<8000xi32, #tpu.memory_space<hbm>>
      tpu.enqueue_dma source(%dma_start3A_46 : memref<8000xi32, #tpu.memory_space<hbm>>) target(%arg9 : memref<8000xi32, #tpu.memory_space<vmem>>) target_semaphore(%arg13 : memref<!tpu.dma_semaphore, #tpu.memory_space<semaphore_mem>>)
      %mul3A_47 = arith.constant 8000 : i32
      %mul3A_48 = arith.muli %add3A_42, %mul3A_47 : i32
      %dma_start3A_49 = tpu.memref_slice %arg4[%mul3A_48] : memref<160000xi32, #tpu.memory_space<hbm>> -> memref<8000xi32, #tpu.memory_space<hbm>>
      %dma_start3A_50 = tpu.memref_slice %arg4[%mul3A_48] : memref<160000xi32, #tpu.memory_space<hbm>> -> memref<8000xi32, #tpu.memory_space<hbm>>
      tpu.enqueue_dma source(%dma_start3A_50 : memref<8000xi32, #tpu.memory_space<hbm>>) target(%arg11 : memref<8000xi32, #tpu.memory_space<vmem>>) target_semaphore(%arg13 : memref<!tpu.dma_semaphore, #tpu.memory_space<semaphore_mem>>)
      %dma_wait3A = arith.constant 0 : i32
      %dma_wait3A_51 = tpu.memref_slice %arg3[%dma_wait3A] : memref<160000xi32, #tpu.memory_space<hbm>> -> memref<8000xi32, #tpu.memory_space<hbm>>
      %dma_wait3A_52 = arith.constant 0 : i32
      %dma_wait3A_53 = tpu.memref_slice %arg3[%dma_wait3A_52] : memref<160000xi32, #tpu.memory_space<hbm>> -> memref<8000xi32, #tpu.memory_space<hbm>>
      tpu.wait_dma2 semaphore(%arg12 : memref<!tpu.dma_semaphore, #tpu.memory_space<semaphore_mem>>) src(%dma_wait3A_53 : memref<8000xi32, #tpu.memory_space<hbm>>) dst(%arg8 : memref<8000xi32, #tpu.memory_space<vmem>>)
      %dma_wait3A_54 = arith.constant 0 : i32
      %dma_wait3A_55 = tpu.memref_slice %arg4[%dma_wait3A_54] : memref<160000xi32, #tpu.memory_space<hbm>> -> memref<8000xi32, #tpu.memory_space<hbm>>
      %dma_wait3A_56 = arith.constant 0 : i32
      %dma_wait3A_57 = tpu.memref_slice %arg4[%dma_wait3A_56] : memref<160000xi32, #tpu.memory_space<hbm>> -> memref<8000xi32, #tpu.memory_space<hbm>>
      tpu.wait_dma2 semaphore(%arg12 : memref<!tpu.dma_semaphore, #tpu.memory_space<semaphore_mem>>) src(%dma_wait3A_57 : memref<8000xi32, #tpu.memory_space<hbm>>) dst(%arg10 : memref<8000xi32, #tpu.memory_space<vmem>>)
      %parallel_loop3A = arith.constant 0 : i32
      %parallel_loop3A_58 = arith.constant 500 : i32
      %parallel_loop3A_59 = arith.constant 1 : i32
      scf.for %parallel_loop3A_74 = %parallel_loop3A to %parallel_loop3A_58 step %parallel_loop3A_59  : i32 {
        %parallel_loop3A_75 = arith.constant 16 : i32
        %parallel_loop3A_76 = arith.muli %parallel_loop3A_74, %parallel_loop3A_75 : i32
        %parallel_loop3A_77 = arith.index_cast %parallel_loop3A_76 : i32 to index
        %parallel_loop3A_78 = tpu.vector_load %arg8[%parallel_loop3A_77] {strides = array<i32>} : memref<8000xi32, #tpu.memory_space<vmem>>, vector<16xi32>,
        %parallel_loop3A_79 = arith.constant 16 : i32
        %parallel_loop3A_80 = arith.muli %parallel_loop3A_74, %parallel_loop3A_79 : i32
        %parallel_loop3A_81 = arith.index_cast %parallel_loop3A_80 : i32 to index
        %parallel_loop3A_82 = tpu.vector_load %arg10[%parallel_loop3A_81] {strides = array<i32>} : memref<8000xi32, #tpu.memory_space<vmem>>, vector<16xi32>,
        %parallel_loop3A_83 = arith.constant 0 : i32
        %parallel_loop3A_84 = vector.broadcast %parallel_loop3A_83 : i32 to vector<16xi32>
        %parallel_loop3A_85 = tpu.vector_load_idx %arg6[%parallel_loop3A_84, %parallel_loop3A_78] : memref<4x10240xf32, #tpu.memory_space<vmem>>[vector<16xi32>, vector<16xi32>], vector<16xf32>,
        tpu.vector_store_idx %arg7[%parallel_loop3A_84, %parallel_loop3A_82], %parallel_loop3A_85 {add = true} : memref<4x10240xf32, #tpu.memory_space<vmem>>[vector<16xi32>, vector<16xi32>], vector<16xf32>,
        %parallel_loop3A_86 = arith.constant 1 : i32
        %parallel_loop3A_87 = vector.broadcast %parallel_loop3A_86 : i32 to vector<16xi32>
        %parallel_loop3A_88 = tpu.vector_load_idx %arg6[%parallel_loop3A_87, %parallel_loop3A_78] : memref<4x10240xf32, #tpu.memory_space<vmem>>[vector<16xi32>, vector<16xi32>], vector<16xf32>,
        tpu.vector_store_idx %arg7[%parallel_loop3A_87, %parallel_loop3A_82], %parallel_loop3A_88 {add = true} : memref<4x10240xf32, #tpu.memory_space<vmem>>[vector<16xi32>, vector<16xi32>], vector<16xf32>,
        %parallel_loop3A_89 = arith.constant 2 : i32
        %parallel_loop3A_90 = vector.broadcast %parallel_loop3A_89 : i32 to vector<16xi32>
        %parallel_loop3A_91 = tpu.vector_load_idx %arg6[%parallel_loop3A_90, %parallel_loop3A_78] : memref<4x10240xf32, #tpu.memory_space<vmem>>[vector<16xi32>, vector<16xi32>], vector<16xf32>,
        tpu.vector_store_idx %arg7[%parallel_loop3A_90, %parallel_loop3A_82], %parallel_loop3A_91 {add = true} : memref<4x10240xf32, #tpu.memory_space<vmem>>[vector<16xi32>, vector<16xi32>], vector<16xf32>,
        %parallel_loop3A_92 = arith.constant 3 : i32
        %parallel_loop3A_93 = vector.broadcast %parallel_loop3A_92 : i32 to vector<16xi32>
        %parallel_loop3A_94 = tpu.vector_load_idx %arg6[%parallel_loop3A_93, %parallel_loop3A_78] : memref<4x10240xf32, #tpu.memory_space<vmem>>[vector<16xi32>, vector<16xi32>], vector<16xf32>,
        tpu.vector_store_idx %arg7[%parallel_loop3A_93, %parallel_loop3A_82], %parallel_loop3A_94 {add = true} : memref<4x10240xf32, #tpu.memory_space<vmem>>[vector<16xi32>, vector<16xi32>], vector<16xf32>,
      } {sc.loop_unroll_factor = 4 : i64, sc.parallel_access}
      %lt3A = arith.constant 9 : i32
      %lt3A_60 = arith.cmpi slt, %scan3A_37, %lt3A : i32
      %convert_element_type3A = arith.extui %lt3A_60 : i1 to i32
      %cond3A = arith.constant 0 : i32
      %cond3A_61 = arith.cmpi ne, %convert_element_type3A, %cond3A : i32
      scf.if %cond3A_61 {
        %mul3A_74 = arith.constant 2 : i32
        %mul3A_75 = arith.muli %mul3A_74, %scan3A_37 : i32
        %add3A_76 = arith.constant 2 : i32
        %add3A_77 = arith.addi %mul3A_75, %add3A_76 : i32
        %mul3A_78 = arith.constant 8000 : i32
        %mul3A_79 = arith.muli %add3A_77, %mul3A_78 : i32
        %dma_start3A_80 = tpu.memref_slice %arg3[%mul3A_79] : memref<160000xi32, #tpu.memory_space<hbm>> -> memref<8000xi32, #tpu.memory_space<hbm>>
        %dma_start3A_81 = tpu.memref_slice %arg3[%mul3A_79] : memref<160000xi32, #tpu.memory_space<hbm>> -> memref<8000xi32, #tpu.memory_space<hbm>>
        tpu.enqueue_dma source(%dma_start3A_81 : memref<8000xi32, #tpu.memory_space<hbm>>) target(%arg8 : memref<8000xi32, #tpu.memory_space<vmem>>) target_semaphore(%arg12 : memref<!tpu.dma_semaphore, #tpu.memory_space<semaphore_mem>>)
        %mul3A_82 = arith.constant 8000 : i32
        %mul3A_83 = arith.muli %add3A_77, %mul3A_82 : i32
        %dma_start3A_84 = tpu.memref_slice %arg4[%mul3A_83] : memref<160000xi32, #tpu.memory_space<hbm>> -> memref<8000xi32, #tpu.memory_space<hbm>>
        %dma_start3A_85 = tpu.memref_slice %arg4[%mul3A_83] : memref<160000xi32, #tpu.memory_space<hbm>> -> memref<8000xi32, #tpu.memory_space<hbm>>
        tpu.enqueue_dma source(%dma_start3A_85 : memref<8000xi32, #tpu.memory_space<hbm>>) target(%arg10 : memref<8000xi32, #tpu.memory_space<vmem>>) target_semaphore(%arg12 : memref<!tpu.dma_semaphore, #tpu.memory_space<semaphore_mem>>)
      } else {
      }
      %dma_wait3A_62 = arith.constant 0 : i32
      %dma_wait3A_63 = tpu.memref_slice %arg3[%dma_wait3A_62] : memref<160000xi32, #tpu.memory_space<hbm>> -> memref<8000xi32, #tpu.memory_space<hbm>>
      %dma_wait3A_64 = arith.constant 0 : i32
      %dma_wait3A_65 = tpu.memref_slice %arg3[%dma_wait3A_64] : memref<160000xi32, #tpu.memory_space<hbm>> -> memref<8000xi32, #tpu.memory_space<hbm>>
      tpu.wait_dma2 semaphore(%arg13 : memref<!tpu.dma_semaphore, #tpu.memory_space<semaphore_mem>>) src(%dma_wait3A_65 : memref<8000xi32, #tpu.memory_space<hbm>>) dst(%arg9 : memref<8000xi32, #tpu.memory_space<vmem>>)
      %dma_wait3A_66 = arith.constant 0 : i32
      %dma_wait3A_67 = tpu.memref_slice %arg4[%dma_wait3A_66] : memref<160000xi32, #tpu.memory_space<hbm>> -> memref<8000xi32, #tpu.memory_space<hbm>>
      %dma_wait3A_68 = arith.constant 0 : i32
      %dma_wait3A_69 = tpu.memref_slice %arg4[%dma_wait3A_68] : memref<160000xi32, #tpu.memory_space<hbm>> -> memref<8000xi32, #tpu.memory_space<hbm>>
      tpu.wait_dma2 semaphore(%arg13 : memref<!tpu.dma_semaphore, #tpu.memory_space<semaphore_mem>>) src(%dma_wait3A_69 : memref<8000xi32, #tpu.memory_space<hbm>>) dst(%arg11 : memref<8000xi32, #tpu.memory_space<vmem>>)
      %parallel_loop3A_70 = arith.constant 0 : i32
      %parallel_loop3A_71 = arith.constant 500 : i32
      %parallel_loop3A_72 = arith.constant 1 : i32
      scf.for %parallel_loop3A_74 = %parallel_loop3A_70 to %parallel_loop3A_71 step %parallel_loop3A_72  : i32 {
        %parallel_loop3A_75 = arith.constant 16 : i32
        %parallel_loop3A_76 = arith.muli %parallel_loop3A_74, %parallel_loop3A_75 : i32
        %parallel_loop3A_77 = arith.index_cast %parallel_loop3A_76 : i32 to index
        %parallel_loop3A_78 = tpu.vector_load %arg9[%parallel_loop3A_77] {strides = array<i32>} : memref<8000xi32, #tpu.memory_space<vmem>>, vector<16xi32>,
        %parallel_loop3A_79 = arith.constant 16 : i32
        %parallel_loop3A_80 = arith.muli %parallel_loop3A_74, %parallel_loop3A_79 : i32
        %parallel_loop3A_81 = arith.index_cast %parallel_loop3A_80 : i32 to index
        %parallel_loop3A_82 = tpu.vector_load %arg11[%parallel_loop3A_81] {strides = array<i32>} : memref<8000xi32, #tpu.memory_space<vmem>>, vector<16xi32>,
        %parallel_loop3A_83 = arith.constant 0 : i32
        %parallel_loop3A_84 = vector.broadcast %parallel_loop3A_83 : i32 to vector<16xi32>
        %parallel_loop3A_85 = tpu.vector_load_idx %arg6[%parallel_loop3A_84, %parallel_loop3A_78] : memref<4x10240xf32, #tpu.memory_space<vmem>>[vector<16xi32>, vector<16xi32>], vector<16xf32>,
        tpu.vector_store_idx %arg7[%parallel_loop3A_84, %parallel_loop3A_82], %parallel_loop3A_85 {add = true} : memref<4x10240xf32, #tpu.memory_space<vmem>>[vector<16xi32>, vector<16xi32>], vector<16xf32>,
        %parallel_loop3A_86 = arith.constant 1 : i32
        %parallel_loop3A_87 = vector.broadcast %parallel_loop3A_86 : i32 to vector<16xi32>
        %parallel_loop3A_88 = tpu.vector_load_idx %arg6[%parallel_loop3A_87, %parallel_loop3A_78] : memref<4x10240xf32, #tpu.memory_space<vmem>>[vector<16xi32>, vector<16xi32>], vector<16xf32>,
        tpu.vector_store_idx %arg7[%parallel_loop3A_87, %parallel_loop3A_82], %parallel_loop3A_88 {add = true} : memref<4x10240xf32, #tpu.memory_space<vmem>>[vector<16xi32>, vector<16xi32>], vector<16xf32>,
        %parallel_loop3A_89 = arith.constant 2 : i32
        %parallel_loop3A_90 = vector.broadcast %parallel_loop3A_89 : i32 to vector<16xi32>
        %parallel_loop3A_91 = tpu.vector_load_idx %arg6[%parallel_loop3A_90, %parallel_loop3A_78] : memref<4x10240xf32, #tpu.memory_space<vmem>>[vector<16xi32>, vector<16xi32>], vector<16xf32>,
        tpu.vector_store_idx %arg7[%parallel_loop3A_90, %parallel_loop3A_82], %parallel_loop3A_91 {add = true} : memref<4x10240xf32, #tpu.memory_space<vmem>>[vector<16xi32>, vector<16xi32>], vector<16xf32>,
        %parallel_loop3A_92 = arith.constant 3 : i32
        %parallel_loop3A_93 = vector.broadcast %parallel_loop3A_92 : i32 to vector<16xi32>
        %parallel_loop3A_94 = tpu.vector_load_idx %arg6[%parallel_loop3A_93, %parallel_loop3A_78] : memref<4x10240xf32, #tpu.memory_space<vmem>>[vector<16xi32>, vector<16xi32>], vector<16xf32>,
        tpu.vector_store_idx %arg7[%parallel_loop3A_93, %parallel_loop3A_82], %parallel_loop3A_94 {add = true} : memref<4x10240xf32, #tpu.memory_space<vmem>>[vector<16xi32>, vector<16xi32>], vector<16xf32>,
      } {sc.loop_unroll_factor = 4 : i64, sc.parallel_access}
      %scan3A_73 = arith.constant 0 : i32
      scf.yield %scan3A_73 : i32
    }
    %scan3A_36 = arith.constant 10 : i32
    "tpu.region"() ({
      %run_scoped3A = tpu.sem_alloc : memref<!tpu.dma_semaphore, #tpu.memory_space<semaphore_mem>>
      %dma_start3A_37 = arith.constant 0 : i32
      %dma_start3A_38 = tpu.memref_slice %arg5[%add3A_21, %dma_start3A_37] : memref<256x10240xf32, #tpu.memory_space<hbm>> -> memref<4x10240xf32, #tpu.memory_space<hbm>>
      %dma_start3A_39 = arith.constant 0 : i32
      %dma_start3A_40 = tpu.memref_slice %arg5[%add3A_21, %dma_start3A_39] : memref<256x10240xf32, #tpu.memory_space<hbm>> -> memref<4x10240xf32, #tpu.memory_space<hbm>>
      tpu.enqueue_dma source(%arg7 : memref<4x10240xf32, #tpu.memory_space<vmem>>) target(%dma_start3A_40 : memref<4x10240xf32, #tpu.memory_space<hbm>>) target_semaphore(%run_scoped3A : memref<!tpu.dma_semaphore, #tpu.memory_space<semaphore_mem>>)
      %dma_wait3A = arith.constant 0 : i32
      %dma_wait3A_41 = tpu.memref_slice %arg5[%add3A_21, %dma_wait3A] : memref<256x10240xf32, #tpu.memory_space<hbm>> -> memref<4x10240xf32, #tpu.memory_space<hbm>>
      %dma_wait3A_42 = arith.constant 0 : i32
      %dma_wait3A_43 = tpu.memref_slice %arg5[%add3A_21, %dma_wait3A_42] : memref<256x10240xf32, #tpu.memory_space<hbm>> -> memref<4x10240xf32, #tpu.memory_space<hbm>>
      tpu.wait_dma2 semaphore(%run_scoped3A : memref<!tpu.dma_semaphore, #tpu.memory_space<semaphore_mem>>) src(%arg7 : memref<4x10240xf32, #tpu.memory_space<vmem>>) dst(%dma_wait3A_43 : memref<4x10240xf32, #tpu.memory_space<hbm>>)
      tpu.yield
    }) : () -> ()
    return
  }
}

#map = affine_map<(d0, d1) -> (0, 0)>
#map1 = affine_map<(d0, d1) -> (0)>
module attributes {stable_mosaic.version = 14 : i64} {
  func.func @_agg_kernel(%arg0: i32, %arg1: i32, %arg2: memref<256x10240xf32, #tpu.memory_space<hbm>>, %arg3: memref<160000xi32, #tpu.memory_space<hbm>>, %arg4: memref<160000xi32, #tpu.memory_space<hbm>>, %arg5: memref<256x10240xf32, #tpu.memory_space<hbm>>, %arg6: memref<4x10240xf32, #tpu.memory_space<vmem>>, %arg7: memref<4x10240xf32, #tpu.memory_space<vmem>>, %arg8: memref<8000xi32, #tpu.memory_space<vmem>>, %arg9: memref<8000xi32, #tpu.memory_space<vmem>>, %arg10: memref<8000xi32, #tpu.memory_space<vmem>>, %arg11: memref<8000xi32, #tpu.memory_space<vmem>>, %arg12: memref<!tpu.dma_semaphore, #tpu.memory_space<semaphore_mem>>, %arg13: memref<!tpu.dma_semaphore, #tpu.memory_space<semaphore_mem>>) attributes {dimension_semantics = [#tpu.dimension_semantics<core_parallel>, #tpu.dimension_semantics<subcore_parallel>], iteration_bounds = array<i64: 2, 16>, scalar_prefetch = 0 : i64, scratch_operands = 8 : i64, tpu.core_type = #tpu.core_type<sc_vector_subcore>, window_params = [{transform_indices = #map}, {transform_indices = #map1}, {transform_indices = #map1}, {transform_indices = #map}]} {
    %mul3A = arith.constant 16 : i32
    %mul3A_0 = arith.muli %arg0, %mul3A : i32
    %add3A = arith.addi %mul3A_0, %arg1 : i32
    %mul3A_1 = arith.constant 8 : i32
    %mul3A_2 = arith.muli %add3A, %mul3A_1 : i32
    %add3A_3 = arith.constant 0 : i32
    %add3A_4 = arith.addi %mul3A_2, %add3A_3 : i32
    %dma_start3A = arith.constant 0 : i32
    %dma_start3A_5 = tpu.memref_slice %arg3[%dma_start3A] : memref<160000xi32, #tpu.memory_space<hbm>> -> memref<8000xi32, #tpu.memory_space<hbm>>
    %dma_start3A_6 = arith.constant 0 : i32
    %dma_start3A_7 = tpu.memref_slice %arg3[%dma_start3A_6] : memref<160000xi32, #tpu.memory_space<hbm>> -> memref<8000xi32, #tpu.memory_space<hbm>>
    tpu.enqueue_dma source(%dma_start3A_7 : memref<8000xi32, #tpu.memory_space<hbm>>) target(%arg8 : memref<8000xi32, #tpu.memory_space<vmem>>) target_semaphore(%arg12 : memref<!tpu.dma_semaphore, #tpu.memory_space<semaphore_mem>>)
    %dma_start3A_8 = arith.constant 0 : i32
    %dma_start3A_9 = tpu.memref_slice %arg4[%dma_start3A_8] : memref<160000xi32, #tpu.memory_space<hbm>> -> memref<8000xi32, #tpu.memory_space<hbm>>
    %dma_start3A_10 = arith.constant 0 : i32
    %dma_start3A_11 = tpu.memref_slice %arg4[%dma_start3A_10] : memref<160000xi32, #tpu.memory_space<hbm>> -> memref<8000xi32, #tpu.memory_space<hbm>>
    tpu.enqueue_dma source(%dma_start3A_11 : memref<8000xi32, #tpu.memory_space<hbm>>) target(%arg10 : memref<8000xi32, #tpu.memory_space<vmem>>) target_semaphore(%arg12 : memref<!tpu.dma_semaphore, #tpu.memory_space<semaphore_mem>>)
    "tpu.region"() ({
      %run_scoped3A = tpu.sem_alloc : memref<!tpu.dma_semaphore, #tpu.memory_space<semaphore_mem>>
      %dma_start3A_37 = arith.constant 0 : i32
      %dma_start3A_38 = tpu.memref_slice %arg2[%add3A_4, %dma_start3A_37] : memref<256x10240xf32, #tpu.memory_space<hbm>> -> memref<4x10240xf32, #tpu.memory_space<hbm>>
      %dma_start3A_39 = arith.constant 0 : i32
      %dma_start3A_40 = tpu.memref_slice %arg2[%add3A_4, %dma_start3A_39] : memref<256x10240xf32, #tpu.memory_space<hbm>> -> memref<4x10240xf32, #tpu.memory_space<hbm>>
      tpu.enqueue_dma source(%dma_start3A_40 : memref<4x10240xf32, #tpu.memory_space<hbm>>) target(%arg6 : memref<4x10240xf32, #tpu.memory_space<vmem>>) target_semaphore(%run_scoped3A : memref<!tpu.dma_semaphore, #tpu.memory_space<semaphore_mem>>)
      %dma_wait3A = arith.constant 0 : i32
      %dma_wait3A_41 = tpu.memref_slice %arg2[%add3A_4, %dma_wait3A] : memref<256x10240xf32, #tpu.memory_space<hbm>> -> memref<4x10240xf32, #tpu.memory_space<hbm>>
      %dma_wait3A_42 = arith.constant 0 : i32
      %dma_wait3A_43 = tpu.memref_slice %arg2[%add3A_4, %dma_wait3A_42] : memref<256x10240xf32, #tpu.memory_space<hbm>> -> memref<4x10240xf32, #tpu.memory_space<hbm>>
      tpu.wait_dma2 semaphore(%run_scoped3A : memref<!tpu.dma_semaphore, #tpu.memory_space<semaphore_mem>>) src(%dma_wait3A_43 : memref<4x10240xf32, #tpu.memory_space<hbm>>) dst(%arg6 : memref<4x10240xf32, #tpu.memory_space<vmem>>)
      tpu.yield
    }) : () -> ()
    "tpu.region"() ({
      %run_scoped3A = tpu.sem_alloc : memref<!tpu.dma_semaphore, #tpu.memory_space<semaphore_mem>>
      %dma_start3A_37 = arith.constant 0 : i32
      %dma_start3A_38 = tpu.memref_slice %arg2[%add3A_4, %dma_start3A_37] : memref<256x10240xf32, #tpu.memory_space<hbm>> -> memref<4x10240xf32, #tpu.memory_space<hbm>>
      %dma_start3A_39 = arith.constant 0 : i32
      %dma_start3A_40 = tpu.memref_slice %arg2[%add3A_4, %dma_start3A_39] : memref<256x10240xf32, #tpu.memory_space<hbm>> -> memref<4x10240xf32, #tpu.memory_space<hbm>>
      tpu.enqueue_dma source(%dma_start3A_40 : memref<4x10240xf32, #tpu.memory_space<hbm>>) target(%arg7 : memref<4x10240xf32, #tpu.memory_space<vmem>>) target_semaphore(%run_scoped3A : memref<!tpu.dma_semaphore, #tpu.memory_space<semaphore_mem>>)
      %dma_wait3A = arith.constant 0 : i32
      %dma_wait3A_41 = tpu.memref_slice %arg2[%add3A_4, %dma_wait3A] : memref<256x10240xf32, #tpu.memory_space<hbm>> -> memref<4x10240xf32, #tpu.memory_space<hbm>>
      %dma_wait3A_42 = arith.constant 0 : i32
      %dma_wait3A_43 = tpu.memref_slice %arg2[%add3A_4, %dma_wait3A_42] : memref<256x10240xf32, #tpu.memory_space<hbm>> -> memref<4x10240xf32, #tpu.memory_space<hbm>>
      tpu.wait_dma2 semaphore(%run_scoped3A : memref<!tpu.dma_semaphore, #tpu.memory_space<semaphore_mem>>) src(%dma_wait3A_43 : memref<4x10240xf32, #tpu.memory_space<hbm>>) dst(%arg7 : memref<4x10240xf32, #tpu.memory_space<vmem>>)
      tpu.yield
    }) : () -> ()
    %scan3A = arith.constant 0 : i32
    %scan3A_12 = arith.constant 0 : i32
    %scan3A_13 = arith.constant 10 : i32
    %scan3A_14 = arith.addi %scan3A_12, %scan3A_13 : i32
    %scan3A_15 = arith.constant 1 : i32
    %scan3A_16 = scf.for %scan3A_37 = %scan3A_12 to %scan3A_14 step %scan3A_15 iter_args(%scan3A_38 = %scan3A) -> (i32)  : i32 {
      %mul3A_39 = arith.constant 2 : i32
      %mul3A_40 = arith.muli %mul3A_39, %scan3A_37 : i32
      %add3A_41 = arith.constant 1 : i32
      %add3A_42 = arith.addi %mul3A_40, %add3A_41 : i32
      %mul3A_43 = arith.constant 8000 : i32
      %mul3A_44 = arith.muli %add3A_42, %mul3A_43 : i32
      %dma_start3A_45 = tpu.memref_slice %arg3[%mul3A_44] : memref<160000xi32, #tpu.memory_space<hbm>> -> memref<8000xi32, #tpu.memory_space<hbm>>
      %dma_start3A_46 = tpu.memref_slice %arg3[%mul3A_44] : memref<160000xi32, #tpu.memory_space<hbm>> -> memref<8000xi32, #tpu.memory_space<hbm>>
      tpu.enqueue_dma source(%dma_start3A_46 : memref<8000xi32, #tpu.memory_space<hbm>>) target(%arg9 : memref<8000xi32, #tpu.memory_space<vmem>>) target_semaphore(%arg13 : memref<!tpu.dma_semaphore, #tpu.memory_space<semaphore_mem>>)
      %mul3A_47 = arith.constant 8000 : i32
      %mul3A_48 = arith.muli %add3A_42, %mul3A_47 : i32
      %dma_start3A_49 = tpu.memref_slice %arg4[%mul3A_48] : memref<160000xi32, #tpu.memory_space<hbm>> -> memref<8000xi32, #tpu.memory_space<hbm>>
      %dma_start3A_50 = tpu.memref_slice %arg4[%mul3A_48] : memref<160000xi32, #tpu.memory_space<hbm>> -> memref<8000xi32, #tpu.memory_space<hbm>>
      tpu.enqueue_dma source(%dma_start3A_50 : memref<8000xi32, #tpu.memory_space<hbm>>) target(%arg11 : memref<8000xi32, #tpu.memory_space<vmem>>) target_semaphore(%arg13 : memref<!tpu.dma_semaphore, #tpu.memory_space<semaphore_mem>>)
      %dma_wait3A = arith.constant 0 : i32
      %dma_wait3A_51 = tpu.memref_slice %arg3[%dma_wait3A] : memref<160000xi32, #tpu.memory_space<hbm>> -> memref<8000xi32, #tpu.memory_space<hbm>>
      %dma_wait3A_52 = arith.constant 0 : i32
      %dma_wait3A_53 = tpu.memref_slice %arg3[%dma_wait3A_52] : memref<160000xi32, #tpu.memory_space<hbm>> -> memref<8000xi32, #tpu.memory_space<hbm>>
      tpu.wait_dma2 semaphore(%arg12 : memref<!tpu.dma_semaphore, #tpu.memory_space<semaphore_mem>>) src(%dma_wait3A_53 : memref<8000xi32, #tpu.memory_space<hbm>>) dst(%arg8 : memref<8000xi32, #tpu.memory_space<vmem>>)
      %dma_wait3A_54 = arith.constant 0 : i32
      %dma_wait3A_55 = tpu.memref_slice %arg4[%dma_wait3A_54] : memref<160000xi32, #tpu.memory_space<hbm>> -> memref<8000xi32, #tpu.memory_space<hbm>>
      %dma_wait3A_56 = arith.constant 0 : i32
      %dma_wait3A_57 = tpu.memref_slice %arg4[%dma_wait3A_56] : memref<160000xi32, #tpu.memory_space<hbm>> -> memref<8000xi32, #tpu.memory_space<hbm>>
      tpu.wait_dma2 semaphore(%arg12 : memref<!tpu.dma_semaphore, #tpu.memory_space<semaphore_mem>>) src(%dma_wait3A_57 : memref<8000xi32, #tpu.memory_space<hbm>>) dst(%arg10 : memref<8000xi32, #tpu.memory_space<vmem>>)
      %parallel_loop3A = arith.constant 0 : i32
      %parallel_loop3A_58 = arith.constant 500 : i32
      %parallel_loop3A_59 = arith.constant 1 : i32
      scf.for %parallel_loop3A_74 = %parallel_loop3A to %parallel_loop3A_58 step %parallel_loop3A_59  : i32 {
        %parallel_loop3A_75 = arith.constant 16 : i32
        %parallel_loop3A_76 = arith.muli %parallel_loop3A_74, %parallel_loop3A_75 : i32
        %parallel_loop3A_77 = arith.index_cast %parallel_loop3A_76 : i32 to index
        %parallel_loop3A_78 = tpu.vector_load %arg8[%parallel_loop3A_77] {strides = array<i32>} : memref<8000xi32, #tpu.memory_space<vmem>>, vector<16xi32>,
        %parallel_loop3A_79 = arith.constant 16 : i32
        %parallel_loop3A_80 = arith.muli %parallel_loop3A_74, %parallel_loop3A_79 : i32
        %parallel_loop3A_81 = arith.index_cast %parallel_loop3A_80 : i32 to index
        %parallel_loop3A_82 = tpu.vector_load %arg10[%parallel_loop3A_81] {strides = array<i32>} : memref<8000xi32, #tpu.memory_space<vmem>>, vector<16xi32>,
        %parallel_loop3A_83 = arith.constant 0 : i32
        %parallel_loop3A_84 = vector.broadcast %parallel_loop3A_83 : i32 to vector<16xi32>
        %parallel_loop3A_85 = tpu.vector_load_idx %arg6[%parallel_loop3A_84, %parallel_loop3A_78] : memref<4x10240xf32, #tpu.memory_space<vmem>>[vector<16xi32>, vector<16xi32>], vector<16xf32>,
        tpu.vector_store_idx %arg7[%parallel_loop3A_84, %parallel_loop3A_82], %parallel_loop3A_85 {add = true} : memref<4x10240xf32, #tpu.memory_space<vmem>>[vector<16xi32>, vector<16xi32>], vector<16xf32>,
        %parallel_loop3A_86 = arith.constant 1 : i32
        %parallel_loop3A_87 = vector.broadcast %parallel_loop3A_86 : i32 to vector<16xi32>
        %parallel_loop3A_88 = tpu.vector_load_idx %arg6[%parallel_loop3A_87, %parallel_loop3A_78] : memref<4x10240xf32, #tpu.memory_space<vmem>>[vector<16xi32>, vector<16xi32>], vector<16xf32>,
        tpu.vector_store_idx %arg7[%parallel_loop3A_87, %parallel_loop3A_82], %parallel_loop3A_88 {add = true} : memref<4x10240xf32, #tpu.memory_space<vmem>>[vector<16xi32>, vector<16xi32>], vector<16xf32>,
        %parallel_loop3A_89 = arith.constant 2 : i32
        %parallel_loop3A_90 = vector.broadcast %parallel_loop3A_89 : i32 to vector<16xi32>
        %parallel_loop3A_91 = tpu.vector_load_idx %arg6[%parallel_loop3A_90, %parallel_loop3A_78] : memref<4x10240xf32, #tpu.memory_space<vmem>>[vector<16xi32>, vector<16xi32>], vector<16xf32>,
        tpu.vector_store_idx %arg7[%parallel_loop3A_90, %parallel_loop3A_82], %parallel_loop3A_91 {add = true} : memref<4x10240xf32, #tpu.memory_space<vmem>>[vector<16xi32>, vector<16xi32>], vector<16xf32>,
        %parallel_loop3A_92 = arith.constant 3 : i32
        %parallel_loop3A_93 = vector.broadcast %parallel_loop3A_92 : i32 to vector<16xi32>
        %parallel_loop3A_94 = tpu.vector_load_idx %arg6[%parallel_loop3A_93, %parallel_loop3A_78] : memref<4x10240xf32, #tpu.memory_space<vmem>>[vector<16xi32>, vector<16xi32>], vector<16xf32>,
        tpu.vector_store_idx %arg7[%parallel_loop3A_93, %parallel_loop3A_82], %parallel_loop3A_94 {add = true} : memref<4x10240xf32, #tpu.memory_space<vmem>>[vector<16xi32>, vector<16xi32>], vector<16xf32>,
      } {sc.loop_unroll_factor = 4 : i64, sc.parallel_access}
      %lt3A = arith.constant 9 : i32
      %lt3A_60 = arith.cmpi slt, %scan3A_37, %lt3A : i32
      %convert_element_type3A = arith.extui %lt3A_60 : i1 to i32
      %cond3A = arith.constant 0 : i32
      %cond3A_61 = arith.cmpi ne, %convert_element_type3A, %cond3A : i32
      scf.if %cond3A_61 {
        %mul3A_74 = arith.constant 2 : i32
        %mul3A_75 = arith.muli %mul3A_74, %scan3A_37 : i32
        %add3A_76 = arith.constant 2 : i32
        %add3A_77 = arith.addi %mul3A_75, %add3A_76 : i32
        %mul3A_78 = arith.constant 8000 : i32
        %mul3A_79 = arith.muli %add3A_77, %mul3A_78 : i32
        %dma_start3A_80 = tpu.memref_slice %arg3[%mul3A_79] : memref<160000xi32, #tpu.memory_space<hbm>> -> memref<8000xi32, #tpu.memory_space<hbm>>
        %dma_start3A_81 = tpu.memref_slice %arg3[%mul3A_79] : memref<160000xi32, #tpu.memory_space<hbm>> -> memref<8000xi32, #tpu.memory_space<hbm>>
        tpu.enqueue_dma source(%dma_start3A_81 : memref<8000xi32, #tpu.memory_space<hbm>>) target(%arg8 : memref<8000xi32, #tpu.memory_space<vmem>>) target_semaphore(%arg12 : memref<!tpu.dma_semaphore, #tpu.memory_space<semaphore_mem>>)
        %mul3A_82 = arith.constant 8000 : i32
        %mul3A_83 = arith.muli %add3A_77, %mul3A_82 : i32
        %dma_start3A_84 = tpu.memref_slice %arg4[%mul3A_83] : memref<160000xi32, #tpu.memory_space<hbm>> -> memref<8000xi32, #tpu.memory_space<hbm>>
        %dma_start3A_85 = tpu.memref_slice %arg4[%mul3A_83] : memref<160000xi32, #tpu.memory_space<hbm>> -> memref<8000xi32, #tpu.memory_space<hbm>>
        tpu.enqueue_dma source(%dma_start3A_85 : memref<8000xi32, #tpu.memory_space<hbm>>) target(%arg10 : memref<8000xi32, #tpu.memory_space<vmem>>) target_semaphore(%arg12 : memref<!tpu.dma_semaphore, #tpu.memory_space<semaphore_mem>>)
      } else {
      }
      %dma_wait3A_62 = arith.constant 0 : i32
      %dma_wait3A_63 = tpu.memref_slice %arg3[%dma_wait3A_62] : memref<160000xi32, #tpu.memory_space<hbm>> -> memref<8000xi32, #tpu.memory_space<hbm>>
      %dma_wait3A_64 = arith.constant 0 : i32
      %dma_wait3A_65 = tpu.memref_slice %arg3[%dma_wait3A_64] : memref<160000xi32, #tpu.memory_space<hbm>> -> memref<8000xi32, #tpu.memory_space<hbm>>
      tpu.wait_dma2 semaphore(%arg13 : memref<!tpu.dma_semaphore, #tpu.memory_space<semaphore_mem>>) src(%dma_wait3A_65 : memref<8000xi32, #tpu.memory_space<hbm>>) dst(%arg9 : memref<8000xi32, #tpu.memory_space<vmem>>)
      %dma_wait3A_66 = arith.constant 0 : i32
      %dma_wait3A_67 = tpu.memref_slice %arg4[%dma_wait3A_66] : memref<160000xi32, #tpu.memory_space<hbm>> -> memref<8000xi32, #tpu.memory_space<hbm>>
      %dma_wait3A_68 = arith.constant 0 : i32
      %dma_wait3A_69 = tpu.memref_slice %arg4[%dma_wait3A_68] : memref<160000xi32, #tpu.memory_space<hbm>> -> memref<8000xi32, #tpu.memory_space<hbm>>
      tpu.wait_dma2 semaphore(%arg13 : memref<!tpu.dma_semaphore, #tpu.memory_space<semaphore_mem>>) src(%dma_wait3A_69 : memref<8000xi32, #tpu.memory_space<hbm>>) dst(%arg11 : memref<8000xi32, #tpu.memory_space<vmem>>)
      %parallel_loop3A_70 = arith.constant 0 : i32
      %parallel_loop3A_71 = arith.constant 500 : i32
      %parallel_loop3A_72 = arith.constant 1 : i32
      scf.for %parallel_loop3A_74 = %parallel_loop3A_70 to %parallel_loop3A_71 step %parallel_loop3A_72  : i32 {
        %parallel_loop3A_75 = arith.constant 16 : i32
        %parallel_loop3A_76 = arith.muli %parallel_loop3A_74, %parallel_loop3A_75 : i32
        %parallel_loop3A_77 = arith.index_cast %parallel_loop3A_76 : i32 to index
        %parallel_loop3A_78 = tpu.vector_load %arg9[%parallel_loop3A_77] {strides = array<i32>} : memref<8000xi32, #tpu.memory_space<vmem>>, vector<16xi32>,
        %parallel_loop3A_79 = arith.constant 16 : i32
        %parallel_loop3A_80 = arith.muli %parallel_loop3A_74, %parallel_loop3A_79 : i32
        %parallel_loop3A_81 = arith.index_cast %parallel_loop3A_80 : i32 to index
        %parallel_loop3A_82 = tpu.vector_load %arg11[%parallel_loop3A_81] {strides = array<i32>} : memref<8000xi32, #tpu.memory_space<vmem>>, vector<16xi32>,
        %parallel_loop3A_83 = arith.constant 0 : i32
        %parallel_loop3A_84 = vector.broadcast %parallel_loop3A_83 : i32 to vector<16xi32>
        %parallel_loop3A_85 = tpu.vector_load_idx %arg6[%parallel_loop3A_84, %parallel_loop3A_78] : memref<4x10240xf32, #tpu.memory_space<vmem>>[vector<16xi32>, vector<16xi32>], vector<16xf32>,
        tpu.vector_store_idx %arg7[%parallel_loop3A_84, %parallel_loop3A_82], %parallel_loop3A_85 {add = true} : memref<4x10240xf32, #tpu.memory_space<vmem>>[vector<16xi32>, vector<16xi32>], vector<16xf32>,
        %parallel_loop3A_86 = arith.constant 1 : i32
        %parallel_loop3A_87 = vector.broadcast %parallel_loop3A_86 : i32 to vector<16xi32>
        %parallel_loop3A_88 = tpu.vector_load_idx %arg6[%parallel_loop3A_87, %parallel_loop3A_78] : memref<4x10240xf32, #tpu.memory_space<vmem>>[vector<16xi32>, vector<16xi32>], vector<16xf32>,
        tpu.vector_store_idx %arg7[%parallel_loop3A_87, %parallel_loop3A_82], %parallel_loop3A_88 {add = true} : memref<4x10240xf32, #tpu.memory_space<vmem>>[vector<16xi32>, vector<16xi32>], vector<16xf32>,
        %parallel_loop3A_89 = arith.constant 2 : i32
        %parallel_loop3A_90 = vector.broadcast %parallel_loop3A_89 : i32 to vector<16xi32>
        %parallel_loop3A_91 = tpu.vector_load_idx %arg6[%parallel_loop3A_90, %parallel_loop3A_78] : memref<4x10240xf32, #tpu.memory_space<vmem>>[vector<16xi32>, vector<16xi32>], vector<16xf32>,
        tpu.vector_store_idx %arg7[%parallel_loop3A_90, %parallel_loop3A_82], %parallel_loop3A_91 {add = true} : memref<4x10240xf32, #tpu.memory_space<vmem>>[vector<16xi32>, vector<16xi32>], vector<16xf32>,
        %parallel_loop3A_92 = arith.constant 3 : i32
        %parallel_loop3A_93 = vector.broadcast %parallel_loop3A_92 : i32 to vector<16xi32>
        %parallel_loop3A_94 = tpu.vector_load_idx %arg6[%parallel_loop3A_93, %parallel_loop3A_78] : memref<4x10240xf32, #tpu.memory_space<vmem>>[vector<16xi32>, vector<16xi32>], vector<16xf32>,
        tpu.vector_store_idx %arg7[%parallel_loop3A_93, %parallel_loop3A_82], %parallel_loop3A_94 {add = true} : memref<4x10240xf32, #tpu.memory_space<vmem>>[vector<16xi32>, vector<16xi32>], vector<16xf32>,
      } {sc.loop_unroll_factor = 4 : i64, sc.parallel_access}
      %scan3A_73 = arith.constant 0 : i32
      scf.yield %scan3A_73 : i32
    }
    %scan3A_17 = arith.constant 10 : i32
    "tpu.region"() ({
      %run_scoped3A = tpu.sem_alloc : memref<!tpu.dma_semaphore, #tpu.memory_space<semaphore_mem>>
      %dma_start3A_37 = arith.constant 0 : i32
      %dma_start3A_38 = tpu.memref_slice %arg5[%add3A_4, %dma_start3A_37] : memref<256x10240xf32, #tpu.memory_space<hbm>> -> memref<4x10240xf32, #tpu.memory_space<hbm>>
      %dma_start3A_39 = arith.constant 0 : i32
      %dma_start3A_40 = tpu.memref_slice %arg5[%add3A_4, %dma_start3A_39] : memref<256x10240xf32, #tpu.memory_space<hbm>> -> memref<4x10240xf32, #tpu.memory_space<hbm>>
      tpu.enqueue_dma source(%arg7 : memref<4x10240xf32, #tpu.memory_space<vmem>>) target(%dma_start3A_40 : memref<4x10240xf32, #tpu.memory_space<hbm>>) target_semaphore(%run_scoped3A : memref<!tpu.dma_semaphore, #tpu.memory_space<semaphore_mem>>)
      %dma_wait3A = arith.constant 0 : i32
      %dma_wait3A_41 = tpu.memref_slice %arg5[%add3A_4, %dma_wait3A] : memref<256x10240xf32, #tpu.memory_space<hbm>> -> memref<4x10240xf32, #tpu.memory_space<hbm>>
      %dma_wait3A_42 = arith.constant 0 : i32
      %dma_wait3A_43 = tpu.memref_slice %arg5[%add3A_4, %dma_wait3A_42] : memref<256x10240xf32, #tpu.memory_space<hbm>> -> memref<4x10240xf32, #tpu.memory_space<hbm>>
      tpu.wait_dma2 semaphore(%run_scoped3A : memref<!tpu.dma_semaphore, #tpu.memory_space<semaphore_mem>>) src(%arg7 : memref<4x10240xf32, #tpu.memory_space<vmem>>) dst(%dma_wait3A_43 : memref<4x10240xf32, #tpu.memory_space<hbm>>)
      tpu.yield
    }) : () -> ()
    %mul3A_18 = arith.constant 8 : i32
    %mul3A_19 = arith.muli %add3A, %mul3A_18 : i32
    %add3A_20 = arith.constant 4 : i32
    %add3A_21 = arith.addi %mul3A_19, %add3A_20 : i32
    %dma_start3A_22 = arith.constant 0 : i32
    %dma_start3A_23 = tpu.memref_slice %arg3[%dma_start3A_22] : memref<160000xi32, #tpu.memory_space<hbm>> -> memref<8000xi32, #tpu.memory_space<hbm>>
    %dma_start3A_24 = arith.constant 0 : i32
    %dma_start3A_25 = tpu.memref_slice %arg3[%dma_start3A_24] : memref<160000xi32, #tpu.memory_space<hbm>> -> memref<8000xi32, #tpu.memory_space<hbm>>
    tpu.enqueue_dma source(%dma_start3A_25 : memref<8000xi32, #tpu.memory_space<hbm>>) target(%arg8 : memref<8000xi32, #tpu.memory_space<vmem>>) target_semaphore(%arg12 : memref<!tpu.dma_semaphore, #tpu.memory_space<semaphore_mem>>)
    %dma_start3A_26 = arith.constant 0 : i32
    %dma_start3A_27 = tpu.memref_slice %arg4[%dma_start3A_26] : memref<160000xi32, #tpu.memory_space<hbm>> -> memref<8000xi32, #tpu.memory_space<hbm>>
    %dma_start3A_28 = arith.constant 0 : i32
    %dma_start3A_29 = tpu.memref_slice %arg4[%dma_start3A_28] : memref<160000xi32, #tpu.memory_space<hbm>> -> memref<8000xi32, #tpu.memory_space<hbm>>
    tpu.enqueue_dma source(%dma_start3A_29 : memref<8000xi32, #tpu.memory_space<hbm>>) target(%arg10 : memref<8000xi32, #tpu.memory_space<vmem>>) target_semaphore(%arg12 : memref<!tpu.dma_semaphore, #tpu.memory_space<semaphore_mem>>)
    "tpu.region"() ({
      %run_scoped3A = tpu.sem_alloc : memref<!tpu.dma_semaphore, #tpu.memory_space<semaphore_mem>>
      %dma_start3A_37 = arith.constant 0 : i32
      %dma_start3A_38 = tpu.memref_slice %arg2[%add3A_21, %dma_start3A_37] : memref<256x10240xf32, #tpu.memory_space<hbm>> -> memref<4x10240xf32, #tpu.memory_space<hbm>>
      %dma_start3A_39 = arith.constant 0 : i32
      %dma_start3A_40 = tpu.memref_slice %arg2[%add3A_21, %dma_start3A_39] : memref<256x10240xf32, #tpu.memory_space<hbm>> -> memref<4x10240xf32, #tpu.memory_space<hbm>>
      tpu.enqueue_dma source(%dma_start3A_40 : memref<4x10240xf32, #tpu.memory_space<hbm>>) target(%arg6 : memref<4x10240xf32, #tpu.memory_space<vmem>>) target_semaphore(%run_scoped3A : memref<!tpu.dma_semaphore, #tpu.memory_space<semaphore_mem>>)
      %dma_wait3A = arith.constant 0 : i32
      %dma_wait3A_41 = tpu.memref_slice %arg2[%add3A_21, %dma_wait3A] : memref<256x10240xf32, #tpu.memory_space<hbm>> -> memref<4x10240xf32, #tpu.memory_space<hbm>>
      %dma_wait3A_42 = arith.constant 0 : i32
      %dma_wait3A_43 = tpu.memref_slice %arg2[%add3A_21, %dma_wait3A_42] : memref<256x10240xf32, #tpu.memory_space<hbm>> -> memref<4x10240xf32, #tpu.memory_space<hbm>>
      tpu.wait_dma2 semaphore(%run_scoped3A : memref<!tpu.dma_semaphore, #tpu.memory_space<semaphore_mem>>) src(%dma_wait3A_43 : memref<4x10240xf32, #tpu.memory_space<hbm>>) dst(%arg6 : memref<4x10240xf32, #tpu.memory_space<vmem>>)
      tpu.yield
    }) : () -> ()
    "tpu.region"() ({
      %run_scoped3A = tpu.sem_alloc : memref<!tpu.dma_semaphore, #tpu.memory_space<semaphore_mem>>
      %dma_start3A_37 = arith.constant 0 : i32
      %dma_start3A_38 = tpu.memref_slice %arg2[%add3A_21, %dma_start3A_37] : memref<256x10240xf32, #tpu.memory_space<hbm>> -> memref<4x10240xf32, #tpu.memory_space<hbm>>
      %dma_start3A_39 = arith.constant 0 : i32
      %dma_start3A_40 = tpu.memref_slice %arg2[%add3A_21, %dma_start3A_39] : memref<256x10240xf32, #tpu.memory_space<hbm>> -> memref<4x10240xf32, #tpu.memory_space<hbm>>
      tpu.enqueue_dma source(%dma_start3A_40 : memref<4x10240xf32, #tpu.memory_space<hbm>>) target(%arg7 : memref<4x10240xf32, #tpu.memory_space<vmem>>) target_semaphore(%run_scoped3A : memref<!tpu.dma_semaphore, #tpu.memory_space<semaphore_mem>>)
      %dma_wait3A = arith.constant 0 : i32
      %dma_wait3A_41 = tpu.memref_slice %arg2[%add3A_21, %dma_wait3A] : memref<256x10240xf32, #tpu.memory_space<hbm>> -> memref<4x10240xf32, #tpu.memory_space<hbm>>
      %dma_wait3A_42 = arith.constant 0 : i32
      %dma_wait3A_43 = tpu.memref_slice %arg2[%add3A_21, %dma_wait3A_42] : memref<256x10240xf32, #tpu.memory_space<hbm>> -> memref<4x10240xf32, #tpu.memory_space<hbm>>
      tpu.wait_dma2 semaphore(%run_scoped3A : memref<!tpu.dma_semaphore, #tpu.memory_space<semaphore_mem>>) src(%dma_wait3A_43 : memref<4x10240xf32, #tpu.memory_space<hbm>>) dst(%arg7 : memref<4x10240xf32, #tpu.memory_space<vmem>>)
      tpu.yield
    }) : () -> ()
    %scan3A_30 = arith.constant 0 : i32
    %scan3A_31 = arith.constant 0 : i32
    %scan3A_32 = arith.constant 10 : i32
    %scan3A_33 = arith.addi %scan3A_31, %scan3A_32 : i32
    %scan3A_34 = arith.constant 1 : i32
    %scan3A_35 = scf.for %scan3A_37 = %scan3A_31 to %scan3A_33 step %scan3A_34 iter_args(%scan3A_38 = %scan3A_30) -> (i32)  : i32 {
      %mul3A_39 = arith.constant 2 : i32
      %mul3A_40 = arith.muli %mul3A_39, %scan3A_37 : i32
      %add3A_41 = arith.constant 1 : i32
      %add3A_42 = arith.addi %mul3A_40, %add3A_41 : i32
      %mul3A_43 = arith.constant 8000 : i32
      %mul3A_44 = arith.muli %add3A_42, %mul3A_43 : i32
      %dma_start3A_45 = tpu.memref_slice %arg3[%mul3A_44] : memref<160000xi32, #tpu.memory_space<hbm>> -> memref<8000xi32, #tpu.memory_space<hbm>>
      %dma_start3A_46 = tpu.memref_slice %arg3[%mul3A_44] : memref<160000xi32, #tpu.memory_space<hbm>> -> memref<8000xi32, #tpu.memory_space<hbm>>
      tpu.enqueue_dma source(%dma_start3A_46 : memref<8000xi32, #tpu.memory_space<hbm>>) target(%arg9 : memref<8000xi32, #tpu.memory_space<vmem>>) target_semaphore(%arg13 : memref<!tpu.dma_semaphore, #tpu.memory_space<semaphore_mem>>)
      %mul3A_47 = arith.constant 8000 : i32
      %mul3A_48 = arith.muli %add3A_42, %mul3A_47 : i32
      %dma_start3A_49 = tpu.memref_slice %arg4[%mul3A_48] : memref<160000xi32, #tpu.memory_space<hbm>> -> memref<8000xi32, #tpu.memory_space<hbm>>
      %dma_start3A_50 = tpu.memref_slice %arg4[%mul3A_48] : memref<160000xi32, #tpu.memory_space<hbm>> -> memref<8000xi32, #tpu.memory_space<hbm>>
      tpu.enqueue_dma source(%dma_start3A_50 : memref<8000xi32, #tpu.memory_space<hbm>>) target(%arg11 : memref<8000xi32, #tpu.memory_space<vmem>>) target_semaphore(%arg13 : memref<!tpu.dma_semaphore, #tpu.memory_space<semaphore_mem>>)
      %dma_wait3A = arith.constant 0 : i32
      %dma_wait3A_51 = tpu.memref_slice %arg3[%dma_wait3A] : memref<160000xi32, #tpu.memory_space<hbm>> -> memref<8000xi32, #tpu.memory_space<hbm>>
      %dma_wait3A_52 = arith.constant 0 : i32
      %dma_wait3A_53 = tpu.memref_slice %arg3[%dma_wait3A_52] : memref<160000xi32, #tpu.memory_space<hbm>> -> memref<8000xi32, #tpu.memory_space<hbm>>
      tpu.wait_dma2 semaphore(%arg12 : memref<!tpu.dma_semaphore, #tpu.memory_space<semaphore_mem>>) src(%dma_wait3A_53 : memref<8000xi32, #tpu.memory_space<hbm>>) dst(%arg8 : memref<8000xi32, #tpu.memory_space<vmem>>)
      %dma_wait3A_54 = arith.constant 0 : i32
      %dma_wait3A_55 = tpu.memref_slice %arg4[%dma_wait3A_54] : memref<160000xi32, #tpu.memory_space<hbm>> -> memref<8000xi32, #tpu.memory_space<hbm>>
      %dma_wait3A_56 = arith.constant 0 : i32
      %dma_wait3A_57 = tpu.memref_slice %arg4[%dma_wait3A_56] : memref<160000xi32, #tpu.memory_space<hbm>> -> memref<8000xi32, #tpu.memory_space<hbm>>
      tpu.wait_dma2 semaphore(%arg12 : memref<!tpu.dma_semaphore, #tpu.memory_space<semaphore_mem>>) src(%dma_wait3A_57 : memref<8000xi32, #tpu.memory_space<hbm>>) dst(%arg10 : memref<8000xi32, #tpu.memory_space<vmem>>)
      %parallel_loop3A = arith.constant 0 : i32
      %parallel_loop3A_58 = arith.constant 500 : i32
      %parallel_loop3A_59 = arith.constant 1 : i32
      scf.for %parallel_loop3A_74 = %parallel_loop3A to %parallel_loop3A_58 step %parallel_loop3A_59  : i32 {
        %parallel_loop3A_75 = arith.constant 16 : i32
        %parallel_loop3A_76 = arith.muli %parallel_loop3A_74, %parallel_loop3A_75 : i32
        %parallel_loop3A_77 = arith.index_cast %parallel_loop3A_76 : i32 to index
        %parallel_loop3A_78 = tpu.vector_load %arg8[%parallel_loop3A_77] {strides = array<i32>} : memref<8000xi32, #tpu.memory_space<vmem>>, vector<16xi32>,
        %parallel_loop3A_79 = arith.constant 16 : i32
        %parallel_loop3A_80 = arith.muli %parallel_loop3A_74, %parallel_loop3A_79 : i32
        %parallel_loop3A_81 = arith.index_cast %parallel_loop3A_80 : i32 to index
        %parallel_loop3A_82 = tpu.vector_load %arg10[%parallel_loop3A_81] {strides = array<i32>} : memref<8000xi32, #tpu.memory_space<vmem>>, vector<16xi32>,
        %parallel_loop3A_83 = arith.constant 0 : i32
        %parallel_loop3A_84 = vector.broadcast %parallel_loop3A_83 : i32 to vector<16xi32>
        %parallel_loop3A_85 = tpu.vector_load_idx %arg6[%parallel_loop3A_84, %parallel_loop3A_78] : memref<4x10240xf32, #tpu.memory_space<vmem>>[vector<16xi32>, vector<16xi32>], vector<16xf32>,
        tpu.vector_store_idx %arg7[%parallel_loop3A_84, %parallel_loop3A_82], %parallel_loop3A_85 {add = true} : memref<4x10240xf32, #tpu.memory_space<vmem>>[vector<16xi32>, vector<16xi32>], vector<16xf32>,
        %parallel_loop3A_86 = arith.constant 1 : i32
        %parallel_loop3A_87 = vector.broadcast %parallel_loop3A_86 : i32 to vector<16xi32>
        %parallel_loop3A_88 = tpu.vector_load_idx %arg6[%parallel_loop3A_87, %parallel_loop3A_78] : memref<4x10240xf32, #tpu.memory_space<vmem>>[vector<16xi32>, vector<16xi32>], vector<16xf32>,
        tpu.vector_store_idx %arg7[%parallel_loop3A_87, %parallel_loop3A_82], %parallel_loop3A_88 {add = true} : memref<4x10240xf32, #tpu.memory_space<vmem>>[vector<16xi32>, vector<16xi32>], vector<16xf32>,
        %parallel_loop3A_89 = arith.constant 2 : i32
        %parallel_loop3A_90 = vector.broadcast %parallel_loop3A_89 : i32 to vector<16xi32>
        %parallel_loop3A_91 = tpu.vector_load_idx %arg6[%parallel_loop3A_90, %parallel_loop3A_78] : memref<4x10240xf32, #tpu.memory_space<vmem>>[vector<16xi32>, vector<16xi32>], vector<16xf32>,
        tpu.vector_store_idx %arg7[%parallel_loop3A_90, %parallel_loop3A_82], %parallel_loop3A_91 {add = true} : memref<4x10240xf32, #tpu.memory_space<vmem>>[vector<16xi32>, vector<16xi32>], vector<16xf32>,
        %parallel_loop3A_92 = arith.constant 3 : i32
        %parallel_loop3A_93 = vector.broadcast %parallel_loop3A_92 : i32 to vector<16xi32>
        %parallel_loop3A_94 = tpu.vector_load_idx %arg6[%parallel_loop3A_93, %parallel_loop3A_78] : memref<4x10240xf32, #tpu.memory_space<vmem>>[vector<16xi32>, vector<16xi32>], vector<16xf32>,
        tpu.vector_store_idx %arg7[%parallel_loop3A_93, %parallel_loop3A_82], %parallel_loop3A_94 {add = true} : memref<4x10240xf32, #tpu.memory_space<vmem>>[vector<16xi32>, vector<16xi32>], vector<16xf32>,
      } {sc.loop_unroll_factor = 4 : i64, sc.parallel_access}
      %lt3A = arith.constant 9 : i32
      %lt3A_60 = arith.cmpi slt, %scan3A_37, %lt3A : i32
      %convert_element_type3A = arith.extui %lt3A_60 : i1 to i32
      %cond3A = arith.constant 0 : i32
      %cond3A_61 = arith.cmpi ne, %convert_element_type3A, %cond3A : i32
      scf.if %cond3A_61 {
        %mul3A_74 = arith.constant 2 : i32
        %mul3A_75 = arith.muli %mul3A_74, %scan3A_37 : i32
        %add3A_76 = arith.constant 2 : i32
        %add3A_77 = arith.addi %mul3A_75, %add3A_76 : i32
        %mul3A_78 = arith.constant 8000 : i32
        %mul3A_79 = arith.muli %add3A_77, %mul3A_78 : i32
        %dma_start3A_80 = tpu.memref_slice %arg3[%mul3A_79] : memref<160000xi32, #tpu.memory_space<hbm>> -> memref<8000xi32, #tpu.memory_space<hbm>>
        %dma_start3A_81 = tpu.memref_slice %arg3[%mul3A_79] : memref<160000xi32, #tpu.memory_space<hbm>> -> memref<8000xi32, #tpu.memory_space<hbm>>
        tpu.enqueue_dma source(%dma_start3A_81 : memref<8000xi32, #tpu.memory_space<hbm>>) target(%arg8 : memref<8000xi32, #tpu.memory_space<vmem>>) target_semaphore(%arg12 : memref<!tpu.dma_semaphore, #tpu.memory_space<semaphore_mem>>)
        %mul3A_82 = arith.constant 8000 : i32
        %mul3A_83 = arith.muli %add3A_77, %mul3A_82 : i32
        %dma_start3A_84 = tpu.memref_slice %arg4[%mul3A_83] : memref<160000xi32, #tpu.memory_space<hbm>> -> memref<8000xi32, #tpu.memory_space<hbm>>
        %dma_start3A_85 = tpu.memref_slice %arg4[%mul3A_83] : memref<160000xi32, #tpu.memory_space<hbm>> -> memref<8000xi32, #tpu.memory_space<hbm>>
        tpu.enqueue_dma source(%dma_start3A_85 : memref<8000xi32, #tpu.memory_space<hbm>>) target(%arg10 : memref<8000xi32, #tpu.memory_space<vmem>>) target_semaphore(%arg12 : memref<!tpu.dma_semaphore, #tpu.memory_space<semaphore_mem>>)
      } else {
      }
      %dma_wait3A_62 = arith.constant 0 : i32
      %dma_wait3A_63 = tpu.memref_slice %arg3[%dma_wait3A_62] : memref<160000xi32, #tpu.memory_space<hbm>> -> memref<8000xi32, #tpu.memory_space<hbm>>
      %dma_wait3A_64 = arith.constant 0 : i32
      %dma_wait3A_65 = tpu.memref_slice %arg3[%dma_wait3A_64] : memref<160000xi32, #tpu.memory_space<hbm>> -> memref<8000xi32, #tpu.memory_space<hbm>>
      tpu.wait_dma2 semaphore(%arg13 : memref<!tpu.dma_semaphore, #tpu.memory_space<semaphore_mem>>) src(%dma_wait3A_65 : memref<8000xi32, #tpu.memory_space<hbm>>) dst(%arg9 : memref<8000xi32, #tpu.memory_space<vmem>>)
      %dma_wait3A_66 = arith.constant 0 : i32
      %dma_wait3A_67 = tpu.memref_slice %arg4[%dma_wait3A_66] : memref<160000xi32, #tpu.memory_space<hbm>> -> memref<8000xi32, #tpu.memory_space<hbm>>
      %dma_wait3A_68 = arith.constant 0 : i32
      %dma_wait3A_69 = tpu.memref_slice %arg4[%dma_wait3A_68] : memref<160000xi32, #tpu.memory_space<hbm>> -> memref<8000xi32, #tpu.memory_space<hbm>>
      tpu.wait_dma2 semaphore(%arg13 : memref<!tpu.dma_semaphore, #tpu.memory_space<semaphore_mem>>) src(%dma_wait3A_69 : memref<8000xi32, #tpu.memory_space<hbm>>) dst(%arg11 : memref<8000xi32, #tpu.memory_space<vmem>>)
      %parallel_loop3A_70 = arith.constant 0 : i32
      %parallel_loop3A_71 = arith.constant 500 : i32
      %parallel_loop3A_72 = arith.constant 1 : i32
      scf.for %parallel_loop3A_74 = %parallel_loop3A_70 to %parallel_loop3A_71 step %parallel_loop3A_72  : i32 {
        %parallel_loop3A_75 = arith.constant 16 : i32
        %parallel_loop3A_76 = arith.muli %parallel_loop3A_74, %parallel_loop3A_75 : i32
        %parallel_loop3A_77 = arith.index_cast %parallel_loop3A_76 : i32 to index
        %parallel_loop3A_78 = tpu.vector_load %arg9[%parallel_loop3A_77] {strides = array<i32>} : memref<8000xi32, #tpu.memory_space<vmem>>, vector<16xi32>,
        %parallel_loop3A_79 = arith.constant 16 : i32
        %parallel_loop3A_80 = arith.muli %parallel_loop3A_74, %parallel_loop3A_79 : i32
        %parallel_loop3A_81 = arith.index_cast %parallel_loop3A_80 : i32 to index
        %parallel_loop3A_82 = tpu.vector_load %arg11[%parallel_loop3A_81] {strides = array<i32>} : memref<8000xi32, #tpu.memory_space<vmem>>, vector<16xi32>,
        %parallel_loop3A_83 = arith.constant 0 : i32
        %parallel_loop3A_84 = vector.broadcast %parallel_loop3A_83 : i32 to vector<16xi32>
        %parallel_loop3A_85 = tpu.vector_load_idx %arg6[%parallel_loop3A_84, %parallel_loop3A_78] : memref<4x10240xf32, #tpu.memory_space<vmem>>[vector<16xi32>, vector<16xi32>], vector<16xf32>,
        tpu.vector_store_idx %arg7[%parallel_loop3A_84, %parallel_loop3A_82], %parallel_loop3A_85 {add = true} : memref<4x10240xf32, #tpu.memory_space<vmem>>[vector<16xi32>, vector<16xi32>], vector<16xf32>,
        %parallel_loop3A_86 = arith.constant 1 : i32
        %parallel_loop3A_87 = vector.broadcast %parallel_loop3A_86 : i32 to vector<16xi32>
        %parallel_loop3A_88 = tpu.vector_load_idx %arg6[%parallel_loop3A_87, %parallel_loop3A_78] : memref<4x10240xf32, #tpu.memory_space<vmem>>[vector<16xi32>, vector<16xi32>], vector<16xf32>,
        tpu.vector_store_idx %arg7[%parallel_loop3A_87, %parallel_loop3A_82], %parallel_loop3A_88 {add = true} : memref<4x10240xf32, #tpu.memory_space<vmem>>[vector<16xi32>, vector<16xi32>], vector<16xf32>,
        %parallel_loop3A_89 = arith.constant 2 : i32
        %parallel_loop3A_90 = vector.broadcast %parallel_loop3A_89 : i32 to vector<16xi32>
        %parallel_loop3A_91 = tpu.vector_load_idx %arg6[%parallel_loop3A_90, %parallel_loop3A_78] : memref<4x10240xf32, #tpu.memory_space<vmem>>[vector<16xi32>, vector<16xi32>], vector<16xf32>,
        tpu.vector_store_idx %arg7[%parallel_loop3A_90, %parallel_loop3A_82], %parallel_loop3A_91 {add = true} : memref<4x10240xf32, #tpu.memory_space<vmem>>[vector<16xi32>, vector<16xi32>], vector<16xf32>,
        %parallel_loop3A_92 = arith.constant 3 : i32
        %parallel_loop3A_93 = vector.broadcast %parallel_loop3A_92 : i32 to vector<16xi32>
        %parallel_loop3A_94 = tpu.vector_load_idx %arg6[%parallel_loop3A_93, %parallel_loop3A_78] : memref<4x10240xf32, #tpu.memory_space<vmem>>[vector<16xi32>, vector<16xi32>], vector<16xf32>,
        tpu.vector_store_idx %arg7[%parallel_loop3A_93, %parallel_loop3A_82], %parallel_loop3A_94 {add = true} : memref<4x10240xf32, #tpu.memory_space<vmem>>[vector<16xi32>, vector<16xi32>], vector<16xf32>,
      } {sc.loop_unroll_factor = 4 : i64, sc.parallel_access}
      %scan3A_73 = arith.constant 0 : i32
      scf.yield %scan3A_73 : i32
    }
    %scan3A_36 = arith.constant 10 : i32
    "tpu.region"() ({
      %run_scoped3A = tpu.sem_alloc : memref<!tpu.dma_semaphore, #tpu.memory_space<semaphore_mem>>
      %dma_start3A_37 = arith.constant 0 : i32
      %dma_start3A_38 = tpu.memref_slice %arg5[%add3A_21, %dma_start3A_37] : memref<256x10240xf32, #tpu.memory_space<hbm>> -> memref<4x10240xf32, #tpu.memory_space<hbm>>
      %dma_start3A_39 = arith.constant 0 : i32
      %dma_start3A_40 = tpu.memref_slice %arg5[%add3A_21, %dma_start3A_39] : memref<256x10240xf32, #tpu.memory_space<hbm>> -> memref<4x10240xf32, #tpu.memory_space<hbm>>
      tpu.enqueue_dma source(%arg7 : memref<4x10240xf32, #tpu.memory_space<vmem>>) target(%dma_start3A_40 : memref<4x10240xf32, #tpu.memory_space<hbm>>) target_semaphore(%run_scoped3A : memref<!tpu.dma_semaphore, #tpu.memory_space<semaphore_mem>>)
      %dma_wait3A = arith.constant 0 : i32
      %dma_wait3A_41 = tpu.memref_slice %arg5[%add3A_21, %dma_wait3A] : memref<256x10240xf32, #tpu.memory_space<hbm>> -> memref<4x10240xf32, #tpu.memory_space<hbm>>
      %dma_wait3A_42 = arith.constant 0 : i32
      %dma_wait3A_43 = tpu.memref_slice %arg5[%add3A_21, %dma_wait3A_42] : memref<256x10240xf32, #tpu.memory_space<hbm>> -> memref<4x10240xf32, #tpu.memory_space<hbm>>
      tpu.wait_dma2 semaphore(%run_scoped3A : memref<!tpu.dma_semaphore, #tpu.memory_space<semaphore_mem>>) src(%arg7 : memref<4x10240xf32, #tpu.memory_space<vmem>>) dst(%dma_wait3A_43 : memref<4x10240xf32, #tpu.memory_space<hbm>>)
      tpu.yield
    }) : () -> ()
    return
  }
}

module attributes {stable_mosaic.version = 14 : i64} {
  func.func @_mm1_body(%arg0: i32, %arg1: memref<2560x256xf32, #tpu.memory_space<vmem>>, %arg2: memref<256x256xf32, #tpu.memory_space<vmem>>, %arg3: memref<32x2560xf32, #tpu.memory_space<vmem>>, %arg4: memref<256x2560xf32, #tpu.memory_space<vmem>>) attributes {dimension_semantics = [#tpu.dimension_semantics<arbitrary>], iteration_bounds = array<i64: 4>, scalar_prefetch = 0 : i64, scratch_operands = 0 : i64, tpu.core_type = #tpu.core_type<tc>, window_params = [{transform_indices = @transform_0, window_bounds = array<i64: 2560, 256>}, {pipeline_mode = #tpu.pipeline_mode<synchronous>, transform_indices = @transform_1, window_bounds = array<i64: 256, 256>}, {transform_indices = @transform_2, window_bounds = array<i64: 32, 2560>}, {transform_indices = @transform_3, window_bounds = array<i64: 256, 2560>}]} {
    %get3A = arith.constant 0 : index
    %get3A_0 = arith.constant 0 : index
    %get3A_1 = vector.load %arg3[%get3A, %get3A_0] : memref<32x2560xf32, #tpu.memory_space<vmem>>, vector<32x2560xf32>
    %reduce_sum3A = arith.constant dense<0.000000e+00> : vector<2560xf32>
    %reduce_sum3A_2 = vector.multi_reduction <add>, %get3A_1, %reduce_sum3A [0] : vector<32x2560xf32> to vector<2560xf32>
    %add3A = arith.constant 1.000000e+00 : f32
    %add3A_3 = vector.broadcast %add3A : f32 to vector<2560xf32>
    %add3A_4 = arith.addf %reduce_sum3A_2, %add3A_3 : vector<2560xf32>
    %sqrt3A = math.sqrt %add3A_4 : vector<2560xf32>
    %div3A = arith.constant 1.000000e+00 : f32
    %div3A_5 = vector.broadcast %div3A : f32 to vector<2560xf32>
    %div3A_6 = arith.divf %div3A_5, %sqrt3A : vector<2560xf32>
    %broadcast_in_dim3A = vector.shape_cast %div3A_6 : vector<2560xf32> to vector<1x2560xf32>
    %get3A_7 = arith.constant 0 : index
    %get3A_8 = arith.constant 0 : index
    %get3A_9 = vector.load %arg2[%get3A_7, %get3A_8] : memref<256x256xf32, #tpu.memory_space<vmem>>, vector<256x256xf32>
    %get3A_10 = arith.constant 0 : index
    %get3A_11 = arith.constant 0 : index
    %get3A_12 = vector.load %arg1[%get3A_10, %get3A_11] : memref<2560x256xf32, #tpu.memory_space<vmem>>, vector<2560x256xf32>
    %dot_general3A = arith.constant dense<0.000000e+00> : vector<256x2560xf32>
    %dot_general3A_13 = tpu.matmul %get3A_9, %get3A_12, %dot_general3A {dimension_numbers = #tpu.dot_dimension_numbers<[0], [1], [1], [0], [0, 1, 1, 0], [], []>, transpose_lhs_hint = false} : vector<256x256xf32>, vector<2560x256xf32>, vector<256x2560xf32> -> vector<256x2560xf32>
    %mul3A = vector.broadcast %broadcast_in_dim3A : vector<1x2560xf32> to vector<256x2560xf32>
    %mul3A_14 = arith.mulf %dot_general3A_13, %mul3A : vector<256x2560xf32>
    %swap3A = arith.constant 0 : index
    %swap3A_15 = arith.constant 0 : index
    %swap3A_16 = vector.load %arg4[%swap3A, %swap3A_15] : memref<256x2560xf32, #tpu.memory_space<vmem>>, vector<256x2560xf32>
    tpu.vector_store %arg4[%swap3A, %swap3A_15], %mul3A_14 {strides = array<i32>} : memref<256x2560xf32, #tpu.memory_space<vmem>>, vector<256x2560xf32>,
    return
  }
  func.func @transform_0(%arg0: i32) -> (i32, i32) {
    %c0_i32 = arith.constant 0 : i32
    %c0_i32_0 = arith.constant 0 : i32
    return %arg0, %c0_i32 : i32, i32
  }
  func.func @transform_1(%arg0: i32) -> (i32, i32) {
    %c0_i32 = arith.constant 0 : i32
    %c0_i32_0 = arith.constant 0 : i32
    %c0_i32_1 = arith.constant 0 : i32
    return %c0_i32, %c0_i32_0 : i32, i32
  }
  func.func @transform_2(%arg0: i32) -> (i32, i32) {
    %c0_i32 = arith.constant 0 : i32
    %c0_i32_0 = arith.constant 0 : i32
    return %c0_i32, %arg0 : i32, i32
  }
  func.func @transform_3(%arg0: i32) -> (i32, i32) {
    %c0_i32 = arith.constant 0 : i32
    %c0_i32_0 = arith.constant 0 : i32
    return %c0_i32, %arg0 : i32, i32
  }
}

module attributes {stable_mosaic.version = 14 : i64} {
  func.func @_mid_body(%arg0: i32, %arg1: memref<256x2560xf32, #tpu.memory_space<vmem>>, %arg2: memref<32x2560xf32, #tpu.memory_space<vmem>>, %arg3: memref<256x1xf32, #tpu.memory_space<vmem>>, %arg4: memref<256x256xf32, #tpu.memory_space<vmem>>, %arg5: memref<256x2560xf32, #tpu.memory_space<vmem>>) attributes {dimension_semantics = [#tpu.dimension_semantics<arbitrary>], iteration_bounds = array<i64: 4>, scalar_prefetch = 0 : i64, scratch_operands = 0 : i64, tpu.core_type = #tpu.core_type<tc>, window_params = [{transform_indices = @transform_0, window_bounds = array<i64: 256, 2560>}, {transform_indices = @transform_1, window_bounds = array<i64: 32, 2560>}, {pipeline_mode = #tpu.pipeline_mode<synchronous>, transform_indices = @transform_2, window_bounds = array<i64: 256, 1>}, {pipeline_mode = #tpu.pipeline_mode<synchronous>, transform_indices = @transform_3, window_bounds = array<i64: 256, 256>}, {transform_indices = @transform_4, window_bounds = array<i64: 256, 2560>}]} {
    %get3A = arith.constant 0 : index
    %get3A_0 = arith.constant 0 : index
    %get3A_1 = vector.load %arg2[%get3A, %get3A_0] : memref<32x2560xf32, #tpu.memory_space<vmem>>, vector<32x2560xf32>
    %reduce_sum3A = arith.constant dense<0.000000e+00> : vector<2560xf32>
    %reduce_sum3A_2 = vector.multi_reduction <add>, %get3A_1, %reduce_sum3A [0] : vector<32x2560xf32> to vector<2560xf32>
    %add3A = arith.constant 1.000000e+00 : f32
    %add3A_3 = vector.broadcast %add3A : f32 to vector<2560xf32>
    %add3A_4 = arith.addf %reduce_sum3A_2, %add3A_3 : vector<2560xf32>
    %sqrt3A = math.sqrt %add3A_4 : vector<2560xf32>
    %div3A = arith.constant 1.000000e+00 : f32
    %div3A_5 = vector.broadcast %div3A : f32 to vector<2560xf32>
    %div3A_6 = arith.divf %div3A_5, %sqrt3A : vector<2560xf32>
    %broadcast_in_dim3A = vector.shape_cast %div3A_6 : vector<2560xf32> to vector<1x2560xf32>
    %get3A_7 = arith.constant 0 : index
    %get3A_8 = arith.constant 0 : index
    %get3A_9 = vector.load %arg1[%get3A_7, %get3A_8] : memref<256x2560xf32, #tpu.memory_space<vmem>>, vector<256x2560xf32>
    %mul3A = vector.broadcast %broadcast_in_dim3A : vector<1x2560xf32> to vector<256x2560xf32>
    %mul3A_10 = arith.mulf %get3A_9, %mul3A : vector<256x2560xf32>
    %get3A_11 = arith.constant 0 : index
    %get3A_12 = arith.constant 0 : index
    %get3A_13 = vector.load %arg3[%get3A_11, %get3A_12] : memref<256x1xf32, #tpu.memory_space<vmem>>, vector<256x1xf32>
    %add3A_14 = vector.broadcast %get3A_13 : vector<256x1xf32> to vector<256x2560xf32>
    %add3A_15 = arith.addf %mul3A_10, %add3A_14 : vector<256x2560xf32>
    %max3A = arith.constant 0.000000e+00 : f32
    %max3A_16 = vector.broadcast %max3A : f32 to vector<256x2560xf32>
    %max3A_17 = arith.maximumf %add3A_15, %max3A_16 : vector<256x2560xf32>
    %get3A_18 = arith.constant 0 : index
    %get3A_19 = arith.constant 0 : index
    %get3A_20 = vector.load %arg4[%get3A_18, %get3A_19] : memref<256x256xf32, #tpu.memory_space<vmem>>, vector<256x256xf32>
    %dot_general3A = arith.constant dense<0.000000e+00> : vector<256x2560xf32>
    %dot_general3A_21 = tpu.matmul %get3A_20, %max3A_17, %dot_general3A {dimension_numbers = #tpu.dot_dimension_numbers<[0], [0], [1], [1], [0, 1, 1, 1], [], []>, transpose_lhs_hint = false} : vector<256x256xf32>, vector<256x2560xf32>, vector<256x2560xf32> -> vector<256x2560xf32>
    %mul3A_22 = vector.broadcast %broadcast_in_dim3A : vector<1x2560xf32> to vector<256x2560xf32>
    %mul3A_23 = arith.mulf %dot_general3A_21, %mul3A_22 : vector<256x2560xf32>
    %swap3A = arith.constant 0 : index
    %swap3A_24 = arith.constant 0 : index
    %swap3A_25 = vector.load %arg5[%swap3A, %swap3A_24] : memref<256x2560xf32, #tpu.memory_space<vmem>>, vector<256x2560xf32>
    tpu.vector_store %arg5[%swap3A, %swap3A_24], %mul3A_23 {strides = array<i32>} : memref<256x2560xf32, #tpu.memory_space<vmem>>, vector<256x2560xf32>,
    return
  }
  func.func @transform_0(%arg0: i32) -> (i32, i32) {
    %c0_i32 = arith.constant 0 : i32
    %c0_i32_0 = arith.constant 0 : i32
    return %c0_i32, %arg0 : i32, i32
  }
  func.func @transform_1(%arg0: i32) -> (i32, i32) {
    %c0_i32 = arith.constant 0 : i32
    %c0_i32_0 = arith.constant 0 : i32
    return %c0_i32, %arg0 : i32, i32
  }
  func.func @transform_2(%arg0: i32) -> (i32, i32) {
    %c0_i32 = arith.constant 0 : i32
    %c0_i32_0 = arith.constant 0 : i32
    %c0_i32_1 = arith.constant 0 : i32
    return %c0_i32, %c0_i32_0 : i32, i32
  }
  func.func @transform_3(%arg0: i32) -> (i32, i32) {
    %c0_i32 = arith.constant 0 : i32
    %c0_i32_0 = arith.constant 0 : i32
    %c0_i32_1 = arith.constant 0 : i32
    return %c0_i32, %c0_i32_0 : i32, i32
  }
  func.func @transform_4(%arg0: i32) -> (i32, i32) {
    %c0_i32 = arith.constant 0 : i32
    %c0_i32_0 = arith.constant 0 : i32
    return %c0_i32, %arg0 : i32, i32
  }
}

module attributes {stable_mosaic.version = 14 : i64} {
  func.func @_final_body(%arg0: i32, %arg1: memref<256x2560xf32, #tpu.memory_space<vmem>>, %arg2: memref<32x2560xf32, #tpu.memory_space<vmem>>, %arg3: memref<256x1xf32, #tpu.memory_space<vmem>>, %arg4: memref<2560x256xf32, #tpu.memory_space<vmem>>) attributes {dimension_semantics = [#tpu.dimension_semantics<arbitrary>], iteration_bounds = array<i64: 4>, scalar_prefetch = 0 : i64, scratch_operands = 0 : i64, tpu.core_type = #tpu.core_type<tc>, window_params = [{transform_indices = @transform_0, window_bounds = array<i64: 256, 2560>}, {transform_indices = @transform_1, window_bounds = array<i64: 32, 2560>}, {pipeline_mode = #tpu.pipeline_mode<synchronous>, transform_indices = @transform_2, window_bounds = array<i64: 256, 1>}, {transform_indices = @transform_3, window_bounds = array<i64: 2560, 256>}]} {
    %get3A = arith.constant 0 : index
    %get3A_0 = arith.constant 0 : index
    %get3A_1 = vector.load %arg2[%get3A, %get3A_0] : memref<32x2560xf32, #tpu.memory_space<vmem>>, vector<32x2560xf32>
    %reduce_sum3A = arith.constant dense<0.000000e+00> : vector<2560xf32>
    %reduce_sum3A_2 = vector.multi_reduction <add>, %get3A_1, %reduce_sum3A [0] : vector<32x2560xf32> to vector<2560xf32>
    %add3A = arith.constant 1.000000e+00 : f32
    %add3A_3 = vector.broadcast %add3A : f32 to vector<2560xf32>
    %add3A_4 = arith.addf %reduce_sum3A_2, %add3A_3 : vector<2560xf32>
    %sqrt3A = math.sqrt %add3A_4 : vector<2560xf32>
    %div3A = arith.constant 1.000000e+00 : f32
    %div3A_5 = vector.broadcast %div3A : f32 to vector<2560xf32>
    %div3A_6 = arith.divf %div3A_5, %sqrt3A : vector<2560xf32>
    %broadcast_in_dim3A = vector.shape_cast %div3A_6 : vector<2560xf32> to vector<1x2560xf32>
    %get3A_7 = arith.constant 0 : index
    %get3A_8 = arith.constant 0 : index
    %get3A_9 = vector.load %arg1[%get3A_7, %get3A_8] : memref<256x2560xf32, #tpu.memory_space<vmem>>, vector<256x2560xf32>
    %mul3A = vector.broadcast %broadcast_in_dim3A : vector<1x2560xf32> to vector<256x2560xf32>
    %mul3A_10 = arith.mulf %get3A_9, %mul3A : vector<256x2560xf32>
    %get3A_11 = arith.constant 0 : index
    %get3A_12 = arith.constant 0 : index
    %get3A_13 = vector.load %arg3[%get3A_11, %get3A_12] : memref<256x1xf32, #tpu.memory_space<vmem>>, vector<256x1xf32>
    %add3A_14 = vector.broadcast %get3A_13 : vector<256x1xf32> to vector<256x2560xf32>
    %add3A_15 = arith.addf %mul3A_10, %add3A_14 : vector<256x2560xf32>
    %max3A = arith.constant 0.000000e+00 : f32
    %max3A_16 = vector.broadcast %max3A : f32 to vector<256x2560xf32>
    %max3A_17 = arith.maximumf %add3A_15, %max3A_16 : vector<256x2560xf32>
    %transpose3A = tpu.transpose %max3A_17, [1, 0] : vector<256x2560xf32> -> vector<2560x256xf32>
    %swap3A = arith.constant 0 : index
    %swap3A_18 = arith.constant 0 : index
    %swap3A_19 = vector.load %arg4[%swap3A, %swap3A_18] : memref<2560x256xf32, #tpu.memory_space<vmem>>, vector<2560x256xf32>
    tpu.vector_store %arg4[%swap3A, %swap3A_18], %transpose3A {strides = array<i32>} : memref<2560x256xf32, #tpu.memory_space<vmem>>, vector<2560x256xf32>,
    return
  }
  func.func @transform_0(%arg0: i32) -> (i32, i32) {
    %c0_i32 = arith.constant 0 : i32
    %c0_i32_0 = arith.constant 0 : i32
    return %c0_i32, %arg0 : i32, i32
  }
  func.func @transform_1(%arg0: i32) -> (i32, i32) {
    %c0_i32 = arith.constant 0 : i32
    %c0_i32_0 = arith.constant 0 : i32
    return %c0_i32, %arg0 : i32, i32
  }
  func.func @transform_2(%arg0: i32) -> (i32, i32) {
    %c0_i32 = arith.constant 0 : i32
    %c0_i32_0 = arith.constant 0 : i32
    %c0_i32_1 = arith.constant 0 : i32
    return %c0_i32, %c0_i32_0 : i32, i32
  }
  func.func @transform_3(%arg0: i32) -> (i32, i32) {
    %c0_i32 = arith.constant 0 : i32
    %c0_i32_0 = arith.constant 0 : i32
    return %arg0, %c0_i32 : i32, i32
  }
}

</mosaic_0001>

<sc_bundles>
// kernel: kernel.11.cloned.1.call-start
scs
__scs_entry_jumppad:
0x0: {  	(pc) =	sbr.rel $0x88, $3  }
0x1: {  	(tag) =	ssettag $0x0;
	lr =	simm.s32 $0x1  }
0x2: {  	[smem:$0x3F9B] =	sst lr;
	_ =	strace $0xD0000000  }
0x3: {  	_ = 	snop  }
0x4: {  	_ = 	snop  }
0x5: {  	_ = 	snop  }
0x6: {  	_ = 	snop  }
0x7: {  	_ = 	snop  }
__scs_overlays_trampoline_lowered:
0x8: {  	[smem:$0x3FAA] =	sst s0  }
0x9: {  	[smem:$0x3FAB] =	sst s1  }
0xa: {  	[smem:$0x3FAC] =	sst s2  }
0xb: {  	[smem:$0x3FAD] =	sst s3  }
0xc: {  	[smem:$0x3FAE] =	sst s4  }
0xd: {  	[smem:$0x3FAF] =	sst s5  }
0xe: {  	[smem:$0x3FB0] =	sst s6  }
0xf: {  	[smem:$0x3FB1] =	sst s7  }
0x10: {  	[smem:$0x3FB2] =	sst s8  }
0x11: {  	[smem:$0x3FB3] =	sst s9;
	s0 =	simm.s32 @!p0 $0x0  }
0x12: {  	s1 =	sld [smem:$0x3F99];
	s0 =	simm.s32 @p0 $0x1  }
0x13: {  	[smem:$0x3FB4] =	sst s0;
	s0 =	simm.s32 @!p1 $0x0  }
0x14: {  	s2 =	sld [smem:$0x3F98];
	s0 =	simm.s32 @p1 $0x1  }
0x15: {  	[smem:$0x3FB5] =	sst s0;
	s0 =	simm.s32 @!p2 $0x0  }
0x16: {  	s3 =	sld [smem:$0x3FDB];
	s0 =	simm.s32 @p2 $0x1  }
0x17: {  	s4 =	simm.s32 $0x1BF5;
	[smem:$0x3FB7] =	sst s0  }
0x18: {  	s0 =	sld [smem:$0x3F9A];
	_ =	swait.ge [sflag:s4], $0x0  }
0x19: {  	s7 =	sld [smem:$0x3F9B]  }
0x1a: {  	s8 =	sadd.s32 $0xFFFFE003, lr  }
0x1b: {  	s9 =	sadd.s32 $0xFFFFFEF7, lr;
	s5 =	simm.s32 $0xFFFFFFFF;
	p2 =	slt.u32 s8, $0xFFFFF086  }
0x1c: {  	p1 =	slt.u32 s9, $0xF7A;
	s5 =	simm.s32 @!p2 $0x0  }
0x1d: {  	s5 =	simm.s32 @p1 $0x1;
	p0 =	seq.s32 s7, s2  }
0x1e: {  	s7 =	smul.u32 @!p0 $0xF7A, s2;
	p2 =	seq.s32 @!p0 s5, $0x0  }
0x1f: {  	s9 =	smul.u32 $0xF7A, s1;
	s8 =	simm.s32 @!p0 $0x1BF5;
	p2 =	por !p2, p0  }
0x20: {  	[sflag:s8] =	ssyncset.s32 @!p0 $0xFFFFF086;
	s6 =	sadd.s32 @!p0 s3, s7;
	s7 =	simm.s32 @!p0 $0x108  }
0x21: {  	s3 =	sadd.s32 s3, s9;
	s6 =	sadd.s32 @!p0 $0x88, s6;
	s7 =	simm.s32 @p2 $0x1082  }
0x22: {  	[simem:s7], [sflag:s8] =	dma.local @!p0 [hbm:s6], $0xF7A  }
0x23: {  	s9 =	sor.u32 $0xD0000000, s2;
	s6 =	simm.s32 $0x108;
	_ =	swait.ge @!p0 [sflag:s8], $0x0  }
0x24: {  	s3 =	sadd.s32 $0x88, s3;
	s6 =	simm.s32 @!p1 $0x1082;
	[sflag:s4] =	ssyncset.s32 $0xFFFFF086  }
0x25: {  	[simem:s6], [sflag:s4] =	dma.local [hbm:s3], $0xF7A  }
0x26: {  	[smem:$0x3F9B] =	sst s1;
	(tag) =	ssettag s2;
	_ =	strace s9  }
0x27: {  	s1 =	sld [smem:$0x3FAB]  }
0x28: {  	s2 =	sld [smem:$0x3FAC]  }
0x29: {  	s4 =	sld [smem:$0x3FAE]  }
0x2a: {  	p0 =	seq.s32 s5, $0x0;
	s5 =	sld [smem:$0x3FAF]  }
0x2b: {  	s6 =	sld [smem:$0x3FB0]  }
0x2c: {  	s7 =	sld [smem:$0x3FB1]  }
0x2d: {  	s3 =	simm.s32 $0x108;
	s8 =	sld [smem:$0x3FB2]  }
0x2e: {  	s3 =	simm.s32 @!p0 $0x1082;
	s9 =	sld [smem:$0x3FB3]  }
0x2f: {  	lr =	sadd.s32 s0, s3;
	s0 =	sld [smem:$0x3FAA]  }
0x30: {  	s3 =	sld [smem:$0x3FAD]  }
0x31: {  	[smem:$0x3FB6] =	sst s10  }
0x32: {  	s10 =	sld [smem:$0x3FB4];
	_ =	sdelay $0x3  }
0x33: {  	p0 =	seq.s32 s10, $0x1;
	s10 =	sld [smem:$0x3FB6];
	_ =	sdelay $0x3  }
0x34: {  	[smem:$0x3FB6] =	sst s10  }
0x35: {  	s10 =	sld [smem:$0x3FB5];
	_ =	sdelay $0x3  }
0x36: {  	p1 =	seq.s32 s10, $0x1;
	s10 =	sld [smem:$0x3FB6];
	_ =	sdelay $0x3  }
0x37: {  	[smem:$0x3FB6] =	sst s10  }
0x38: {  	s10 =	sld [smem:$0x3FB7]  }
0x39: {  	_ = 	snop;
	(pc) =	sbr.ind lr, $3  }
0x3a: {  	_ = 	snop  }
0x3b: {  	_ = 	snop  }
0x3c: {  	p2 =	seq.s32 s10, $0x1;
	s10 =	sld [smem:$0x3FB6]  }
0x3d: {  	_ =	shalt  }
0x3e: {  	_ =	shalt  }
0x3f: {  	_ =	shalt  }
0x40: {  	_ =	shalt  }
0x41: {  	_ =	shalt  }
0x42: {  	_ =	shalt  }
0x43: {  	_ =	shalt  }
0x44: {  	_ =	shalt  }
0x45: {  	_ =	shalt  }
0x46: {  	_ =	shalt  }
0x47: {  	_ =	shalt  }
0x48: {  	_ =	shalt  }
0x49: {  	_ =	shalt  }
0x4a: {  	_ =	shalt  }
0x4b: {  	_ =	shalt  }
0x4c: {  	_ =	shalt  }
0x4d: {  	_ =	shalt  }
0x4e: {  	_ =	shalt  }
0x4f: {  	_ =	shalt  }
0x50: {  	_ =	shalt  }
0x51: {  	_ =	shalt  }
0x52: {  	_ =	shalt  }
0x53: {  	_ =	shalt  }
0x54: {  	_ =	shalt  }
0x55: {  	_ =	shalt  }
0x56: {  	_ =	shalt  }
0x57: {  	_ =	shalt  }
0x58: {  	_ =	shalt  }
0x59: {  	_ =	shalt  }
0x5a: {  	_ =	shalt  }
0x5b: {  	_ =	shalt  }
0x5c: {  	_ =	shalt  }
0x5d: {  	_ =	shalt  }
0x5e: {  	_ =	shalt  }
0x5f: {  	_ =	shalt  }
0x60: {  	_ =	shalt  }
0x61: {  	_ =	shalt  }
0x62: {  	_ =	shalt  }
0x63: {  	_ =	shalt  }
0x64: {  	_ =	shalt  }
0x65: {  	_ =	shalt  }
0x66: {  	_ =	shalt  }
0x67: {  	_ =	shalt  }
0x68: {  	_ =	shalt  }
0x69: {  	_ =	shalt  }
0x6a: {  	_ =	shalt  }
0x6b: {  	_ =	shalt  }
0x6c: {  	_ =	shalt  }
0x6d: {  	_ =	shalt  }
0x6e: {  	_ =	shalt  }
0x6f: {  	_ =	shalt  }
0x70: {  	_ =	shalt  }
0x71: {  	_ =	shalt  }
0x72: {  	_ =	shalt  }
0x73: {  	_ =	shalt  }
0x74: {  	_ =	shalt  }
0x75: {  	_ =	shalt  }
0x76: {  	_ =	shalt  }
0x77: {  	_ =	shalt  }
0x78: {  	_ =	shalt  }
0x79: {  	_ =	shalt  }
0x7a: {  	_ =	shalt  }
0x7b: {  	_ =	shalt  }
0x7c: {  	_ =	shalt  }
0x7d: {  	_ =	shalt  }
0x7e: {  	_ =	shalt  }
0x7f: {  	_ =	shalt  }
0x80: {  	_ =	shalt  }
0x81: {  	_ =	shalt  }
0x82: {  	_ =	shalt  }
0x83: {  	_ =	shalt  }
0x84: {  	_ =	shalt  }
0x85: {  	_ =	shalt  }
0x86: {  	_ =	shalt  }
0x87: {  	_ =	shalt  }
.Lfunc_end0:
.L_simem_size_0:
called_computation.1_lowered:
.L_overlay_start_0:
0x88: {  	s2 =	sld [smem:$0x3FD9]  }
0x89: {  	s3 =	sld [smem:$0x3FFE];
	_ =	sdelay $0x1  }
0x8a: {  	s1 =	srdreg.scid  }
0x8b: {  	s0 =	sand.u32 $0x1, s1  }
0x8c: {  	s16 =	sshll.u32 s0, $0xA;
	s2 =	sadd.s32 s3, s2  }
0x8d: {  	s2 =	sadd.s32 s2, s16  }
0x8e: {  	[smem:$0x3FC2] =	sst s2  }
0x8f: {  	_ = 	snop  }
0x90: {  	(tm) =	ssettm $0x1  }
0x91: {  	s17 =	sld [smem:$0x3FFB];
	_ =	sdelay $0x3  }
0x92: {  	_ =	strace s17  }
0x93: {  	s2 =	sld [smem:$0x3FFC];
	_ =	sdelay $0x3  }
0x94: {  	_ =	strace s2  }
0x95: {  	s2 =	sld [smem:$0x3FFD];
	_ =	sdelay $0x3  }
0x96: {  	_ =	strace s2  }
0x97: {  	_ =	strace $0x8FFFFFFF  }
0x98: {  	s18 =	sld [smem:$0x3FDB];
	_ =	sdelay $0x1  }
0x99: {  	s19 =	simm.s32 $_scs_section_size  }
0x9a: {  	s4 =	simm.s32 $_size__tile_overlayer_lowered;
	s5 =	simm.s32 $_tile_overlayer_lowered  }
0x9b: {  	s22 =	simm.s32 $0x1BFF;
	s21 =	sshll.u32 s5, $0x1;
	s2 =	sadd.s32 s19, s18  }
0x9c: {  	s6 =	simm.s32 $0x0;
	s20 =	sshll.u32 s4, $0x1;
	s4 =	sadd.s32 s21, s2  }
0x9d: {  	[timem:s6], [sflag:s22] =	dma.local [hbm:s4], s20  }
0x9e: {  	_ =	swait.ge [sflag:s22], s20  }
0x9f: {  	s3 =	ssub.s32 $0x0, s20;
	[sflag:s22] =	ssyncset.done $0x0  }
0xa0: {  	[sflag:s22] =	ssyncadd.s32 s3;
	_ =	sdelay $0x1  }
0xa1: {  	s23 =	simm.s32 $0x1B8B  }
0xa2: {  	_ =	swait.ge [sflag:s23], $0x1  }
0xa3: {  	[sflag:s23] =	ssyncset.done $0x0  }
0xa4: {  	s25 =	simm.s32 $0x1B8E;
	s24 =	sld [smem:$0x3FFE];
	[sflag:s23] =	ssyncadd.s32 $0xFFFFFFFF  }
0xa5: {  	s26 =	simm.s32 $execute0_lowered;
	[smem:$0x3FD2] =	sst s25  }
0xa6: {  	s4 =	sshll.u32 s26, $0x1;
	_ =	strace $0x80000049;
	[dreg:$0x1] =	wrdreg $0xFFFFFFFF  }
0xa7: {  	s28 =	simm.s32 $_size_execute0_lowered;
	s2 =	sadd.s32 s2, s4;
	[dreg:$0x0] =	wrdreg $0x0  }
0xa8: {  	s4 =	sshll.u32 s28, $0x1;
	[dreg:$0x2] =	wrdreg s2  }
0xa9: {  	[dreg:$0x3] =	wrdreg s4  }
0xaa: {  	[dreg:$0x4] =	wrdreg $0xC0  }
0xab: {  	_ =	task [dreg:s6], $0x5FFFF  }
0xac: {  	[dreg:$0x1] =	wrdreg $0xFFFFFFFF  }
0xad: {  	[dreg:$0x0] =	wrdreg $0x60  }
0xae: {  	[dreg:$0x2] =	wrdreg s24  }
0xaf: {  	[dreg:$0x3] =	wrdreg $0x9  }
0xb0: {  	_ =	task.clear_ibuf [dreg:s6], $0x4FFFF;
	_ =	strace $0x90000049  }
0xb1: {  	s29 =	simm.s32 $0x9;
	_ =	strace $0x8000004B  }
0xb2: {  	_ =	swait.ge [sflag:s29], $0x1  }
0xb3: {  	[sflag:s29] =	ssyncadd.s32 $0xFFFFFFFF  }
0xb4: {  	_ =	strace $0x9000004B  }
0xb5: {  	_ =	sfence  }
0xb6: {  	s30 =	sld [smem:$0x0];
	_ =	sdelay $0x2  }
0xb7: {  	s31 =	sshll.u32 s1, $0xD;
	s1 =	sshrl.u32 s1, $0x2  }
0xb8: {  	s3 =	sand.u32 $0x4000, s31;
	s1 =	sadd.s32 s1, s30  }
0xb9: {  	s0 =	sor.u32 s3, s0;
	s1 =	sshll.u32 s1, $0x11  }
0xba: {  	s0 =	sor.u32 s1, s0  }
0xbb: {  	s0 =	sadd.s32 $0x8F2B, s0  }
0xbc: {  	[sflag:s0] =	ssyncadd.remote.s32 $0x1  }
0xbd: {  	_ =	sfence.sel $0xFFFF  }
0xbe: {  	[dreg:$0x0] =	wrdreg $0xFFFFFFFF;
	(pc) =	sbr.abs _section_cstart, $3  }
0xbf: {  	[dreg:$0x1] =	wrdreg $0xFFFFFFFF  }
0xc0: {  	_ =	task.clear_ibuf [dreg:s6], $0x2FFFF;
	_ =	strace $0x9FFFFFFF  }
0xc1: {  	(tm) =	ssettm $0x7FFFFFFF  }
tec
execute0_lowered:
.L_overlay_start_1:
0x0: {  	(tag) =	ssettag $0x1  }
0x1: {  	s5 =	rddreg [dreg:$0x0];
	s1 =	srdreg.scid  }
0x2: {  	s0 =	rddreg [dreg:$0x1];
	s2 =	simm.s32 $0x0;
	s11 =	simm.s32 $0x17F00  }
0x3: {  	s12 =	simm.s32 $0x200;
	s13 =	simm.s32 $0x400;
	s14 =	simm.s32 $0x3  }
0x4: {  	s15 =	simm.s32 $0xA000;
	s16 =	simm.s32 $0x15F80;
	s17 =	simm.s32 $0x19E80  }
0x5: {  	s18 =	simm.s32 $0x1;
	s19 =	simm.s32 $0x2;
	s4 =	sand.u32 $0x1, s1  }
0x6: {  	s20 =	simm.s32 $0x0;
	s1 =	stileid.u32;
	s3 =	sshll.u32 s4, $0x4  }
0x7: {  	[smem:$0x7FF] =	sst s2;
	s7 =	sadd.s32 $0xB600, s5;
	s6 =	sor.u32 s1, s3  }
0x8: {  	s9 =	sadd.s32 $0x5B600, s5;
	s8 =	ssub.s32 $0x2, s4;
	s6 =	smul.u32 $0x2800, s6  }
0x9: {  	_ =	strace $0x8000004A;
	s4 =	sadd.s32 $0x6600, s5;
	s30 =	sshrl.u32 s8, $0x1  }
0xa: {  	s3 =	sadd.s32 $0x1600, s5;
	s10 =	ssub.s32 s8, s30;
	s31 =	sor.u32 $0x40, s6  }
0xb: {  	s5 =	sadd.s32 s7, s6;
	s6 =	sadd.s32 s9, s6;
	s7 =	sadd.s32 s7, s31  }
0xc: {  	s8 =	sadd.s32 s9, s31;
	s9 =	smax.u32 s10, $0x1;
	s10 =	simm.s32 $0x14000  }
.LBB2_1:
0xd: {  	[tilespmem:s10], [sflag:$0x1] =	stream.linear.gather [hbm4b:s3+s2], $0x1F40, $0x38;
	[tilespmem:$0x1BE00] =	vst v63  }
0xe: {  	_ = 	snop  }
0xf: {  	[tilespmem:s11], [sflag:$0x1] =	stream.linear.gather [hbm4b:s4+s2], $0x1F40, $0x38;
	[tilespmem:$0x1BE00] =	vst v63  }
0x10: {  	_ = 	snop  }
0x11: {  	[tilespmem:s2], [sflag:$0x3] =	stream.strided.gather [hbm4b:s5+s12], $0xA000, s13, s12, $0x38;
	[tilespmem:$0x1BE00] =	vst v63  }
0x12: {  	_ =	swait.ge [sflag:s14], $0xA000  }
0x13: {  	[sflag:s14] =	ssyncset.done $0x0  }
0x14: {  	[sflag:s14] =	ssyncadd.s32 $0xFFFF6000  }
0x15: {  	[tilespmem:s15], [sflag:$0x3] =	stream.strided.gather [hbm4b:s5+s12], $0xA000, s13, s12, $0x38;
	[tilespmem:$0x1BE00] =	vst v63  }
0x16: {  	_ =	swait.ge [sflag:s14], $0xA000  }
0x17: {  	[sflag:s14] =	ssyncset.done $0x0  }
0x18: {  	s21 =	simm.s32 $0x0;
	[sflag:s14] =	ssyncadd.s32 $0xFFFF6000  }
.LBB2_2:
0x19: {  	s22 =	smul.u32 $0x3E80, s21;
	_ =	sdelay $0x1  }
0x1a: {  	s23 =	sshrl.u32 s22, $0x3  }
0x1b: {  	s23 =	sadd.s32 $0x3E8, s23  }
0x1c: {  	s24 =	sadd.s32 s3, s23  }
0x1d: {  	[tilespmem:s16], [sflag:$0x2] =	stream.linear.gather [hbm4b:s24+s2], $0x1F40, $0x38;
	[tilespmem:$0x1BE00] =	vst v63  }
0x1e: {  	s23 =	sadd.s32 s4, s23  }
0x1f: {  	[tilespmem:s17], [sflag:$0x2] =	stream.linear.gather [hbm4b:s23+s2], $0x1F40, $0x38;
	[tilespmem:$0x1BE00] =	vst v63  }
0x20: {  	_ =	swait.ge [sflag:s18], $0x1F40  }
0x21: {  	[sflag:s18] =	ssyncset.done $0x0  }
0x22: {  	[sflag:s18] =	ssyncadd.s32 $0xFFFFE0C0  }
0x23: {  	_ =	swait.ge [sflag:s18], $0x1F40  }
0x24: {  	[sflag:s18] =	ssyncset.done $0x0  }
0x25: {  	s29 =	simm.s32 $0x14020;
	[sflag:s18] =	ssyncadd.s32 $0xFFFFE0C0  }
0x26: {  	v0 =	vld [tilespmem:s29+$0x10]  }
0x27: {  	v1 =	vld [tilespmem:s29+$0xFFFFFFF0]  }
0x28: {  	s30 =	simm.s32 $0x17F20;
	v2 =	vld [tilespmem:s29+$0x0]  }
0x29: {  	v9 =	vld [tilespmem:s30+$0xFFFFFFF0]  }
0x2a: {  	v10 =	vld [tilespmem:s30+$0x0];
	_ =	sdelay $0x1  }
0x2b: {  	v3 =	vld [tilespmem:s29+$0xFFFFFFE0]  }
0x2c: {  	v4 =	vshll.u32 v0, $0x2;
	v5 =	vshll.u32 v1, $0x2  }
0x2d: {  	v6 =	vld [tilespmem:s30+$0x10];
	v0 =	vand.u32 $0x7F, v0;
	v8 =	vshll.u32 v2, $0x2;
	v1 =	vand.u32 $0x7F, v1  }
0x2e: {  	v7 =	vld [tilespmem:s30+$0xFFFFFFE0];
	v2 =	vand.u32 $0x7F, v2;
	v11 =	vshll.u32 v9, $0x2;
	v12 =	vshll.u32 v10, $0x2  }
0x2f: {  	v9 =	vand.u32 $0x7F, v9;
	v4 =	vand.u32 $0xFFFFFE00, v4;
	v5 =	vand.u32 $0xFFFFFE00, v5  }
0x30: {  	v8 =	vand.u32 $0xFFFFFE00, v8;
	v0 =	vor.u32 v0, v4;
	v4 =	vshll.u32 v3, $0x2  }
0x31: {  	v3 =	vand.u32 $0x7F, v3;
	v2 =	vor.u32 v2, v8;
	v4 =	vand.u32 $0xFFFFFE00, v4  }
0x32: {  	s31 =	simm.s32 $0x14060;
	v3 =	vor.u32 v3, v4;
	v4 =	vor.u32 v1, v5;
	v1 =	vshll.u32 v6, $0x2  }
0x33: {  	v50 =	vld [tilespmem:s31+$0xFFFFFFE0];
	v5 =	vshll.u32 v7, $0x2;
	v6 =	vand.u32 $0x7F, v6;
	v1 =	vand.u32 $0xFFFFFE00, v1  }
0x34: {  	v51 =	vld [tilespmem:s31+$0x0];
	v7 =	vand.u32 $0x7F, v7;
	v5 =	vand.u32 $0xFFFFFE00, v5;
	v6 =	vor.u32 v6, v1  }
0x35: {  	s23 =	simm.s32 $0x17F60;
	v1 =	vand.u32 $0xFFFFFE00, v11;
	v11 =	vor.u32 $0x80, v0;
	v5 =	vor.u32 v7, v5;
	v8 =	vld.idx.msk [tilespmem:v0+s2+$0x0], $0xffff  }
0x36: {  	v53 =	vld [tilespmem:s23+$0xFFFFFFF0];
	v7 =	vand.u32 $0xFFFFFE00, v12;
	v9 =	vor.u32 v9, v1;
	v1 =	vand.u32 $0x7F, v10  }
0x37: {  	v10 =	vld.idx.msk [tilespmem:v2+s2+$0x0], $0xffff;
	v1 =	vor.u32 v1, v7  }
0x38: {  	v13 =	vld.idx.msk [tilespmem:v3+s2+$0x0], $0xffff  }
0x39: {  	v44 =	vld.idx.msk [tilespmem:v4+s2+$0x0], $0xffff  }
0x3a: {  	v46 =	vor.u32 $0x80, v2;
	[tilespmem:v6+s15+$0x0] =	vst.idx.add.f32.msk $0xffff, v8  }
0x3b: {  	v7 =	vor.u32 $0x80, v3;
	v8 =	vld.idx.msk [tilespmem:v11+s2+$0x0], $0xffff  }
0x3c: {  	v11 =	vor.u32 $0x80, v6;
	[tilespmem:v1+s15+$0x0] =	vst.idx.add.f32.msk $0xffff, v10  }
0x3d: {  	v45 =	vor.u32 $0x100, v0;
	[tilespmem:v5+s15+$0x0] =	vst.idx.add.f32.msk $0xffff, v13  }
0x3e: {  	v14 =	vor.u32 $0x80, v4;
	[tilespmem:v9+s15+$0x0] =	vst.idx.add.f32.msk $0xffff, v44  }
0x3f: {  	v16 =	vor.u32 $0x80, v1;
	v12 =	vld.idx.msk [tilespmem:v46+s2+$0x0], $0xffff  }
0x40: {  	v10 =	vor.u32 $0x80, v5;
	v7 =	vld.idx.msk [tilespmem:v7+s2+$0x0], $0xffff  }
0x41: {  	v15 =	vor.u32 $0x100, v3;
	[tilespmem:v11+s15+$0x0] =	vst.idx.add.f32.msk $0xffff, v8  }
0x42: {  	v11 =	vor.u32 $0x100, v6;
	v8 =	vld.idx.msk [tilespmem:v45+s2+$0x0], $0xffff  }
0x43: {  	v48 =	vor.u32 $0x80, v9;
	v47 =	vld.idx.msk [tilespmem:v14+s2+$0x0], $0xffff  }
0x44: {  	v0 =	vor.u32 $0x180, v0;
	[tilespmem:v16+s15+$0x0] =	vst.idx.add.f32.msk $0xffff, v12  }
0x45: {  	v49 =	vor.u32 $0x100, v2;
	[tilespmem:v10+s15+$0x0] =	vst.idx.add.f32.msk $0xffff, v7  }
0x46: {  	v7 =	vor.u32 $0x100, v4;
	v10 =	vld.idx.msk [tilespmem:v15+s2+$0x0], $0xffff  }
0x47: {  	[tilespmem:v11+s15+$0x0] =	vst.idx.add.f32.msk $0xffff, v8;
	v8 =	vor.u32 $0x100, v5  }
0x48: {  	[tilespmem:v48+s15+$0x0] =	vst.idx.add.f32.msk $0xffff, v47  }
0x49: {  	v6 =	vor.u32 $0x180, v6;
	v0 =	vld.idx.msk [tilespmem:v0+s2+$0x0], $0xffff  }
0x4a: {  	v11 =	vld.idx.msk [tilespmem:v49+s2+$0x0], $0xffff  }
0x4b: {  	v3 =	vor.u32 $0x180, v3;
	v7 =	vld.idx.msk [tilespmem:v7+s2+$0x0], $0xffff  }
0x4c: {  	[tilespmem:v8+s15+$0x0] =	vst.idx.add.f32.msk $0xffff, v10;
	v8 =	vor.u32 $0x100, v9  }
0x4d: {  	v10 =	vld [tilespmem:s31+$0xFFFFFFF0]  }
0x4e: {  	[tilespmem:v6+s15+$0x0] =	vst.idx.add.f32.msk $0xffff, v0;
	v6 =	vor.u32 $0x100, v1  }
0x4f: {  	v0 =	vld [tilespmem:s31+$0x10]  }
0x50: {  	v4 =	vor.u32 $0x180, v4;
	v3 =	vld.idx.msk [tilespmem:v3+s2+$0x0], $0xffff  }
0x51: {  	[tilespmem:v8+s15+$0x0] =	vst.idx.add.f32.msk $0xffff, v7  }
0x52: {  	v52 =	vshll.u32 v51, $0x2;
	v17 =	vshll.u32 v53, $0x2;
	v8 =	vld [tilespmem:s23+$0x10]  }
0x53: {  	v17 =	vand.u32 $0xFFFFFE00, v17;
	v2 =	vor.u32 $0x180, v2;
	v5 =	vor.u32 $0x180, v5;
	[tilespmem:v6+s15+$0x0] =	vst.idx.add.f32.msk $0xffff, v11  }
0x54: {  	v9 =	vor.u32 $0x180, v9;
	v7 =	vshll.u32 v0, $0x2;
	v6 =	vshll.u32 v10, $0x2;
	v11 =	vld [tilespmem:s23+$0xFFFFFFE0]  }
0x55: {  	v0 =	vand.u32 $0x7F, v0;
	v10 =	vand.u32 $0x7F, v10;
	v4 =	vld.idx.msk [tilespmem:v4+s2+$0x0], $0xffff;
	v7 =	vand.u32 $0xFFFFFE00, v7  }
0x56: {  	v6 =	vand.u32 $0xFFFFFE00, v6;
	v7 =	vor.u32 v0, v7;
	v0 =	vshll.u32 v50, $0x2  }
0x57: {  	v12 =	vand.u32 $0x7F, v50;
	v6 =	vor.u32 v10, v6;
	v0 =	vand.u32 $0xFFFFFE00, v0  }
0x58: {  	v54 =	vld [tilespmem:s23+$0x0];
	v14 =	vand.u32 $0xFFFFFE00, v52;
	v12 =	vor.u32 v12, v0;
	v0 =	vand.u32 $0x7F, v51  }
0x59: {  	v15 =	vand.u32 $0x7F, v53;
	[tilespmem:v5+s15+$0x0] =	vst.idx.add.f32.msk $0xffff, v3;
	v10 =	vshll.u32 v8, $0x2;
	v13 =	vor.u32 v0, v14  }
0x5a: {  	v0 =	vand.u32 $0x7F, v8;
	v8 =	vand.u32 $0xFFFFFE00, v10;
	v55 =	vshll.u32 v11, $0x2;
	[tilespmem:v9+s15+$0x0] =	vst.idx.add.f32.msk $0xffff, v4  }
0x5b: {  	v11 =	vand.u32 $0x7F, v11;
	v8 =	vor.u32 v0, v8;
	v14 =	vand.u32 $0xFFFFFE00, v55;
	v10 =	vld.idx.msk [tilespmem:v7+s2+$0x0], $0xffff  }
0x5c: {  	v15 =	vor.u32 v15, v17;
	v14 =	vor.u32 v11, v14;
	v11 =	vld.idx.msk [tilespmem:v6+s2+$0x0], $0xffff  }
0x5d: {  	v0 =	vld.idx.msk [tilespmem:v2+s2+$0x0], $0xffff;
	v2 =	vor.u32 $0x80, v7  }
0x5e: {  	v19 =	vshll.u32 v54, $0x2;
	v5 =	vor.u32 $0x80, v6;
	v18 =	vld.idx.msk [tilespmem:v12+s2+$0x0], $0xffff  }
0x5f: {  	v19 =	vand.u32 $0xFFFFFE00, v19;
	v16 =	vand.u32 $0x7F, v54;
	v56 =	vld.idx.msk [tilespmem:v13+s2+$0x0], $0xffff  }
0x60: {  	v16 =	vor.u32 v16, v19;
	[tilespmem:v8+s15+$0x0] =	vst.idx.add.f32.msk $0xffff, v10  }
0x61: {  	v10 =	vor.u32 $0x80, v12;
	[tilespmem:v15+s15+$0x0] =	vst.idx.add.f32.msk $0xffff, v11  }
0x62: {  	v57 =	vor.u32 $0x80, v8;
	v2 =	vld.idx.msk [tilespmem:v2+s2+$0x0], $0xffff  }
0x63: {  	v3 =	vor.u32 $0x100, v7;
	v5 =	vld.idx.msk [tilespmem:v5+s2+$0x0], $0xffff  }
0x64: {  	v11 =	vor.u32 $0x80, v13;
	[tilespmem:v14+s15+$0x0] =	vst.idx.add.f32.msk $0xffff, v18  }
0x65: {  	v60 =	vor.u32 $0x80, v15;
	[tilespmem:v16+s15+$0x0] =	vst.idx.add.f32.msk $0xffff, v56  }
0x66: {  	v58 =	vor.u32 $0x80, v14;
	v10 =	vld.idx.msk [tilespmem:v10+s2+$0x0], $0xffff  }
0x67: {  	[tilespmem:v57+s15+$0x0] =	vst.idx.add.f32.msk $0xffff, v2;
	v2 =	vor.u32 $0x100, v12  }
0x68: {  	v59 =	vor.u32 $0x100, v8;
	v3 =	vld.idx.msk [tilespmem:v3+s2+$0x0], $0xffff  }
0x69: {  	v7 =	vor.u32 $0x180, v7;
	v11 =	vld.idx.msk [tilespmem:v11+s2+$0x0], $0xffff  }
0x6a: {  	v4 =	vor.u32 $0x80, v16;
	[tilespmem:v60+s15+$0x0] =	vst.idx.add.f32.msk $0xffff, v5  }
0x6b: {  	v9 =	vor.u32 $0x100, v6;
	[tilespmem:v58+s15+$0x0] =	vst.idx.add.f32.msk $0xffff, v10  }
0x6c: {  	v61 =	vor.u32 $0x100, v13;
	v2 =	vld.idx.msk [tilespmem:v2+s2+$0x0], $0xffff  }
0x6d: {  	v62 =	vor.u32 $0x100, v14;
	[tilespmem:v59+s15+$0x0] =	vst.idx.add.f32.msk $0xffff, v3  }
0x6e: {  	v63 =	vor.u32 $0x180, v8;
	v20 =	vld.idx.msk [tilespmem:v7+s2+$0x0], $0xffff  }
0x6f: {  	[tilespmem:v4+s15+$0x0] =	vst.idx.add.f32.msk $0xffff, v11  }
0x70: {  	v10 =	vld.idx.msk [tilespmem:v9+s2+$0x0], $0xffff  }
0x71: {  	v1 =	vor.u32 $0x180, v1;
	v8 =	vor.u32 $0x100, v16;
	v5 =	vor.u32 $0x180, v6;
	v11 =	vld.idx.msk [tilespmem:v61+s2+$0x0], $0xffff  }
0x72: {  	v6 =	vor.u32 $0x180, v13;
	v9 =	vor.u32 $0x100, v15;
	v4 =	vor.u32 $0x180, v16;
	[tilespmem:v62+s15+$0x0] =	vst.idx.add.f32.msk $0xffff, v2  }
0x73: {  	s25 =	simm.s32 $0x140A0;
	s24 =	simm.s32 $0x4;
	v3 =	vor.u32 $0x180, v14;
	v7 =	vor.u32 $0x180, v12;
	v2 =	vor.u32 $0x180, v15;
	[tilespmem:v63+s15+$0x0] =	vst.idx.add.f32.msk $0xffff, v20  }
.LBB2_3:
0x74: {  	v12 =	vld [tilespmem:s25+$0x10];
	s24 =	sadd.s32 $0x4, s24  }
0x75: {  	v13 =	vld [tilespmem:s25+$0xFFFFFFF0];
	p0 =	slt.u32 s24, $0x1F0  }
0x76: {  	v14 =	vld [tilespmem:s25+$0x0]  }
0x77: {  	v15 =	vld [tilespmem:s25+$0xFFFFFFE0]  }
0x78: {  	[tilespmem:v9+s15+$0x0] =	vst.idx.add.f32.msk $0xffff, v10  }
0x79: {  	s23 =	sadd.s32 $0x40, s23;
	v9 =	vshll.u32 v12, $0x2;
	[tilespmem:v8+s15+$0x0] =	vst.idx.add.f32.msk $0xffff, v11  }
0x7a: {  	v11 =	vand.u32 $0x7F, v12;
	v8 =	vshll.u32 v13, $0x2;
	v10 =	vld [tilespmem:s23+$0x10];
	v9 =	vand.u32 $0xFFFFFE00, v9  }
0x7b: {  	v12 =	vld [tilespmem:s23+$0xFFFFFFE0];
	v8 =	vand.u32 $0xFFFFFE00, v8;
	v16 =	vshll.u32 v14, $0x2;
	v11 =	vor.u32 v11, v9  }
0x7c: {  	v9 =	vand.u32 $0x7F, v15;
	v15 =	vshll.u32 v15, $0x2;
	v17 =	vld [tilespmem:s23+$0xFFFFFFF0];
	v16 =	vand.u32 $0xFFFFFE00, v16  }
0x7d: {  	v13 =	vand.u32 $0x7F, v13;
	v14 =	vand.u32 $0x7F, v14;
	v15 =	vand.u32 $0xFFFFFE00, v15;
	v18 =	vld [tilespmem:s23+$0x0]  }
0x7e: {  	v13 =	vor.u32 v13, v8;
	v14 =	vor.u32 v14, v16;
	v15 =	vor.u32 v9, v15;
	v7 =	vld.idx.msk [tilespmem:v7+s2+$0x0], $0xffff  }
0x7f: {  	v19 =	vor.u32 $0x80, v13;
	v16 =	vor.u32 $0x80, v15;
	v8 =	vshll.u32 v10, $0x2;
	v20 =	vld.idx.msk [tilespmem:v5+s2+$0x0], $0xffff  }
0x80: {  	v10 =	vand.u32 $0x7F, v10;
	v5 =	vshll.u32 v12, $0x2;
	v9 =	vld.idx.msk [tilespmem:v11+s2+$0x0], $0xffff;
	v8 =	vand.u32 $0xFFFFFE00, v8  }
0x81: {  	v5 =	vand.u32 $0xFFFFFE00, v5;
	v21 =	vshll.u32 v17, $0x2;
	v10 =	vor.u32 v10, v8;
	v6 =	vld.idx.msk [tilespmem:v6+s2+$0x0], $0xffff  }
0x82: {  	v22 =	vor.u32 $0x80, v11;
	v8 =	vand.u32 $0xFFFFFE00, v21;
	v21 =	vshll.u32 v18, $0x2;
	[tilespmem:v1+s15+$0x0] =	vst.idx.add.f32.msk $0xffff, v0;
	v1 =	vmovc v4  }
0x83: {  	v0 =	vand.u32 $0x7F, v12;
	v12 =	vand.u32 $0x7F, v17;
	v4 =	vld.idx.msk [tilespmem:v15+s2+$0x0], $0xffff;
	v17 =	vand.u32 $0xFFFFFE00, v21  }
0x84: {  	v21 =	vor.u32 v0, v5;
	v12 =	vor.u32 v12, v8;
	v0 =	vand.u32 $0x7F, v18;
	v23 =	vld.idx.msk [tilespmem:v13+s2+$0x0], $0xffff  }
0x85: {  	v25 =	vor.u32 $0x80, v14;
	v18 =	vor.u32 $0x80, v21;
	v17 =	vor.u32 v0, v17;
	v24 =	vld.idx.msk [tilespmem:v14+s2+$0x0], $0xffff  }
0x86: {  	v26 =	vor.u32 $0x100, v15;
	v27 =	vor.u32 $0x80, v12;
	v28 =	vor.u32 $0x80, v17;
	[tilespmem:v10+s15+$0x0] =	vst.idx.add.f32.msk $0xffff, v9  }
0x87: {  	v30 =	vor.u32 $0x100, v13;
	v31 =	vor.u32 $0x100, v14;
	v29 =	vor.u32 $0x100, v21;
	v0 =	vmovc v6;
	v22 =	vld.idx.msk [tilespmem:v22+s2+$0x0], $0xffff  }
0x88: {  	v32 =	vor.u32 $0x80, v10;
	v8 =	vor.u32 $0x100, v17;
	v9 =	vor.u32 $0x100, v12;
	[tilespmem:v3+s15+$0x0] =	vst.idx.add.f32.msk $0xffff, v7  }
0x89: {  	v5 =	vor.u32 $0x180, v13;
	v13 =	vor.u32 $0x100, v11;
	v7 =	vor.u32 $0x180, v15;
	[tilespmem:v21+s15+$0x0] =	vst.idx.add.f32.msk $0xffff, v4  }
0x8a: {  	v6 =	vor.u32 $0x180, v14;
	v3 =	vor.u32 $0x180, v21;
	[tilespmem:v12+s15+$0x0] =	vst.idx.add.f32.msk $0xffff, v23;
	v12 =	vor.u32 $0x180, v12  }
0x8b: {  	v4 =	vor.u32 $0x180, v17;
	[tilespmem:v17+s15+$0x0] =	vst.idx.add.f32.msk $0xffff, v24  }
0x8c: {  	v14 =	vld.idx.msk [tilespmem:v16+s2+$0x0], $0xffff  }
0x8d: {  	[tilespmem:v32+s15+$0x0] =	vst.idx.add.f32.msk $0xffff, v22  }
0x8e: {  	v13 =	vld.idx.msk [tilespmem:v13+s2+$0x0], $0xffff  }
0x8f: {  	v16 =	vor.u32 $0x100, v10;
	v15 =	vld.idx.msk [tilespmem:v19+s2+$0x0], $0xffff  }
0x90: {  	v11 =	vor.u32 $0x180, v11;
	v17 =	vld.idx.msk [tilespmem:v25+s2+$0x0], $0xffff  }
0x91: {  	[tilespmem:v2+s15+$0x0] =	vst.idx.add.f32.msk $0xffff, v20;
	v2 =	vmov v12  }
0x92: {  	[tilespmem:v18+s15+$0x0] =	vst.idx.add.f32.msk $0xffff, v14  }
0x93: {  	v12 =	vld.idx.msk [tilespmem:v26+s2+$0x0], $0xffff  }
0x94: {  	[tilespmem:v16+s15+$0x0] =	vst.idx.add.f32.msk $0xffff, v13  }
0x95: {  	v13 =	vld.idx.msk [tilespmem:v11+s2+$0x0], $0xffff  }
0x96: {  	v14 =	vor.u32 $0x180, v10;
	[tilespmem:v27+s15+$0x0] =	vst.idx.add.f32.msk $0xffff, v15  }
.Ltmp0:
0x97: {  	[tilespmem:v28+s15+$0x0] =	vst.idx.add.f32.msk $0xffff, v17;
	(pc) =	sbr.rel @p0 .LBB2_3-.Ltmp0, $4  }
0x98: {  	v10 =	vld.idx.msk [tilespmem:v30+s2+$0x0], $0xffff  }
0x99: {  	v11 =	vld.idx.msk [tilespmem:v31+s2+$0x0], $0xffff  }
0x9a: {  	[tilespmem:v29+s15+$0x0] =	vst.idx.add.f32.msk $0xffff, v12  }
0x9b: {  	s25 =	sadd.s32 $0x40, s25;
	[tilespmem:v14+s15+$0x0] =	vst.idx.add.f32.msk $0xffff, v13  }
0x9c: {  	_ =	sdelay $0x3  }
0x9d: {  	v7 =	vld.idx.msk [tilespmem:v7+s2+$0x0], $0xffff  }
0x9e: {  	[tilespmem:v9+s15+$0x0] =	vst.idx.add.f32.msk $0xffff, v10  }
0x9f: {  	[tilespmem:v8+s15+$0x0] =	vst.idx.add.f32.msk $0xffff, v11  }
0xa0: {  	v5 =	vld.idx.msk [tilespmem:v5+s2+$0x0], $0xffff  }
0xa1: {  	v6 =	vld.idx.msk [tilespmem:v6+s2+$0x0], $0xffff;
	_ =	sdelay $0x1  }
0xa2: {  	[tilespmem:v1+s15+$0x0] =	vst.idx.add.f32.msk $0xffff, v0;
	p0 =	seq.s32 s21, $0x9  }
0xa3: {  	s22 =	sshrl.u32 @!p0 s22, $0x3;
	[tilespmem:v3+s15+$0x0] =	vst.idx.add.f32.msk $0xffff, v7  }
0xa4: {  	s22 =	sadd.s32 @!p0 $0x7D0, s22;
	[tilespmem:v2+s15+$0x0] =	vst.idx.add.f32.msk $0xffff, v5  }
0xa5: {  	s24 =	simm.s32 @!p0 $0x0;
	s25 =	simm.s32 @!p0 $0x14000;
	s23 =	sadd.s32 @!p0 s3, s22;
	[tilespmem:v4+s15+$0x0] =	vst.idx.add.f32.msk $0xffff, v6  }
0xa6: {  	[tilespmem:s25], [sflag:$0x1] =	stream.linear.gather @!p0 [hbm4b:s23+s24], $0x1F40, $0x38;
	[tilespmem:$0x1BE00] =	vst v63  }
0xa7: {  	s22 =	sadd.s32 @!p0 s4, s22;
	s23 =	simm.s32 @!p0 $0x17F00  }
0xa8: {  	[tilespmem:s23], [sflag:$0x1] =	stream.linear.gather @!p0 [hbm4b:s22+s24], $0x1F40, $0x38;
	[tilespmem:$0x1BE00] =	vst v63  }
0xa9: {  	_ =	swait.ge [sflag:s19], $0x1F40  }
0xaa: {  	[sflag:s19] =	ssyncset.done $0x0  }
0xab: {  	[sflag:s19] =	ssyncadd.s32 $0xFFFFE0C0  }
0xac: {  	_ =	swait.ge [sflag:s19], $0x1F40  }
0xad: {  	[sflag:s19] =	ssyncset.done $0x0  }
0xae: {  	s29 =	simm.s32 $0x15FA0;
	[sflag:s19] =	ssyncadd.s32 $0xFFFFE0C0  }
0xaf: {  	v0 =	vld [tilespmem:s29+$0x10]  }
0xb0: {  	v1 =	vld [tilespmem:s29+$0xFFFFFFF0]  }
0xb1: {  	s30 =	simm.s32 $0x19EA0;
	v2 =	vld [tilespmem:s29+$0x0]  }
0xb2: {  	v9 =	vld [tilespmem:s30+$0xFFFFFFF0]  }
0xb3: {  	v10 =	vld [tilespmem:s30+$0x0];
	_ =	sdelay $0x1  }
0xb4: {  	v3 =	vld [tilespmem:s29+$0xFFFFFFE0]  }
0xb5: {  	v4 =	vshll.u32 v0, $0x2;
	v5 =	vshll.u32 v1, $0x2  }
0xb6: {  	v6 =	vld [tilespmem:s30+$0x10];
	v0 =	vand.u32 $0x7F, v0;
	v8 =	vshll.u32 v2, $0x2;
	v1 =	vand.u32 $0x7F, v1  }
0xb7: {  	v7 =	vld [tilespmem:s30+$0xFFFFFFE0];
	v2 =	vand.u32 $0x7F, v2;
	v11 =	vshll.u32 v9, $0x2;
	v12 =	vshll.u32 v10, $0x2  }
0xb8: {  	v9 =	vand.u32 $0x7F, v9;
	v4 =	vand.u32 $0xFFFFFE00, v4;
	v5 =	vand.u32 $0xFFFFFE00, v5  }
0xb9: {  	v8 =	vand.u32 $0xFFFFFE00, v8;
	v0 =	vor.u32 v0, v4;
	v4 =	vshll.u32 v3, $0x2  }
0xba: {  	v3 =	vand.u32 $0x7F, v3;
	v2 =	vor.u32 v2, v8;
	v4 =	vand.u32 $0xFFFFFE00, v4  }
0xbb: {  	s31 =	simm.s32 $0x15FE0;
	v3 =	vor.u32 v3, v4;
	v4 =	vor.u32 v1, v5;
	v1 =	vshll.u32 v6, $0x2  }
0xbc: {  	v50 =	vld [tilespmem:s31+$0xFFFFFFE0];
	v5 =	vshll.u32 v7, $0x2;
	v6 =	vand.u32 $0x7F, v6;
	v1 =	vand.u32 $0xFFFFFE00, v1  }
0xbd: {  	v51 =	vld [tilespmem:s31+$0x0];
	v7 =	vand.u32 $0x7F, v7;
	v5 =	vand.u32 $0xFFFFFE00, v5;
	v6 =	vor.u32 v6, v1  }
0xbe: {  	s22 =	simm.s32 $0x19EE0;
	v1 =	vand.u32 $0xFFFFFE00, v11;
	v11 =	vor.u32 $0x80, v0;
	v5 =	vor.u32 v7, v5;
	v8 =	vld.idx.msk [tilespmem:v0+s2+$0x0], $0xffff  }
0xbf: {  	v53 =	vld [tilespmem:s22+$0xFFFFFFF0];
	v7 =	vand.u32 $0xFFFFFE00, v12;
	v9 =	vor.u32 v9, v1;
	v1 =	vand.u32 $0x7F, v10  }
0xc0: {  	v10 =	vld.idx.msk [tilespmem:v2+s2+$0x0], $0xffff;
	v1 =	vor.u32 v1, v7  }
0xc1: {  	v13 =	vld.idx.msk [tilespmem:v3+s2+$0x0], $0xffff  }
0xc2: {  	v44 =	vld.idx.msk [tilespmem:v4+s2+$0x0], $0xffff  }
0xc3: {  	v46 =	vor.u32 $0x80, v2;
	[tilespmem:v6+s15+$0x0] =	vst.idx.add.f32.msk $0xffff, v8  }
0xc4: {  	v7 =	vor.u32 $0x80, v3;
	v8 =	vld.idx.msk [tilespmem:v11+s2+$0x0], $0xffff  }
0xc5: {  	v11 =	vor.u32 $0x80, v6;
	[tilespmem:v1+s15+$0x0] =	vst.idx.add.f32.msk $0xffff, v10  }
0xc6: {  	v45 =	vor.u32 $0x100, v0;
	[tilespmem:v5+s15+$0x0] =	vst.idx.add.f32.msk $0xffff, v13  }
0xc7: {  	v14 =	vor.u32 $0x80, v4;
	[tilespmem:v9+s15+$0x0] =	vst.idx.add.f32.msk $0xffff, v44  }
0xc8: {  	v16 =	vor.u32 $0x80, v1;
	v12 =	vld.idx.msk [tilespmem:v46+s2+$0x0], $0xffff  }
0xc9: {  	v10 =	vor.u32 $0x80, v5;
	v7 =	vld.idx.msk [tilespmem:v7+s2+$0x0], $0xffff  }
0xca: {  	v15 =	vor.u32 $0x100, v3;
	[tilespmem:v11+s15+$0x0] =	vst.idx.add.f32.msk $0xffff, v8  }
0xcb: {  	v11 =	vor.u32 $0x100, v6;
	v8 =	vld.idx.msk [tilespmem:v45+s2+$0x0], $0xffff  }
0xcc: {  	v48 =	vor.u32 $0x80, v9;
	v47 =	vld.idx.msk [tilespmem:v14+s2+$0x0], $0xffff  }
0xcd: {  	v0 =	vor.u32 $0x180, v0;
	[tilespmem:v16+s15+$0x0] =	vst.idx.add.f32.msk $0xffff, v12  }
0xce: {  	v49 =	vor.u32 $0x100, v2;
	[tilespmem:v10+s15+$0x0] =	vst.idx.add.f32.msk $0xffff, v7  }
0xcf: {  	v7 =	vor.u32 $0x100, v4;
	v10 =	vld.idx.msk [tilespmem:v15+s2+$0x0], $0xffff  }
0xd0: {  	[tilespmem:v11+s15+$0x0] =	vst.idx.add.f32.msk $0xffff, v8;
	v8 =	vor.u32 $0x100, v5  }
0xd1: {  	[tilespmem:v48+s15+$0x0] =	vst.idx.add.f32.msk $0xffff, v47  }
0xd2: {  	v6 =	vor.u32 $0x180, v6;
	v0 =	vld.idx.msk [tilespmem:v0+s2+$0x0], $0xffff  }
0xd3: {  	v11 =	vld.idx.msk [tilespmem:v49+s2+$0x0], $0xffff  }
0xd4: {  	v3 =	vor.u32 $0x180, v3;
	v7 =	vld.idx.msk [tilespmem:v7+s2+$0x0], $0xffff  }
0xd5: {  	[tilespmem:v8+s15+$0x0] =	vst.idx.add.f32.msk $0xffff, v10;
	v8 =	vor.u32 $0x100, v9  }
0xd6: {  	v10 =	vld [tilespmem:s31+$0xFFFFFFF0]  }
0xd7: {  	[tilespmem:v6+s15+$0x0] =	vst.idx.add.f32.msk $0xffff, v0;
	v6 =	vor.u32 $0x100, v1  }
0xd8: {  	v0 =	vld [tilespmem:s31+$0x10]  }
0xd9: {  	v4 =	vor.u32 $0x180, v4;
	v3 =	vld.idx.msk [tilespmem:v3+s2+$0x0], $0xffff  }
0xda: {  	[tilespmem:v8+s15+$0x0] =	vst.idx.add.f32.msk $0xffff, v7  }
0xdb: {  	v52 =	vshll.u32 v51, $0x2;
	v17 =	vshll.u32 v53, $0x2;
	v8 =	vld [tilespmem:s22+$0x10]  }
0xdc: {  	v17 =	vand.u32 $0xFFFFFE00, v17;
	v2 =	vor.u32 $0x180, v2;
	v5 =	vor.u32 $0x180, v5;
	[tilespmem:v6+s15+$0x0] =	vst.idx.add.f32.msk $0xffff, v11  }
0xdd: {  	v9 =	vor.u32 $0x180, v9;
	v7 =	vshll.u32 v0, $0x2;
	v6 =	vshll.u32 v10, $0x2;
	v11 =	vld [tilespmem:s22+$0xFFFFFFE0]  }
0xde: {  	v0 =	vand.u32 $0x7F, v0;
	v10 =	vand.u32 $0x7F, v10;
	v4 =	vld.idx.msk [tilespmem:v4+s2+$0x0], $0xffff;
	v7 =	vand.u32 $0xFFFFFE00, v7  }
0xdf: {  	v6 =	vand.u32 $0xFFFFFE00, v6;
	v7 =	vor.u32 v0, v7;
	v0 =	vshll.u32 v50, $0x2  }
0xe0: {  	v12 =	vand.u32 $0x7F, v50;
	v6 =	vor.u32 v10, v6;
	v0 =	vand.u32 $0xFFFFFE00, v0  }
0xe1: {  	v54 =	vld [tilespmem:s22+$0x0];
	v14 =	vand.u32 $0xFFFFFE00, v52;
	v12 =	vor.u32 v12, v0;
	v0 =	vand.u32 $0x7F, v51  }
0xe2: {  	v15 =	vand.u32 $0x7F, v53;
	[tilespmem:v5+s15+$0x0] =	vst.idx.add.f32.msk $0xffff, v3;
	v10 =	vshll.u32 v8, $0x2;
	v13 =	vor.u32 v0, v14  }
0xe3: {  	v0 =	vand.u32 $0x7F, v8;
	v8 =	vand.u32 $0xFFFFFE00, v10;
	v55 =	vshll.u32 v11, $0x2;
	[tilespmem:v9+s15+$0x0] =	vst.idx.add.f32.msk $0xffff, v4  }
0xe4: {  	v11 =	vand.u32 $0x7F, v11;
	v8 =	vor.u32 v0, v8;
	v14 =	vand.u32 $0xFFFFFE00, v55;
	v10 =	vld.idx.msk [tilespmem:v7+s2+$0x0], $0xffff  }
0xe5: {  	v15 =	vor.u32 v15, v17;
	v14 =	vor.u32 v11, v14;
	v11 =	vld.idx.msk [tilespmem:v6+s2+$0x0], $0xffff  }
0xe6: {  	v0 =	vld.idx.msk [tilespmem:v2+s2+$0x0], $0xffff;
	v2 =	vor.u32 $0x80, v7  }
0xe7: {  	v19 =	vshll.u32 v54, $0x2;
	v5 =	vor.u32 $0x80, v6;
	v18 =	vld.idx.msk [tilespmem:v12+s2+$0x0], $0xffff  }
0xe8: {  	v19 =	vand.u32 $0xFFFFFE00, v19;
	v16 =	vand.u32 $0x7F, v54;
	v56 =	vld.idx.msk [tilespmem:v13+s2+$0x0], $0xffff  }
0xe9: {  	v16 =	vor.u32 v16, v19;
	[tilespmem:v8+s15+$0x0] =	vst.idx.add.f32.msk $0xffff, v10  }
0xea: {  	v10 =	vor.u32 $0x80, v12;
	[tilespmem:v15+s15+$0x0] =	vst.idx.add.f32.msk $0xffff, v11  }
0xeb: {  	v57 =	vor.u32 $0x80, v8;
	v2 =	vld.idx.msk [tilespmem:v2+s2+$0x0], $0xffff  }
0xec: {  	v3 =	vor.u32 $0x100, v7;
	v5 =	vld.idx.msk [tilespmem:v5+s2+$0x0], $0xffff  }
0xed: {  	v11 =	vor.u32 $0x80, v13;
	[tilespmem:v14+s15+$0x0] =	vst.idx.add.f32.msk $0xffff, v18  }
0xee: {  	v60 =	vor.u32 $0x80, v15;
	[tilespmem:v16+s15+$0x0] =	vst.idx.add.f32.msk $0xffff, v56  }
0xef: {  	v58 =	vor.u32 $0x80, v14;
	v10 =	vld.idx.msk [tilespmem:v10+s2+$0x0], $0xffff  }
0xf0: {  	[tilespmem:v57+s15+$0x0] =	vst.idx.add.f32.msk $0xffff, v2;
	v2 =	vor.u32 $0x100, v12  }
0xf1: {  	v59 =	vor.u32 $0x100, v8;
	v3 =	vld.idx.msk [tilespmem:v3+s2+$0x0], $0xffff  }
0xf2: {  	v7 =	vor.u32 $0x180, v7;
	v11 =	vld.idx.msk [tilespmem:v11+s2+$0x0], $0xffff  }
0xf3: {  	v4 =	vor.u32 $0x80, v16;
	[tilespmem:v60+s15+$0x0] =	vst.idx.add.f32.msk $0xffff, v5  }
0xf4: {  	v9 =	vor.u32 $0x100, v6;
	[tilespmem:v58+s15+$0x0] =	vst.idx.add.f32.msk $0xffff, v10  }
0xf5: {  	v61 =	vor.u32 $0x100, v13;
	v2 =	vld.idx.msk [tilespmem:v2+s2+$0x0], $0xffff  }
0xf6: {  	v62 =	vor.u32 $0x100, v14;
	[tilespmem:v59+s15+$0x0] =	vst.idx.add.f32.msk $0xffff, v3  }
0xf7: {  	v63 =	vor.u32 $0x180, v8;
	v20 =	vld.idx.msk [tilespmem:v7+s2+$0x0], $0xffff  }
0xf8: {  	[tilespmem:v4+s15+$0x0] =	vst.idx.add.f32.msk $0xffff, v11  }
0xf9: {  	v10 =	vld.idx.msk [tilespmem:v9+s2+$0x0], $0xffff  }
0xfa: {  	v1 =	vor.u32 $0x180, v1;
	v8 =	vor.u32 $0x100, v16;
	v5 =	vor.u32 $0x180, v6;
	v11 =	vld.idx.msk [tilespmem:v61+s2+$0x0], $0xffff  }
0xfb: {  	v6 =	vor.u32 $0x180, v13;
	v9 =	vor.u32 $0x100, v15;
	v4 =	vor.u32 $0x180, v16;
	[tilespmem:v62+s15+$0x0] =	vst.idx.add.f32.msk $0xffff, v2  }
0xfc: {  	s23 =	simm.s32 $0x4;
	s24 =	simm.s32 $0x16020;
	v3 =	vor.u32 $0x180, v14;
	v7 =	vor.u32 $0x180, v12;
	v2 =	vor.u32 $0x180, v15;
	[tilespmem:v63+s15+$0x0] =	vst.idx.add.f32.msk $0xffff, v20  }
.LBB2_5:
0xfd: {  	v12 =	vld [tilespmem:s24+$0x10];
	s23 =	sadd.s32 $0x4, s23  }
0xfe: {  	v13 =	vld [tilespmem:s24+$0xFFFFFFF0];
	p0 =	slt.u32 s23, $0x1F0  }
0xff: {  	v14 =	vld [tilespmem:s24+$0x0]  }
0x100: {  	v15 =	vld [tilespmem:s24+$0xFFFFFFE0]  }
0x101: {  	[tilespmem:v9+s15+$0x0] =	vst.idx.add.f32.msk $0xffff, v10  }
0x102: {  	s22 =	sadd.s32 $0x40, s22;
	v9 =	vshll.u32 v12, $0x2;
	[tilespmem:v8+s15+$0x0] =	vst.idx.add.f32.msk $0xffff, v11  }
0x103: {  	v11 =	vand.u32 $0x7F, v12;
	v8 =	vshll.u32 v13, $0x2;
	v10 =	vld [tilespmem:s22+$0x10];
	v9 =	vand.u32 $0xFFFFFE00, v9  }
0x104: {  	v12 =	vld [tilespmem:s22+$0xFFFFFFE0];
	v8 =	vand.u32 $0xFFFFFE00, v8;
	v16 =	vshll.u32 v14, $0x2;
	v11 =	vor.u32 v11, v9  }
0x105: {  	v9 =	vand.u32 $0x7F, v15;
	v15 =	vshll.u32 v15, $0x2;
	v17 =	vld [tilespmem:s22+$0xFFFFFFF0];
	v16 =	vand.u32 $0xFFFFFE00, v16  }
0x106: {  	v13 =	vand.u32 $0x7F, v13;
	v14 =	vand.u32 $0x7F, v14;
	v15 =	vand.u32 $0xFFFFFE00, v15;
	v18 =	vld [tilespmem:s22+$0x0]  }
0x107: {  	v13 =	vor.u32 v13, v8;
	v14 =	vor.u32 v14, v16;
	v15 =	vor.u32 v9, v15;
	v7 =	vld.idx.msk [tilespmem:v7+s2+$0x0], $0xffff  }
0x108: {  	v19 =	vor.u32 $0x80, v13;
	v16 =	vor.u32 $0x80, v15;
	v8 =	vshll.u32 v10, $0x2;
	v20 =	vld.idx.msk [tilespmem:v5+s2+$0x0], $0xffff  }
0x109: {  	v10 =	vand.u32 $0x7F, v10;
	v5 =	vshll.u32 v12, $0x2;
	v9 =	vld.idx.msk [tilespmem:v11+s2+$0x0], $0xffff;
	v8 =	vand.u32 $0xFFFFFE00, v8  }
0x10a: {  	v5 =	vand.u32 $0xFFFFFE00, v5;
	v21 =	vshll.u32 v17, $0x2;
	v10 =	vor.u32 v10, v8;
	v6 =	vld.idx.msk [tilespmem:v6+s2+$0x0], $0xffff  }
0x10b: {  	v22 =	vor.u32 $0x80, v11;
	v8 =	vand.u32 $0xFFFFFE00, v21;
	v21 =	vshll.u32 v18, $0x2;
	[tilespmem:v1+s15+$0x0] =	vst.idx.add.f32.msk $0xffff, v0;
	v1 =	vmovc v4  }
0x10c: {  	v0 =	vand.u32 $0x7F, v12;
	v12 =	vand.u32 $0x7F, v17;
	v4 =	vld.idx.msk [tilespmem:v15+s2+$0x0], $0xffff;
	v17 =	vand.u32 $0xFFFFFE00, v21  }
0x10d: {  	v21 =	vor.u32 v0, v5;
	v12 =	vor.u32 v12, v8;
	v0 =	vand.u32 $0x7F, v18;
	v23 =	vld.idx.msk [tilespmem:v13+s2+$0x0], $0xffff  }
0x10e: {  	v25 =	vor.u32 $0x80, v14;
	v18 =	vor.u32 $0x80, v21;
	v17 =	vor.u32 v0, v17;
	v24 =	vld.idx.msk [tilespmem:v14+s2+$0x0], $0xffff  }
0x10f: {  	v26 =	vor.u32 $0x100, v15;
	v27 =	vor.u32 $0x80, v12;
	v28 =	vor.u32 $0x80, v17;
	[tilespmem:v10+s15+$0x0] =	vst.idx.add.f32.msk $0xffff, v9  }
0x110: {  	v30 =	vor.u32 $0x100, v13;
	v31 =	vor.u32 $0x100, v14;
	v29 =	vor.u32 $0x100, v21;
	v0 =	vmovc v6;
	v22 =	vld.idx.msk [tilespmem:v22+s2+$0x0], $0xffff  }
0x111: {  	v32 =	vor.u32 $0x80, v10;
	v8 =	vor.u32 $0x100, v17;
	v9 =	vor.u32 $0x100, v12;
	[tilespmem:v3+s15+$0x0] =	vst.idx.add.f32.msk $0xffff, v7  }
0x112: {  	v5 =	vor.u32 $0x180, v13;
	v13 =	vor.u32 $0x100, v11;
	v7 =	vor.u32 $0x180, v15;
	[tilespmem:v21+s15+$0x0] =	vst.idx.add.f32.msk $0xffff, v4  }
0x113: {  	v6 =	vor.u32 $0x180, v14;
	v3 =	vor.u32 $0x180, v21;
	[tilespmem:v12+s15+$0x0] =	vst.idx.add.f32.msk $0xffff, v23;
	v12 =	vor.u32 $0x180, v12  }
0x114: {  	v4 =	vor.u32 $0x180, v17;
	[tilespmem:v17+s15+$0x0] =	vst.idx.add.f32.msk $0xffff, v24  }
0x115: {  	v14 =	vld.idx.msk [tilespmem:v16+s2+$0x0], $0xffff  }
0x116: {  	[tilespmem:v32+s15+$0x0] =	vst.idx.add.f32.msk $0xffff, v22  }
0x117: {  	v13 =	vld.idx.msk [tilespmem:v13+s2+$0x0], $0xffff  }
0x118: {  	v16 =	vor.u32 $0x100, v10;
	v15 =	vld.idx.msk [tilespmem:v19+s2+$0x0], $0xffff  }
0x119: {  	v11 =	vor.u32 $0x180, v11;
	v17 =	vld.idx.msk [tilespmem:v25+s2+$0x0], $0xffff  }
0x11a: {  	[tilespmem:v2+s15+$0x0] =	vst.idx.add.f32.msk $0xffff, v20;
	v2 =	vmov v12  }
0x11b: {  	[tilespmem:v18+s15+$0x0] =	vst.idx.add.f32.msk $0xffff, v14  }
0x11c: {  	v12 =	vld.idx.msk [tilespmem:v26+s2+$0x0], $0xffff  }
0x11d: {  	[tilespmem:v16+s15+$0x0] =	vst.idx.add.f32.msk $0xffff, v13  }
0x11e: {  	v13 =	vld.idx.msk [tilespmem:v11+s2+$0x0], $0xffff  }
0x11f: {  	v14 =	vor.u32 $0x180, v10;
	[tilespmem:v27+s15+$0x0] =	vst.idx.add.f32.msk $0xffff, v15  }
.Ltmp1:
0x120: {  	[tilespmem:v28+s15+$0x0] =	vst.idx.add.f32.msk $0xffff, v17;
	(pc) =	sbr.rel @p0 .LBB2_5-.Ltmp1, $4  }
0x121: {  	v10 =	vld.idx.msk [tilespmem:v30+s2+$0x0], $0xffff  }
0x122: {  	v11 =	vld.idx.msk [tilespmem:v31+s2+$0x0], $0xffff  }
0x123: {  	[tilespmem:v29+s15+$0x0] =	vst.idx.add.f32.msk $0xffff, v12  }
0x124: {  	s24 =	sadd.s32 $0x40, s24;
	[tilespmem:v14+s15+$0x0] =	vst.idx.add.f32.msk $0xffff, v13  }
0x125: {  	_ =	sdelay $0x3  }
0x126: {  	v7 =	vld.idx.msk [tilespmem:v7+s2+$0x0], $0xffff  }
0x127: {  	[tilespmem:v9+s15+$0x0] =	vst.idx.add.f32.msk $0xffff, v10  }
0x128: {  	[tilespmem:v8+s15+$0x0] =	vst.idx.add.f32.msk $0xffff, v11  }
0x129: {  	s21 =	sadd.s32 $0x1, s21;
	v5 =	vld.idx.msk [tilespmem:v5+s2+$0x0], $0xffff  }
0x12a: {  	p0 =	sne.s32 s21, $0xA;
	v6 =	vld.idx.msk [tilespmem:v6+s2+$0x0], $0xffff  }
.Ltmp2:
0x12b: {  	_ = 	snop;
	(pc) =	sbr.rel @p0 .LBB2_2-.Ltmp2, $4  }
0x12c: {  	[tilespmem:v1+s15+$0x0] =	vst.idx.add.f32.msk $0xffff, v0  }
0x12d: {  	[tilespmem:v3+s15+$0x0] =	vst.idx.add.f32.msk $0xffff, v7  }
0x12e: {  	[tilespmem:v2+s15+$0x0] =	vst.idx.add.f32.msk $0xffff, v5  }
0x12f: {  	[tilespmem:v4+s15+$0x0] =	vst.idx.add.f32.msk $0xffff, v6  }
0x130: {  	[hbm4b:s6+s12] =	stream.strided.scatter [tilespmem:s15], [sflag:$0x3], $0xA000, s13, s12, $0x38;
	[tilespmem:$0x1BE00] =	vst v63  }
0x131: {  	_ =	swait.ge [sflag:s14], $0xA000  }
0x132: {  	[sflag:s14] =	ssyncset.done $0x0  }
0x133: {  	s21 =	simm.s32 $0x0;
	[sflag:s14] =	ssyncadd.s32 $0xFFFF6000  }
0x134: {  	[tilespmem:s10], [sflag:$0x1] =	stream.linear.gather [hbm4b:s3+s21], $0x1F40, $0x38;
	[tilespmem:$0x1BE00] =	vst v63  }
0x135: {  	_ = 	snop  }
0x136: {  	[tilespmem:s11], [sflag:$0x1] =	stream.linear.gather [hbm4b:s4+s21], $0x1F40, $0x38;
	[tilespmem:$0x1BE00] =	vst v63  }
0x137: {  	_ = 	snop  }
0x138: {  	[tilespmem:s21], [sflag:$0x3] =	stream.strided.gather [hbm4b:s7+s12], $0xA000, s13, s12, $0x38;
	[tilespmem:$0x1BE00] =	vst v63  }
0x139: {  	_ =	swait.ge [sflag:s14], $0xA000  }
0x13a: {  	[sflag:s14] =	ssyncset.done $0x0  }
0x13b: {  	[sflag:s14] =	ssyncadd.s32 $0xFFFF6000  }
0x13c: {  	[tilespmem:s15], [sflag:$0x3] =	stream.strided.gather [hbm4b:s7+s12], $0xA000, s13, s12, $0x38;
	[tilespmem:$0x1BE00] =	vst v63  }
0x13d: {  	_ =	swait.ge [sflag:s14], $0xA000  }
0x13e: {  	[sflag:s14] =	ssyncset.done $0x0  }
0x13f: {  	[sflag:s14] =	ssyncadd.s32 $0xFFFF6000  }
.LBB2_8:
0x140: {  	s22 =	smul.u32 $0x3E80, s21;
	_ =	sdelay $0x1  }
0x141: {  	s23 =	sshrl.u32 s22, $0x3  }
0x142: {  	s23 =	sadd.s32 $0x3E8, s23  }
0x143: {  	s24 =	sadd.s32 s3, s23  }
0x144: {  	[tilespmem:s16], [sflag:$0x2] =	stream.linear.gather [hbm4b:s24+s2], $0x1F40, $0x38;
	[tilespmem:$0x1BE00] =	vst v63  }
0x145: {  	s23 =	sadd.s32 s4, s23  }
0x146: {  	[tilespmem:s17], [sflag:$0x2] =	stream.linear.gather [hbm4b:s23+s2], $0x1F40, $0x38;
	[tilespmem:$0x1BE00] =	vst v63  }
0x147: {  	_ =	swait.ge [sflag:s18], $0x1F40  }
0x148: {  	[sflag:s18] =	ssyncset.done $0x0  }
0x149: {  	[sflag:s18] =	ssyncadd.s32 $0xFFFFE0C0  }
0x14a: {  	_ =	swait.ge [sflag:s18], $0x1F40  }
0x14b: {  	[sflag:s18] =	ssyncset.done $0x0  }
0x14c: {  	s29 =	simm.s32 $0x14020;
	[sflag:s18] =	ssyncadd.s32 $0xFFFFE0C0  }
0x14d: {  	v0 =	vld [tilespmem:s29+$0x10]  }
0x14e: {  	v1 =	vld [tilespmem:s29+$0xFFFFFFF0]  }
0x14f: {  	s30 =	simm.s32 $0x17F20;
	v2 =	vld [tilespmem:s29+$0x0]  }
0x150: {  	v9 =	vld [tilespmem:s30+$0xFFFFFFF0]  }
0x151: {  	v10 =	vld [tilespmem:s30+$0x0];
	_ =	sdelay $0x1  }
0x152: {  	v3 =	vld [tilespmem:s29+$0xFFFFFFE0]  }
0x153: {  	v4 =	vshll.u32 v0, $0x2;
	v5 =	vshll.u32 v1, $0x2  }
0x154: {  	v6 =	vld [tilespmem:s30+$0x10];
	v0 =	vand.u32 $0x7F, v0;
	v8 =	vshll.u32 v2, $0x2;
	v1 =	vand.u32 $0x7F, v1  }
0x155: {  	v7 =	vld [tilespmem:s30+$0xFFFFFFE0];
	v2 =	vand.u32 $0x7F, v2;
	v11 =	vshll.u32 v9, $0x2;
	v12 =	vshll.u32 v10, $0x2  }
0x156: {  	v9 =	vand.u32 $0x7F, v9;
	v4 =	vand.u32 $0xFFFFFE00, v4;
	v5 =	vand.u32 $0xFFFFFE00, v5  }
0x157: {  	v8 =	vand.u32 $0xFFFFFE00, v8;
	v0 =	vor.u32 v0, v4;
	v4 =	vshll.u32 v3, $0x2  }
0x158: {  	v3 =	vand.u32 $0x7F, v3;
	v2 =	vor.u32 v2, v8;
	v4 =	vand.u32 $0xFFFFFE00, v4  }
0x159: {  	s31 =	simm.s32 $0x14060;
	v3 =	vor.u32 v3, v4;
	v4 =	vor.u32 v1, v5;
	v1 =	vshll.u32 v6, $0x2  }
0x15a: {  	v50 =	vld [tilespmem:s31+$0xFFFFFFE0];
	v5 =	vshll.u32 v7, $0x2;
	v6 =	vand.u32 $0x7F, v6;
	v1 =	vand.u32 $0xFFFFFE00, v1  }
0x15b: {  	v51 =	vld [tilespmem:s31+$0x0];
	v7 =	vand.u32 $0x7F, v7;
	v5 =	vand.u32 $0xFFFFFE00, v5;
	v6 =	vor.u32 v6, v1  }
0x15c: {  	s23 =	simm.s32 $0x17F60;
	v1 =	vand.u32 $0xFFFFFE00, v11;
	v11 =	vor.u32 $0x80, v0;
	v5 =	vor.u32 v7, v5;
	v8 =	vld.idx.msk [tilespmem:v0+s2+$0x0], $0xffff  }
0x15d: {  	v53 =	vld [tilespmem:s23+$0xFFFFFFF0];
	v7 =	vand.u32 $0xFFFFFE00, v12;
	v9 =	vor.u32 v9, v1;
	v1 =	vand.u32 $0x7F, v10  }
0x15e: {  	v10 =	vld.idx.msk [tilespmem:v2+s2+$0x0], $0xffff;
	v1 =	vor.u32 v1, v7  }
0x15f: {  	v13 =	vld.idx.msk [tilespmem:v3+s2+$0x0], $0xffff  }
0x160: {  	v44 =	vld.idx.msk [tilespmem:v4+s2+$0x0], $0xffff  }
0x161: {  	v46 =	vor.u32 $0x80, v2;
	[tilespmem:v6+s15+$0x0] =	vst.idx.add.f32.msk $0xffff, v8  }
0x162: {  	v7 =	vor.u32 $0x80, v3;
	v8 =	vld.idx.msk [tilespmem:v11+s2+$0x0], $0xffff  }
0x163: {  	v11 =	vor.u32 $0x80, v6;
	[tilespmem:v1+s15+$0x0] =	vst.idx.add.f32.msk $0xffff, v10  }
0x164: {  	v45 =	vor.u32 $0x100, v0;
	[tilespmem:v5+s15+$0x0] =	vst.idx.add.f32.msk $0xffff, v13  }
0x165: {  	v14 =	vor.u32 $0x80, v4;
	[tilespmem:v9+s15+$0x0] =	vst.idx.add.f32.msk $0xffff, v44  }
0x166: {  	v16 =	vor.u32 $0x80, v1;
	v12 =	vld.idx.msk [tilespmem:v46+s2+$0x0], $0xffff  }
0x167: {  	v10 =	vor.u32 $0x80, v5;
	v7 =	vld.idx.msk [tilespmem:v7+s2+$0x0], $0xffff  }
0x168: {  	v15 =	vor.u32 $0x100, v3;
	[tilespmem:v11+s15+$0x0] =	vst.idx.add.f32.msk $0xffff, v8  }
0x169: {  	v11 =	vor.u32 $0x100, v6;
	v8 =	vld.idx.msk [tilespmem:v45+s2+$0x0], $0xffff  }
0x16a: {  	v48 =	vor.u32 $0x80, v9;
	v47 =	vld.idx.msk [tilespmem:v14+s2+$0x0], $0xffff  }
0x16b: {  	v0 =	vor.u32 $0x180, v0;
	[tilespmem:v16+s15+$0x0] =	vst.idx.add.f32.msk $0xffff, v12  }
0x16c: {  	v49 =	vor.u32 $0x100, v2;
	[tilespmem:v10+s15+$0x0] =	vst.idx.add.f32.msk $0xffff, v7  }
0x16d: {  	v7 =	vor.u32 $0x100, v4;
	v10 =	vld.idx.msk [tilespmem:v15+s2+$0x0], $0xffff  }
0x16e: {  	[tilespmem:v11+s15+$0x0] =	vst.idx.add.f32.msk $0xffff, v8;
	v8 =	vor.u32 $0x100, v5  }
0x16f: {  	[tilespmem:v48+s15+$0x0] =	vst.idx.add.f32.msk $0xffff, v47  }
0x170: {  	v6 =	vor.u32 $0x180, v6;
	v0 =	vld.idx.msk [tilespmem:v0+s2+$0x0], $0xffff  }
0x171: {  	v11 =	vld.idx.msk [tilespmem:v49+s2+$0x0], $0xffff  }
0x172: {  	v3 =	vor.u32 $0x180, v3;
	v7 =	vld.idx.msk [tilespmem:v7+s2+$0x0], $0xffff  }
0x173: {  	[tilespmem:v8+s15+$0x0] =	vst.idx.add.f32.msk $0xffff, v10;
	v8 =	vor.u32 $0x100, v9  }
0x174: {  	v10 =	vld [tilespmem:s31+$0xFFFFFFF0]  }
0x175: {  	[tilespmem:v6+s15+$0x0] =	vst.idx.add.f32.msk $0xffff, v0;
	v6 =	vor.u32 $0x100, v1  }
0x176: {  	v0 =	vld [tilespmem:s31+$0x10]  }
0x177: {  	v4 =	vor.u32 $0x180, v4;
	v3 =	vld.idx.msk [tilespmem:v3+s2+$0x0], $0xffff  }
0x178: {  	[tilespmem:v8+s15+$0x0] =	vst.idx.add.f32.msk $0xffff, v7  }
0x179: {  	v52 =	vshll.u32 v51, $0x2;
	v17 =	vshll.u32 v53, $0x2;
	v8 =	vld [tilespmem:s23+$0x10]  }
0x17a: {  	v17 =	vand.u32 $0xFFFFFE00, v17;
	v2 =	vor.u32 $0x180, v2;
	v5 =	vor.u32 $0x180, v5;
	[tilespmem:v6+s15+$0x0] =	vst.idx.add.f32.msk $0xffff, v11  }
0x17b: {  	v9 =	vor.u32 $0x180, v9;
	v7 =	vshll.u32 v0, $0x2;
	v6 =	vshll.u32 v10, $0x2;
	v11 =	vld [tilespmem:s23+$0xFFFFFFE0]  }
0x17c: {  	v0 =	vand.u32 $0x7F, v0;
	v10 =	vand.u32 $0x7F, v10;
	v4 =	vld.idx.msk [tilespmem:v4+s2+$0x0], $0xffff;
	v7 =	vand.u32 $0xFFFFFE00, v7  }
0x17d: {  	v6 =	vand.u32 $0xFFFFFE00, v6;
	v7 =	vor.u32 v0, v7;
	v0 =	vshll.u32 v50, $0x2  }
0x17e: {  	v12 =	vand.u32 $0x7F, v50;
	v6 =	vor.u32 v10, v6;
	v0 =	vand.u32 $0xFFFFFE00, v0  }
0x17f: {  	v54 =	vld [tilespmem:s23+$0x0];
	v14 =	vand.u32 $0xFFFFFE00, v52;
	v12 =	vor.u32 v12, v0;
	v0 =	vand.u32 $0x7F, v51  }
0x180: {  	v15 =	vand.u32 $0x7F, v53;
	[tilespmem:v5+s15+$0x0] =	vst.idx.add.f32.msk $0xffff, v3;
	v10 =	vshll.u32 v8, $0x2;
	v13 =	vor.u32 v0, v14  }
0x181: {  	v0 =	vand.u32 $0x7F, v8;
	v8 =	vand.u32 $0xFFFFFE00, v10;
	v55 =	vshll.u32 v11, $0x2;
	[tilespmem:v9+s15+$0x0] =	vst.idx.add.f32.msk $0xffff, v4  }
0x182: {  	v11 =	vand.u32 $0x7F, v11;
	v8 =	vor.u32 v0, v8;
	v14 =	vand.u32 $0xFFFFFE00, v55;
	v10 =	vld.idx.msk [tilespmem:v7+s2+$0x0], $0xffff  }
0x183: {  	v15 =	vor.u32 v15, v17;
	v14 =	vor.u32 v11, v14;
	v11 =	vld.idx.msk [tilespmem:v6+s2+$0x0], $0xffff  }
0x184: {  	v0 =	vld.idx.msk [tilespmem:v2+s2+$0x0], $0xffff;
	v2 =	vor.u32 $0x80, v7  }
0x185: {  	v19 =	vshll.u32 v54, $0x2;
	v5 =	vor.u32 $0x80, v6;
	v18 =	vld.idx.msk [tilespmem:v12+s2+$0x0], $0xffff  }
0x186: {  	v19 =	vand.u32 $0xFFFFFE00, v19;
	v16 =	vand.u32 $0x7F, v54;
	v56 =	vld.idx.msk [tilespmem:v13+s2+$0x0], $0xffff  }
0x187: {  	v16 =	vor.u32 v16, v19;
	[tilespmem:v8+s15+$0x0] =	vst.idx.add.f32.msk $0xffff, v10  }
0x188: {  	v10 =	vor.u32 $0x80, v12;
	[tilespmem:v15+s15+$0x0] =	vst.idx.add.f32.msk $0xffff, v11  }
0x189: {  	v57 =	vor.u32 $0x80, v8;
	v2 =	vld.idx.msk [tilespmem:v2+s2+$0x0], $0xffff  }
0x18a: {  	v3 =	vor.u32 $0x100, v7;
	v5 =	vld.idx.msk [tilespmem:v5+s2+$0x0], $0xffff  }
0x18b: {  	v11 =	vor.u32 $0x80, v13;
	[tilespmem:v14+s15+$0x0] =	vst.idx.add.f32.msk $0xffff, v18  }
0x18c: {  	v60 =	vor.u32 $0x80, v15;
	[tilespmem:v16+s15+$0x0] =	vst.idx.add.f32.msk $0xffff, v56  }
0x18d: {  	v58 =	vor.u32 $0x80, v14;
	v10 =	vld.idx.msk [tilespmem:v10+s2+$0x0], $0xffff  }
0x18e: {  	[tilespmem:v57+s15+$0x0] =	vst.idx.add.f32.msk $0xffff, v2;
	v2 =	vor.u32 $0x100, v12  }
0x18f: {  	v59 =	vor.u32 $0x100, v8;
	v3 =	vld.idx.msk [tilespmem:v3+s2+$0x0], $0xffff  }
0x190: {  	v7 =	vor.u32 $0x180, v7;
	v11 =	vld.idx.msk [tilespmem:v11+s2+$0x0], $0xffff  }
0x191: {  	v4 =	vor.u32 $0x80, v16;
	[tilespmem:v60+s15+$0x0] =	vst.idx.add.f32.msk $0xffff, v5  }
0x192: {  	v9 =	vor.u32 $0x100, v6;
	[tilespmem:v58+s15+$0x0] =	vst.idx.add.f32.msk $0xffff, v10  }
0x193: {  	v61 =	vor.u32 $0x100, v13;
	v2 =	vld.idx.msk [tilespmem:v2+s2+$0x0], $0xffff  }
0x194: {  	v62 =	vor.u32 $0x100, v14;
	[tilespmem:v59+s15+$0x0] =	vst.idx.add.f32.msk $0xffff, v3  }
0x195: {  	v63 =	vor.u32 $0x180, v8;
	v20 =	vld.idx.msk [tilespmem:v7+s2+$0x0], $0xffff  }
0x196: {  	[tilespmem:v4+s15+$0x0] =	vst.idx.add.f32.msk $0xffff, v11  }
0x197: {  	v10 =	vld.idx.msk [tilespmem:v9+s2+$0x0], $0xffff  }
0x198: {  	v1 =	vor.u32 $0x180, v1;
	v8 =	vor.u32 $0x100, v16;
	v5 =	vor.u32 $0x180, v6;
	v11 =	vld.idx.msk [tilespmem:v61+s2+$0x0], $0xffff  }
0x199: {  	v6 =	vor.u32 $0x180, v13;
	v9 =	vor.u32 $0x100, v15;
	v4 =	vor.u32 $0x180, v16;
	[tilespmem:v62+s15+$0x0] =	vst.idx.add.f32.msk $0xffff, v2  }
0x19a: {  	s25 =	simm.s32 $0x140A0;
	s24 =	simm.s32 $0x4;
	v3 =	vor.u32 $0x180, v14;
	v7 =	vor.u32 $0x180, v12;
	v2 =	vor.u32 $0x180, v15;
	[tilespmem:v63+s15+$0x0] =	vst.idx.add.f32.msk $0xffff, v20  }
.LBB2_9:
0x19b: {  	v12 =	vld [tilespmem:s25+$0x10];
	s24 =	sadd.s32 $0x4, s24  }
0x19c: {  	v13 =	vld [tilespmem:s25+$0xFFFFFFF0];
	p0 =	slt.u32 s24, $0x1F0  }
0x19d: {  	v14 =	vld [tilespmem:s25+$0x0]  }
0x19e: {  	v15 =	vld [tilespmem:s25+$0xFFFFFFE0]  }
0x19f: {  	[tilespmem:v9+s15+$0x0] =	vst.idx.add.f32.msk $0xffff, v10  }
0x1a0: {  	s23 =	sadd.s32 $0x40, s23;
	v9 =	vshll.u32 v12, $0x2;
	[tilespmem:v8+s15+$0x0] =	vst.idx.add.f32.msk $0xffff, v11  }
0x1a1: {  	v11 =	vand.u32 $0x7F, v12;
	v8 =	vshll.u32 v13, $0x2;
	v10 =	vld [tilespmem:s23+$0x10];
	v9 =	vand.u32 $0xFFFFFE00, v9  }
0x1a2: {  	v12 =	vld [tilespmem:s23+$0xFFFFFFE0];
	v8 =	vand.u32 $0xFFFFFE00, v8;
	v16 =	vshll.u32 v14, $0x2;
	v11 =	vor.u32 v11, v9  }
0x1a3: {  	v9 =	vand.u32 $0x7F, v15;
	v15 =	vshll.u32 v15, $0x2;
	v17 =	vld [tilespmem:s23+$0xFFFFFFF0];
	v16 =	vand.u32 $0xFFFFFE00, v16  }
0x1a4: {  	v13 =	vand.u32 $0x7F, v13;
	v14 =	vand.u32 $0x7F, v14;
	v15 =	vand.u32 $0xFFFFFE00, v15;
	v18 =	vld [tilespmem:s23+$0x0]  }
0x1a5: {  	v13 =	vor.u32 v13, v8;
	v14 =	vor.u32 v14, v16;
	v15 =	vor.u32 v9, v15;
	v7 =	vld.idx.msk [tilespmem:v7+s2+$0x0], $0xffff  }
0x1a6: {  	v19 =	vor.u32 $0x80, v13;
	v16 =	vor.u32 $0x80, v15;
	v8 =	vshll.u32 v10, $0x2;
	v20 =	vld.idx.msk [tilespmem:v5+s2+$0x0], $0xffff  }
0x1a7: {  	v10 =	vand.u32 $0x7F, v10;
	v5 =	vshll.u32 v12, $0x2;
	v9 =	vld.idx.msk [tilespmem:v11+s2+$0x0], $0xffff;
	v8 =	vand.u32 $0xFFFFFE00, v8  }
0x1a8: {  	v5 =	vand.u32 $0xFFFFFE00, v5;
	v21 =	vshll.u32 v17, $0x2;
	v10 =	vor.u32 v10, v8;
	v6 =	vld.idx.msk [tilespmem:v6+s2+$0x0], $0xffff  }
0x1a9: {  	v22 =	vor.u32 $0x80, v11;
	v8 =	vand.u32 $0xFFFFFE00, v21;
	v21 =	vshll.u32 v18, $0x2;
	[tilespmem:v1+s15+$0x0] =	vst.idx.add.f32.msk $0xffff, v0;
	v1 =	vmovc v4  }
0x1aa: {  	v0 =	vand.u32 $0x7F, v12;
	v12 =	vand.u32 $0x7F, v17;
	v4 =	vld.idx.msk [tilespmem:v15+s2+$0x0], $0xffff;
	v17 =	vand.u32 $0xFFFFFE00, v21  }
0x1ab: {  	v21 =	vor.u32 v0, v5;
	v12 =	vor.u32 v12, v8;
	v0 =	vand.u32 $0x7F, v18;
	v23 =	vld.idx.msk [tilespmem:v13+s2+$0x0], $0xffff  }
0x1ac: {  	v25 =	vor.u32 $0x80, v14;
	v18 =	vor.u32 $0x80, v21;
	v17 =	vor.u32 v0, v17;
	v24 =	vld.idx.msk [tilespmem:v14+s2+$0x0], $0xffff  }
0x1ad: {  	v26 =	vor.u32 $0x100, v15;
	v27 =	vor.u32 $0x80, v12;
	v28 =	vor.u32 $0x80, v17;
	[tilespmem:v10+s15+$0x0] =	vst.idx.add.f32.msk $0xffff, v9  }
0x1ae: {  	v30 =	vor.u32 $0x100, v13;
	v31 =	vor.u32 $0x100, v14;
	v29 =	vor.u32 $0x100, v21;
	v0 =	vmovc v6;
	v22 =	vld.idx.msk [tilespmem:v22+s2+$0x0], $0xffff  }
0x1af: {  	v32 =	vor.u32 $0x80, v10;
	v8 =	vor.u32 $0x100, v17;
	v9 =	vor.u32 $0x100, v12;
	[tilespmem:v3+s15+$0x0] =	vst.idx.add.f32.msk $0xffff, v7  }
0x1b0: {  	v5 =	vor.u32 $0x180, v13;
	v13 =	vor.u32 $0x100, v11;
	v7 =	vor.u32 $0x180, v15;
	[tilespmem:v21+s15+$0x0] =	vst.idx.add.f32.msk $0xffff, v4  }
0x1b1: {  	v6 =	vor.u32 $0x180, v14;
	v3 =	vor.u32 $0x180, v21;
	[tilespmem:v12+s15+$0x0] =	vst.idx.add.f32.msk $0xffff, v23;
	v12 =	vor.u32 $0x180, v12  }
0x1b2: {  	v4 =	vor.u32 $0x180, v17;
	[tilespmem:v17+s15+$0x0] =	vst.idx.add.f32.msk $0xffff, v24  }
0x1b3: {  	v14 =	vld.idx.msk [tilespmem:v16+s2+$0x0], $0xffff  }
0x1b4: {  	[tilespmem:v32+s15+$0x0] =	vst.idx.add.f32.msk $0xffff, v22  }
0x1b5: {  	v13 =	vld.idx.msk [tilespmem:v13+s2+$0x0], $0xffff  }
0x1b6: {  	v16 =	vor.u32 $0x100, v10;
	v15 =	vld.idx.msk [tilespmem:v19+s2+$0x0], $0xffff  }
0x1b7: {  	v11 =	vor.u32 $0x180, v11;
	v17 =	vld.idx.msk [tilespmem:v25+s2+$0x0], $0xffff  }
0x1b8: {  	[tilespmem:v2+s15+$0x0] =	vst.idx.add.f32.msk $0xffff, v20;
	v2 =	vmov v12  }
0x1b9: {  	[tilespmem:v18+s15+$0x0] =	vst.idx.add.f32.msk $0xffff, v14  }
0x1ba: {  	v12 =	vld.idx.msk [tilespmem:v26+s2+$0x0], $0xffff  }
0x1bb: {  	[tilespmem:v16+s15+$0x0] =	vst.idx.add.f32.msk $0xffff, v13  }
0x1bc: {  	v13 =	vld.idx.msk [tilespmem:v11+s2+$0x0], $0xffff  }
0x1bd: {  	v14 =	vor.u32 $0x180, v10;
	[tilespmem:v27+s15+$0x0] =	vst.idx.add.f32.msk $0xffff, v15  }
.Ltmp3:
0x1be: {  	[tilespmem:v28+s15+$0x0] =	vst.idx.add.f32.msk $0xffff, v17;
	(pc) =	sbr.rel @p0 .LBB2_9-.Ltmp3, $4  }
0x1bf: {  	v10 =	vld.idx.msk [tilespmem:v30+s2+$0x0], $0xffff  }
0x1c0: {  	v11 =	vld.idx.msk [tilespmem:v31+s2+$0x0], $0xffff  }
0x1c1: {  	[tilespmem:v29+s15+$0x0] =	vst.idx.add.f32.msk $0xffff, v12  }
0x1c2: {  	s25 =	sadd.s32 $0x40, s25;
	[tilespmem:v14+s15+$0x0] =	vst.idx.add.f32.msk $0xffff, v13  }
0x1c3: {  	_ =	sdelay $0x3  }
0x1c4: {  	v7 =	vld.idx.msk [tilespmem:v7+s2+$0x0], $0xffff  }
0x1c5: {  	[tilespmem:v9+s15+$0x0] =	vst.idx.add.f32.msk $0xffff, v10  }
0x1c6: {  	[tilespmem:v8+s15+$0x0] =	vst.idx.add.f32.msk $0xffff, v11  }
0x1c7: {  	v5 =	vld.idx.msk [tilespmem:v5+s2+$0x0], $0xffff  }
0x1c8: {  	v6 =	vld.idx.msk [tilespmem:v6+s2+$0x0], $0xffff;
	_ =	sdelay $0x1  }
0x1c9: {  	[tilespmem:v1+s15+$0x0] =	vst.idx.add.f32.msk $0xffff, v0;
	p0 =	seq.s32 s21, $0x9  }
0x1ca: {  	s22 =	sshrl.u32 @!p0 s22, $0x3;
	[tilespmem:v3+s15+$0x0] =	vst.idx.add.f32.msk $0xffff, v7  }
0x1cb: {  	s22 =	sadd.s32 @!p0 $0x7D0, s22;
	[tilespmem:v2+s15+$0x0] =	vst.idx.add.f32.msk $0xffff, v5  }
0x1cc: {  	s24 =	simm.s32 @!p0 $0x0;
	s25 =	simm.s32 @!p0 $0x14000;
	s23 =	sadd.s32 @!p0 s3, s22;
	[tilespmem:v4+s15+$0x0] =	vst.idx.add.f32.msk $0xffff, v6  }
0x1cd: {  	[tilespmem:s25], [sflag:$0x1] =	stream.linear.gather @!p0 [hbm4b:s23+s24], $0x1F40, $0x38;
	[tilespmem:$0x1BE00] =	vst v63  }
0x1ce: {  	s22 =	sadd.s32 @!p0 s4, s22;
	s23 =	simm.s32 @!p0 $0x17F00  }
0x1cf: {  	[tilespmem:s23], [sflag:$0x1] =	stream.linear.gather @!p0 [hbm4b:s22+s24], $0x1F40, $0x38;
	[tilespmem:$0x1BE00] =	vst v63  }
0x1d0: {  	_ =	swait.ge [sflag:s19], $0x1F40  }
0x1d1: {  	[sflag:s19] =	ssyncset.done $0x0  }
0x1d2: {  	[sflag:s19] =	ssyncadd.s32 $0xFFFFE0C0  }
0x1d3: {  	_ =	swait.ge [sflag:s19], $0x1F40  }
0x1d4: {  	[sflag:s19] =	ssyncset.done $0x0  }
0x1d5: {  	s29 =	simm.s32 $0x15FA0;
	[sflag:s19] =	ssyncadd.s32 $0xFFFFE0C0  }
0x1d6: {  	v0 =	vld [tilespmem:s29+$0x10]  }
0x1d7: {  	v1 =	vld [tilespmem:s29+$0xFFFFFFF0]  }
0x1d8: {  	s30 =	simm.s32 $0x19EA0;
	v2 =	vld [tilespmem:s29+$0x0]  }
0x1d9: {  	v9 =	vld [tilespmem:s30+$0xFFFFFFF0]  }
0x1da: {  	v10 =	vld [tilespmem:s30+$0x0];
	_ =	sdelay $0x1  }
0x1db: {  	v3 =	vld [tilespmem:s29+$0xFFFFFFE0]  }
0x1dc: {  	v4 =	vshll.u32 v0, $0x2;
	v5 =	vshll.u32 v1, $0x2  }
0x1dd: {  	v6 =	vld [tilespmem:s30+$0x10];
	v0 =	vand.u32 $0x7F, v0;
	v8 =	vshll.u32 v2, $0x2;
	v1 =	vand.u32 $0x7F, v1  }
0x1de: {  	v7 =	vld [tilespmem:s30+$0xFFFFFFE0];
	v2 =	vand.u32 $0x7F, v2;
	v11 =	vshll.u32 v9, $0x2;
	v12 =	vshll.u32 v10, $0x2  }
0x1df: {  	v9 =	vand.u32 $0x7F, v9;
	v4 =	vand.u32 $0xFFFFFE00, v4;
	v5 =	vand.u32 $0xFFFFFE00, v5  }
0x1e0: {  	v8 =	vand.u32 $0xFFFFFE00, v8;
	v0 =	vor.u32 v0, v4;
	v4 =	vshll.u32 v3, $0x2  }
0x1e1: {  	v3 =	vand.u32 $0x7F, v3;
	v2 =	vor.u32 v2, v8;
	v4 =	vand.u32 $0xFFFFFE00, v4  }
0x1e2: {  	s31 =	simm.s32 $0x15FE0;
	v3 =	vor.u32 v3, v4;
	v4 =	vor.u32 v1, v5;
	v1 =	vshll.u32 v6, $0x2  }
0x1e3: {  	v50 =	vld [tilespmem:s31+$0xFFFFFFE0];
	v5 =	vshll.u32 v7, $0x2;
	v6 =	vand.u32 $0x7F, v6;
	v1 =	vand.u32 $0xFFFFFE00, v1  }
0x1e4: {  	v51 =	vld [tilespmem:s31+$0x0];
	v7 =	vand.u32 $0x7F, v7;
	v5 =	vand.u32 $0xFFFFFE00, v5;
	v6 =	vor.u32 v6, v1  }
0x1e5: {  	s22 =	simm.s32 $0x19EE0;
	v1 =	vand.u32 $0xFFFFFE00, v11;
	v11 =	vor.u32 $0x80, v0;
	v5 =	vor.u32 v7, v5;
	v8 =	vld.idx.msk [tilespmem:v0+s2+$0x0], $0xffff  }
0x1e6: {  	v53 =	vld [tilespmem:s22+$0xFFFFFFF0];
	v7 =	vand.u32 $0xFFFFFE00, v12;
	v9 =	vor.u32 v9, v1;
	v1 =	vand.u32 $0x7F, v10  }
0x1e7: {  	v10 =	vld.idx.msk [tilespmem:v2+s2+$0x0], $0xffff;
	v1 =	vor.u32 v1, v7  }
0x1e8: {  	v13 =	vld.idx.msk [tilespmem:v3+s2+$0x0], $0xffff  }
0x1e9: {  	v44 =	vld.idx.msk [tilespmem:v4+s2+$0x0], $0xffff  }
0x1ea: {  	v46 =	vor.u32 $0x80, v2;
	[tilespmem:v6+s15+$0x0] =	vst.idx.add.f32.msk $0xffff, v8  }
0x1eb: {  	v7 =	vor.u32 $0x80, v3;
	v8 =	vld.idx.msk [tilespmem:v11+s2+$0x0], $0xffff  }
0x1ec: {  	v11 =	vor.u32 $0x80, v6;
	[tilespmem:v1+s15+$0x0] =	vst.idx.add.f32.msk $0xffff, v10  }
0x1ed: {  	v45 =	vor.u32 $0x100, v0;
	[tilespmem:v5+s15+$0x0] =	vst.idx.add.f32.msk $0xffff, v13  }
0x1ee: {  	v14 =	vor.u32 $0x80, v4;
	[tilespmem:v9+s15+$0x0] =	vst.idx.add.f32.msk $0xffff, v44  }
0x1ef: {  	v16 =	vor.u32 $0x80, v1;
	v12 =	vld.idx.msk [tilespmem:v46+s2+$0x0], $0xffff  }
0x1f0: {  	v10 =	vor.u32 $0x80, v5;
	v7 =	vld.idx.msk [tilespmem:v7+s2+$0x0], $0xffff  }
0x1f1: {  	v15 =	vor.u32 $0x100, v3;
	[tilespmem:v11+s15+$0x0] =	vst.idx.add.f32.msk $0xffff, v8  }
0x1f2: {  	v11 =	vor.u32 $0x100, v6;
	v8 =	vld.idx.msk [tilespmem:v45+s2+$0x0], $0xffff  }
0x1f3: {  	v48 =	vor.u32 $0x80, v9;
	v47 =	vld.idx.msk [tilespmem:v14+s2+$0x0], $0xffff  }
0x1f4: {  	v0 =	vor.u32 $0x180, v0;
	[tilespmem:v16+s15+$0x0] =	vst.idx.add.f32.msk $0xffff, v12  }
0x1f5: {  	v49 =	vor.u32 $0x100, v2;
	[tilespmem:v10+s15+$0x0] =	vst.idx.add.f32.msk $0xffff, v7  }
0x1f6: {  	v7 =	vor.u32 $0x100, v4;
	v10 =	vld.idx.msk [tilespmem:v15+s2+$0x0], $0xffff  }
0x1f7: {  	[tilespmem:v11+s15+$0x0] =	vst.idx.add.f32.msk $0xffff, v8;
	v8 =	vor.u32 $0x100, v5  }
0x1f8: {  	[tilespmem:v48+s15+$0x0] =	vst.idx.add.f32.msk $0xffff, v47  }
0x1f9: {  	v6 =	vor.u32 $0x180, v6;
	v0 =	vld.idx.msk [tilespmem:v0+s2+$0x0], $0xffff  }
0x1fa: {  	v11 =	vld.idx.msk [tilespmem:v49+s2+$0x0], $0xffff  }
0x1fb: {  	v3 =	vor.u32 $0x180, v3;
	v7 =	vld.idx.msk [tilespmem:v7+s2+$0x0], $0xffff  }
0x1fc: {  	[tilespmem:v8+s15+$0x0] =	vst.idx.add.f32.msk $0xffff, v10;
	v8 =	vor.u32 $0x100, v9  }
0x1fd: {  	v10 =	vld [tilespmem:s31+$0xFFFFFFF0]  }
0x1fe: {  	[tilespmem:v6+s15+$0x0] =	vst.idx.add.f32.msk $0xffff, v0;
	v6 =	vor.u32 $0x100, v1  }
0x1ff: {  	v0 =	vld [tilespmem:s31+$0x10]  }
0x200: {  	v4 =	vor.u32 $0x180, v4;
	v3 =	vld.idx.msk [tilespmem:v3+s2+$0x0], $0xffff  }
0x201: {  	[tilespmem:v8+s15+$0x0] =	vst.idx.add.f32.msk $0xffff, v7  }
0x202: {  	v52 =	vshll.u32 v51, $0x2;
	v17 =	vshll.u32 v53, $0x2;
	v8 =	vld [tilespmem:s22+$0x10]  }
0x203: {  	v17 =	vand.u32 $0xFFFFFE00, v17;
	v2 =	vor.u32 $0x180, v2;
	v5 =	vor.u32 $0x180, v5;
	[tilespmem:v6+s15+$0x0] =	vst.idx.add.f32.msk $0xffff, v11  }
0x204: {  	v9 =	vor.u32 $0x180, v9;
	v7 =	vshll.u32 v0, $0x2;
	v6 =	vshll.u32 v10, $0x2;
	v11 =	vld [tilespmem:s22+$0xFFFFFFE0]  }
0x205: {  	v0 =	vand.u32 $0x7F, v0;
	v10 =	vand.u32 $0x7F, v10;
	v4 =	vld.idx.msk [tilespmem:v4+s2+$0x0], $0xffff;
	v7 =	vand.u32 $0xFFFFFE00, v7  }
0x206: {  	v6 =	vand.u32 $0xFFFFFE00, v6;
	v7 =	vor.u32 v0, v7;
	v0 =	vshll.u32 v50, $0x2  }
0x207: {  	v12 =	vand.u32 $0x7F, v50;
	v6 =	vor.u32 v10, v6;
	v0 =	vand.u32 $0xFFFFFE00, v0  }
0x208: {  	v54 =	vld [tilespmem:s22+$0x0];
	v14 =	vand.u32 $0xFFFFFE00, v52;
	v12 =	vor.u32 v12, v0;
	v0 =	vand.u32 $0x7F, v51  }
0x209: {  	v15 =	vand.u32 $0x7F, v53;
	[tilespmem:v5+s15+$0x0] =	vst.idx.add.f32.msk $0xffff, v3;
	v10 =	vshll.u32 v8, $0x2;
	v13 =	vor.u32 v0, v14  }
0x20a: {  	v0 =	vand.u32 $0x7F, v8;
	v8 =	vand.u32 $0xFFFFFE00, v10;
	v55 =	vshll.u32 v11, $0x2;
	[tilespmem:v9+s15+$0x0] =	vst.idx.add.f32.msk $0xffff, v4  }
0x20b: {  	v11 =	vand.u32 $0x7F, v11;
	v8 =	vor.u32 v0, v8;
	v14 =	vand.u32 $0xFFFFFE00, v55;
	v10 =	vld.idx.msk [tilespmem:v7+s2+$0x0], $0xffff  }
0x20c: {  	v15 =	vor.u32 v15, v17;
	v14 =	vor.u32 v11, v14;
	v11 =	vld.idx.msk [tilespmem:v6+s2+$0x0], $0xffff  }
0x20d: {  	v0 =	vld.idx.msk [tilespmem:v2+s2+$0x0], $0xffff;
	v2 =	vor.u32 $0x80, v7  }
0x20e: {  	v19 =	vshll.u32 v54, $0x2;
	v5 =	vor.u32 $0x80, v6;
	v18 =	vld.idx.msk [tilespmem:v12+s2+$0x0], $0xffff  }
0x20f: {  	v19 =	vand.u32 $0xFFFFFE00, v19;
	v16 =	vand.u32 $0x7F, v54;
	v56 =	vld.idx.msk [tilespmem:v13+s2+$0x0], $0xffff  }
0x210: {  	v16 =	vor.u32 v16, v19;
	[tilespmem:v8+s15+$0x0] =	vst.idx.add.f32.msk $0xffff, v10  }
0x211: {  	v10 =	vor.u32 $0x80, v12;
	[tilespmem:v15+s15+$0x0] =	vst.idx.add.f32.msk $0xffff, v11  }
0x212: {  	v57 =	vor.u32 $0x80, v8;
	v2 =	vld.idx.msk [tilespmem:v2+s2+$0x0], $0xffff  }
0x213: {  	v3 =	vor.u32 $0x100, v7;
	v5 =	vld.idx.msk [tilespmem:v5+s2+$0x0], $0xffff  }
0x214: {  	v11 =	vor.u32 $0x80, v13;
	[tilespmem:v14+s15+$0x0] =	vst.idx.add.f32.msk $0xffff, v18  }
0x215: {  	v60 =	vor.u32 $0x80, v15;
	[tilespmem:v16+s15+$0x0] =	vst.idx.add.f32.msk $0xffff, v56  }
0x216: {  	v58 =	vor.u32 $0x80, v14;
	v10 =	vld.idx.msk [tilespmem:v10+s2+$0x0], $0xffff  }
0x217: {  	[tilespmem:v57+s15+$0x0] =	vst.idx.add.f32.msk $0xffff, v2;
	v2 =	vor.u32 $0x100, v12  }
0x218: {  	v59 =	vor.u32 $0x100, v8;
	v3 =	vld.idx.msk [tilespmem:v3+s2+$0x0], $0xffff  }
0x219: {  	v7 =	vor.u32 $0x180, v7;
	v11 =	vld.idx.msk [tilespmem:v11+s2+$0x0], $0xffff  }
0x21a: {  	v4 =	vor.u32 $0x80, v16;
	[tilespmem:v60+s15+$0x0] =	vst.idx.add.f32.msk $0xffff, v5  }
0x21b: {  	v9 =	vor.u32 $0x100, v6;
	[tilespmem:v58+s15+$0x0] =	vst.idx.add.f32.msk $0xffff, v10  }
0x21c: {  	v61 =	vor.u32 $0x100, v13;
	v2 =	vld.idx.msk [tilespmem:v2+s2+$0x0], $0xffff  }
0x21d: {  	v62 =	vor.u32 $0x100, v14;
	[tilespmem:v59+s15+$0x0] =	vst.idx.add.f32.msk $0xffff, v3  }
0x21e: {  	v63 =	vor.u32 $0x180, v8;
	v20 =	vld.idx.msk [tilespmem:v7+s2+$0x0], $0xffff  }
0x21f: {  	[tilespmem:v4+s15+$0x0] =	vst.idx.add.f32.msk $0xffff, v11  }
0x220: {  	v10 =	vld.idx.msk [tilespmem:v9+s2+$0x0], $0xffff  }
0x221: {  	v1 =	vor.u32 $0x180, v1;
	v8 =	vor.u32 $0x100, v16;
	v5 =	vor.u32 $0x180, v6;
	v11 =	vld.idx.msk [tilespmem:v61+s2+$0x0], $0xffff  }
0x222: {  	v6 =	vor.u32 $0x180, v13;
	v9 =	vor.u32 $0x100, v15;
	v4 =	vor.u32 $0x180, v16;
	[tilespmem:v62+s15+$0x0] =	vst.idx.add.f32.msk $0xffff, v2  }
0x223: {  	s23 =	simm.s32 $0x4;
	s24 =	simm.s32 $0x16020;
	v3 =	vor.u32 $0x180, v14;
	v7 =	vor.u32 $0x180, v12;
	v2 =	vor.u32 $0x180, v15;
	[tilespmem:v63+s15+$0x0] =	vst.idx.add.f32.msk $0xffff, v20  }
.LBB2_11:
0x224: {  	v12 =	vld [tilespmem:s24+$0x10];
	s23 =	sadd.s32 $0x4, s23  }
0x225: {  	v13 =	vld [tilespmem:s24+$0xFFFFFFF0];
	p0 =	slt.u32 s23, $0x1F0  }
0x226: {  	v14 =	vld [tilespmem:s24+$0x0]  }
0x227: {  	v15 =	vld [tilespmem:s24+$0xFFFFFFE0]  }
0x228: {  	[tilespmem:v9+s15+$0x0] =	vst.idx.add.f32.msk $0xffff, v10  }
0x229: {  	s22 =	sadd.s32 $0x40, s22;
	v9 =	vshll.u32 v12, $0x2;
	[tilespmem:v8+s15+$0x0] =	vst.idx.add.f32.msk $0xffff, v11  }
0x22a: {  	v11 =	vand.u32 $0x7F, v12;
	v8 =	vshll.u32 v13, $0x2;
	v10 =	vld [tilespmem:s22+$0x10];
	v9 =	vand.u32 $0xFFFFFE00, v9  }
0x22b: {  	v12 =	vld [tilespmem:s22+$0xFFFFFFE0];
	v8 =	vand.u32 $0xFFFFFE00, v8;
	v16 =	vshll.u32 v14, $0x2;
	v11 =	vor.u32 v11, v9  }
0x22c: {  	v9 =	vand.u32 $0x7F, v15;
	v15 =	vshll.u32 v15, $0x2;
	v17 =	vld [tilespmem:s22+$0xFFFFFFF0];
	v16 =	vand.u32 $0xFFFFFE00, v16  }
0x22d: {  	v13 =	vand.u32 $0x7F, v13;
	v14 =	vand.u32 $0x7F, v14;
	v15 =	vand.u32 $0xFFFFFE00, v15;
	v18 =	vld [tilespmem:s22+$0x0]  }
0x22e: {  	v13 =	vor.u32 v13, v8;
	v14 =	vor.u32 v14, v16;
	v15 =	vor.u32 v9, v15;
	v7 =	vld.idx.msk [tilespmem:v7+s2+$0x0], $0xffff  }
0x22f: {  	v19 =	vor.u32 $0x80, v13;
	v16 =	vor.u32 $0x80, v15;
	v8 =	vshll.u32 v10, $0x2;
	v20 =	vld.idx.msk [tilespmem:v5+s2+$0x0], $0xffff  }
0x230: {  	v10 =	vand.u32 $0x7F, v10;
	v5 =	vshll.u32 v12, $0x2;
	v9 =	vld.idx.msk [tilespmem:v11+s2+$0x0], $0xffff;
	v8 =	vand.u32 $0xFFFFFE00, v8  }
0x231: {  	v5 =	vand.u32 $0xFFFFFE00, v5;
	v21 =	vshll.u32 v17, $0x2;
	v10 =	vor.u32 v10, v8;
	v6 =	vld.idx.msk [tilespmem:v6+s2+$0x0], $0xffff  }
0x232: {  	v22 =	vor.u32 $0x80, v11;
	v8 =	vand.u32 $0xFFFFFE00, v21;
	v21 =	vshll.u32 v18, $0x2;
	[tilespmem:v1+s15+$0x0] =	vst.idx.add.f32.msk $0xffff, v0;
	v1 =	vmovc v4  }
0x233: {  	v0 =	vand.u32 $0x7F, v12;
	v12 =	vand.u32 $0x7F, v17;
	v4 =	vld.idx.msk [tilespmem:v15+s2+$0x0], $0xffff;
	v17 =	vand.u32 $0xFFFFFE00, v21  }
0x234: {  	v21 =	vor.u32 v0, v5;
	v12 =	vor.u32 v12, v8;
	v0 =	vand.u32 $0x7F, v18;
	v23 =	vld.idx.msk [tilespmem:v13+s2+$0x0], $0xffff  }
0x235: {  	v25 =	vor.u32 $0x80, v14;
	v18 =	vor.u32 $0x80, v21;
	v17 =	vor.u32 v0, v17;
	v24 =	vld.idx.msk [tilespmem:v14+s2+$0x0], $0xffff  }
0x236: {  	v26 =	vor.u32 $0x100, v15;
	v27 =	vor.u32 $0x80, v12;
	v28 =	vor.u32 $0x80, v17;
	[tilespmem:v10+s15+$0x0] =	vst.idx.add.f32.msk $0xffff, v9  }
0x237: {  	v30 =	vor.u32 $0x100, v13;
	v31 =	vor.u32 $0x100, v14;
	v29 =	vor.u32 $0x100, v21;
	v0 =	vmovc v6;
	v22 =	vld.idx.msk [tilespmem:v22+s2+$0x0], $0xffff  }
0x238: {  	v32 =	vor.u32 $0x80, v10;
	v8 =	vor.u32 $0x100, v17;
	v9 =	vor.u32 $0x100, v12;
	[tilespmem:v3+s15+$0x0] =	vst.idx.add.f32.msk $0xffff, v7  }
0x239: {  	v5 =	vor.u32 $0x180, v13;
	v13 =	vor.u32 $0x100, v11;
	v7 =	vor.u32 $0x180, v15;
	[tilespmem:v21+s15+$0x0] =	vst.idx.add.f32.msk $0xffff, v4  }
0x23a: {  	v6 =	vor.u32 $0x180, v14;
	v3 =	vor.u32 $0x180, v21;
	[tilespmem:v12+s15+$0x0] =	vst.idx.add.f32.msk $0xffff, v23;
	v12 =	vor.u32 $0x180, v12  }
0x23b: {  	v4 =	vor.u32 $0x180, v17;
	[tilespmem:v17+s15+$0x0] =	vst.idx.add.f32.msk $0xffff, v24  }
0x23c: {  	v14 =	vld.idx.msk [tilespmem:v16+s2+$0x0], $0xffff  }
0x23d: {  	[tilespmem:v32+s15+$0x0] =	vst.idx.add.f32.msk $0xffff, v22  }
0x23e: {  	v13 =	vld.idx.msk [tilespmem:v13+s2+$0x0], $0xffff  }
0x23f: {  	v16 =	vor.u32 $0x100, v10;
	v15 =	vld.idx.msk [tilespmem:v19+s2+$0x0], $0xffff  }
0x240: {  	v11 =	vor.u32 $0x180, v11;
	v17 =	vld.idx.msk [tilespmem:v25+s2+$0x0], $0xffff  }
0x241: {  	[tilespmem:v2+s15+$0x0] =	vst.idx.add.f32.msk $0xffff, v20;
	v2 =	vmov v12  }
0x242: {  	[tilespmem:v18+s15+$0x0] =	vst.idx.add.f32.msk $0xffff, v14  }
0x243: {  	v12 =	vld.idx.msk [tilespmem:v26+s2+$0x0], $0xffff  }
0x244: {  	[tilespmem:v16+s15+$0x0] =	vst.idx.add.f32.msk $0xffff, v13  }
0x245: {  	v13 =	vld.idx.msk [tilespmem:v11+s2+$0x0], $0xffff  }
0x246: {  	v14 =	vor.u32 $0x180, v10;
	[tilespmem:v27+s15+$0x0] =	vst.idx.add.f32.msk $0xffff, v15  }
.Ltmp4:
0x247: {  	[tilespmem:v28+s15+$0x0] =	vst.idx.add.f32.msk $0xffff, v17;
	(pc) =	sbr.rel @p0 .LBB2_11-.Ltmp4, $4  }
0x248: {  	v10 =	vld.idx.msk [tilespmem:v30+s2+$0x0], $0xffff  }
0x249: {  	v11 =	vld.idx.msk [tilespmem:v31+s2+$0x0], $0xffff  }
0x24a: {  	[tilespmem:v29+s15+$0x0] =	vst.idx.add.f32.msk $0xffff, v12  }
0x24b: {  	s24 =	sadd.s32 $0x40, s24;
	[tilespmem:v14+s15+$0x0] =	vst.idx.add.f32.msk $0xffff, v13  }
0x24c: {  	_ =	sdelay $0x3  }
0x24d: {  	v7 =	vld.idx.msk [tilespmem:v7+s2+$0x0], $0xffff  }
0x24e: {  	[tilespmem:v9+s15+$0x0] =	vst.idx.add.f32.msk $0xffff, v10  }
0x24f: {  	[tilespmem:v8+s15+$0x0] =	vst.idx.add.f32.msk $0xffff, v11  }
0x250: {  	s21 =	sadd.s32 $0x1, s21;
	v5 =	vld.idx.msk [tilespmem:v5+s2+$0x0], $0xffff  }
0x251: {  	p0 =	sne.s32 s21, $0xA;
	v6 =	vld.idx.msk [tilespmem:v6+s2+$0x0], $0xffff  }
.Ltmp5:
0x252: {  	_ = 	snop;
	(pc) =	sbr.rel @p0 .LBB2_8-.Ltmp5, $4  }
0x253: {  	[tilespmem:v1+s15+$0x0] =	vst.idx.add.f32.msk $0xffff, v0  }
0x254: {  	[tilespmem:v3+s15+$0x0] =	vst.idx.add.f32.msk $0xffff, v7  }
0x255: {  	[tilespmem:v2+s15+$0x0] =	vst.idx.add.f32.msk $0xffff, v5  }
0x256: {  	[tilespmem:v4+s15+$0x0] =	vst.idx.add.f32.msk $0xffff, v6  }
0x257: {  	s20 =	sadd.s32 $0x1, s20  }
0x258: {  	p0 =	sne.s32 s20, s9  }
.Ltmp6:
0x259: {  	_ = 	snop;
	(pc) =	sbr.rel @p0 .LBB2_1-.Ltmp6, $4  }
0x25a: {  	[hbm4b:s8+s12] =	stream.strided.scatter [tilespmem:s15], [sflag:$0x3], $0xA000, s13, s12, $0x38;
	[tilespmem:$0x1BE00] =	vst v63  }
0x25b: {  	_ =	swait.ge [sflag:s14], $0xA000  }
0x25c: {  	[sflag:s14] =	ssyncset.done $0x0  }
0x25d: {  	[sflag:s14] =	ssyncadd.s32 $0xFFFF6000  }
0x25e: {  	_ =	sfence.sel $0x180000  }
0x25f: {  	[bflag:$0x0] =	sbarrier.arrive $0xFFFF  }
0x260: {  	p0 =	sne.s32 s1, $0x0;
	_ =	strace $0x9000004A  }
0x261: {  	s0 =	sadd.s32 @!p0 $0x100000, s0;
	[bflag:$0x2] =	sbarrier.arrive $0xFFFF  }
0x262: {  	[sflag:s0] =	ssyncadd.tile.s32 @!p0 $0x1;
	_ =	shalt  }
.Lfunc_end2:
_tile_overlayer_lowered:
.L_overlay_start_2:
0x263: {  	(tag) =	ssettag $0x2  }
0x264: {  	s0 =	rddreg [dreg:$0x0];
	s2 =	stileid.u32  }
0x265: {  	s1 =	rddreg [dreg:$0x1];
	p0 =	sne.s32 s2, $0x0  }
0x266: {  	s3 =	rddreg [dreg:$0x2];
	[bflag:$0x3] =	sbarrier.arrive $0xFFFF;
	s2 =	simm.s32 @!p0 $0x1C03  }
0x267: {  	[timem:s3], [sflag:s2] =	dma.local @!p0 [hbm:s0], s1  }
0x268: {  	s0 =	simm.s32 @!p0 $0x3  }
0x269: {  	_ =	swait.ge @!p0 [sflag:s0], s1  }
0x26a: {  	s1 =	ssub.s32 @!p0 $0x0, s1;
	[sflag:s0] =	ssyncset.done @!p0 $0x0  }
0x26b: {  	[sflag:s0] =	ssyncadd.s32 @!p0 s1  }
0x26c: {  	[bflag:$0x3] =	sbarrier.arrive $0xFFFF  }
0x26d: {  	_ =	shalt  }

// kernel: kernel.14.cloned.1.call-start
scs
__scs_entry_jumppad:
0x0: {  	(pc) =	sbr.rel $0x88, $3  }
0x1: {  	(tag) =	ssettag $0x0;
	lr =	simm.s32 $0x1  }
0x2: {  	[smem:$0x3F9B] =	sst lr;
	_ =	strace $0xD0000000  }
0x3: {  	_ = 	snop  }
0x4: {  	_ = 	snop  }
0x5: {  	_ = 	snop  }
0x6: {  	_ = 	snop  }
0x7: {  	_ = 	snop  }
__scs_overlays_trampoline_lowered:
0x8: {  	[smem:$0x3FAA] =	sst s0  }
0x9: {  	[smem:$0x3FAB] =	sst s1  }
0xa: {  	[smem:$0x3FAC] =	sst s2  }
0xb: {  	[smem:$0x3FAD] =	sst s3  }
0xc: {  	[smem:$0x3FAE] =	sst s4  }
0xd: {  	[smem:$0x3FAF] =	sst s5  }
0xe: {  	[smem:$0x3FB0] =	sst s6  }
0xf: {  	[smem:$0x3FB1] =	sst s7  }
0x10: {  	[smem:$0x3FB2] =	sst s8  }
0x11: {  	[smem:$0x3FB3] =	sst s9;
	s0 =	simm.s32 @!p0 $0x0  }
0x12: {  	s1 =	sld [smem:$0x3F99];
	s0 =	simm.s32 @p0 $0x1  }
0x13: {  	[smem:$0x3FB4] =	sst s0;
	s0 =	simm.s32 @!p1 $0x0  }
0x14: {  	s2 =	sld [smem:$0x3F98];
	s0 =	simm.s32 @p1 $0x1  }
0x15: {  	[smem:$0x3FB5] =	sst s0;
	s0 =	simm.s32 @!p2 $0x0  }
0x16: {  	s3 =	sld [smem:$0x3FDB];
	s0 =	simm.s32 @p2 $0x1  }
0x17: {  	s4 =	simm.s32 $0x1BF5;
	[smem:$0x3FB7] =	sst s0  }
0x18: {  	s0 =	sld [smem:$0x3F9A];
	_ =	swait.ge [sflag:s4], $0x0  }
0x19: {  	s7 =	sld [smem:$0x3F9B]  }
0x1a: {  	s8 =	sadd.s32 $0xFFFFE003, lr  }
0x1b: {  	s9 =	sadd.s32 $0xFFFFFEF7, lr;
	s5 =	simm.s32 $0xFFFFFFFF;
	p2 =	slt.u32 s8, $0xFFFFF086  }
0x1c: {  	p1 =	slt.u32 s9, $0xF7A;
	s5 =	simm.s32 @!p2 $0x0  }
0x1d: {  	s5 =	simm.s32 @p1 $0x1;
	p0 =	seq.s32 s7, s2  }
0x1e: {  	s7 =	smul.u32 @!p0 $0xF7A, s2;
	p2 =	seq.s32 @!p0 s5, $0x0  }
0x1f: {  	s9 =	smul.u32 $0xF7A, s1;
	s8 =	simm.s32 @!p0 $0x1BF5;
	p2 =	por !p2, p0  }
0x20: {  	[sflag:s8] =	ssyncset.s32 @!p0 $0xFFFFF086;
	s6 =	sadd.s32 @!p0 s3, s7;
	s7 =	simm.s32 @!p0 $0x108  }
0x21: {  	s3 =	sadd.s32 s3, s9;
	s6 =	sadd.s32 @!p0 $0x88, s6;
	s7 =	simm.s32 @p2 $0x1082  }
0x22: {  	[simem:s7], [sflag:s8] =	dma.local @!p0 [hbm:s6], $0xF7A  }
0x23: {  	s9 =	sor.u32 $0xD0000000, s2;
	s6 =	simm.s32 $0x108;
	_ =	swait.ge @!p0 [sflag:s8], $0x0  }
0x24: {  	s3 =	sadd.s32 $0x88, s3;
	s6 =	simm.s32 @!p1 $0x1082;
	[sflag:s4] =	ssyncset.s32 $0xFFFFF086  }
0x25: {  	[simem:s6], [sflag:s4] =	dma.local [hbm:s3], $0xF7A  }
0x26: {  	[smem:$0x3F9B] =	sst s1;
	(tag) =	ssettag s2;
	_ =	strace s9  }
0x27: {  	s1 =	sld [smem:$0x3FAB]  }
0x28: {  	s2 =	sld [smem:$0x3FAC]  }
0x29: {  	s4 =	sld [smem:$0x3FAE]  }
0x2a: {  	p0 =	seq.s32 s5, $0x0;
	s5 =	sld [smem:$0x3FAF]  }
0x2b: {  	s6 =	sld [smem:$0x3FB0]  }
0x2c: {  	s7 =	sld [smem:$0x3FB1]  }
0x2d: {  	s3 =	simm.s32 $0x108;
	s8 =	sld [smem:$0x3FB2]  }
0x2e: {  	s3 =	simm.s32 @!p0 $0x1082;
	s9 =	sld [smem:$0x3FB3]  }
0x2f: {  	lr =	sadd.s32 s0, s3;
	s0 =	sld [smem:$0x3FAA]  }
0x30: {  	s3 =	sld [smem:$0x3FAD]  }
0x31: {  	[smem:$0x3FB6] =	sst s10  }
0x32: {  	s10 =	sld [smem:$0x3FB4];
	_ =	sdelay $0x3  }
0x33: {  	p0 =	seq.s32 s10, $0x1;
	s10 =	sld [smem:$0x3FB6];
	_ =	sdelay $0x3  }
0x34: {  	[smem:$0x3FB6] =	sst s10  }
0x35: {  	s10 =	sld [smem:$0x3FB5];
	_ =	sdelay $0x3  }
0x36: {  	p1 =	seq.s32 s10, $0x1;
	s10 =	sld [smem:$0x3FB6];
	_ =	sdelay $0x3  }
0x37: {  	[smem:$0x3FB6] =	sst s10  }
0x38: {  	s10 =	sld [smem:$0x3FB7]  }
0x39: {  	_ = 	snop;
	(pc) =	sbr.ind lr, $3  }
0x3a: {  	_ = 	snop  }
0x3b: {  	_ = 	snop  }
0x3c: {  	p2 =	seq.s32 s10, $0x1;
	s10 =	sld [smem:$0x3FB6]  }
0x3d: {  	_ =	shalt  }
0x3e: {  	_ =	shalt  }
0x3f: {  	_ =	shalt  }
0x40: {  	_ =	shalt  }
0x41: {  	_ =	shalt  }
0x42: {  	_ =	shalt  }
0x43: {  	_ =	shalt  }
0x44: {  	_ =	shalt  }
0x45: {  	_ =	shalt  }
0x46: {  	_ =	shalt  }
0x47: {  	_ =	shalt  }
0x48: {  	_ =	shalt  }
0x49: {  	_ =	shalt  }
0x4a: {  	_ =	shalt  }
0x4b: {  	_ =	shalt  }
0x4c: {  	_ =	shalt  }
0x4d: {  	_ =	shalt  }
0x4e: {  	_ =	shalt  }
0x4f: {  	_ =	shalt  }
0x50: {  	_ =	shalt  }
0x51: {  	_ =	shalt  }
0x52: {  	_ =	shalt  }
0x53: {  	_ =	shalt  }
0x54: {  	_ =	shalt  }
0x55: {  	_ =	shalt  }
0x56: {  	_ =	shalt  }
0x57: {  	_ =	shalt  }
0x58: {  	_ =	shalt  }
0x59: {  	_ =	shalt  }
0x5a: {  	_ =	shalt  }
0x5b: {  	_ =	shalt  }
0x5c: {  	_ =	shalt  }
0x5d: {  	_ =	shalt  }
0x5e: {  	_ =	shalt  }
0x5f: {  	_ =	shalt  }
0x60: {  	_ =	shalt  }
0x61: {  	_ =	shalt  }
0x62: {  	_ =	shalt  }
0x63: {  	_ =	shalt  }
0x64: {  	_ =	shalt  }
0x65: {  	_ =	shalt  }
0x66: {  	_ =	shalt  }
0x67: {  	_ =	shalt  }
0x68: {  	_ =	shalt  }
0x69: {  	_ =	shalt  }
0x6a: {  	_ =	shalt  }
0x6b: {  	_ =	shalt  }
0x6c: {  	_ =	shalt  }
0x6d: {  	_ =	shalt  }
0x6e: {  	_ =	shalt  }
0x6f: {  	_ =	shalt  }
0x70: {  	_ =	shalt  }
0x71: {  	_ =	shalt  }
0x72: {  	_ =	shalt  }
0x73: {  	_ =	shalt  }
0x74: {  	_ =	shalt  }
0x75: {  	_ =	shalt  }
0x76: {  	_ =	shalt  }
0x77: {  	_ =	shalt  }
0x78: {  	_ =	shalt  }
0x79: {  	_ =	shalt  }
0x7a: {  	_ =	shalt  }
0x7b: {  	_ =	shalt  }
0x7c: {  	_ =	shalt  }
0x7d: {  	_ =	shalt  }
0x7e: {  	_ =	shalt  }
0x7f: {  	_ =	shalt  }
0x80: {  	_ =	shalt  }
0x81: {  	_ =	shalt  }
0x82: {  	_ =	shalt  }
0x83: {  	_ =	shalt  }
0x84: {  	_ =	shalt  }
0x85: {  	_ =	shalt  }
0x86: {  	_ =	shalt  }
0x87: {  	_ =	shalt  }
.Lfunc_end0:
.L_simem_size_0:
called_computation.2_lowered:
.L_overlay_start_0:
0x88: {  	s2 =	sld [smem:$0x3FD9]  }
0x89: {  	s3 =	sld [smem:$0x3FFE];
	_ =	sdelay $0x1  }
0x8a: {  	s1 =	srdreg.scid  }
0x8b: {  	s0 =	sand.u32 $0x1, s1  }
0x8c: {  	s16 =	sshll.u32 s0, $0xA;
	s2 =	sadd.s32 s3, s2  }
0x8d: {  	s2 =	sadd.s32 s2, s16  }
0x8e: {  	[smem:$0x3FC2] =	sst s2  }
0x8f: {  	_ = 	snop  }
0x90: {  	(tm) =	ssettm $0x1  }
0x91: {  	s17 =	sld [smem:$0x3FFB];
	_ =	sdelay $0x3  }
0x92: {  	_ =	strace s17  }
0x93: {  	s2 =	sld [smem:$0x3FFC];
	_ =	sdelay $0x3  }
0x94: {  	_ =	strace s2  }
0x95: {  	s2 =	sld [smem:$0x3FFD];
	_ =	sdelay $0x3  }
0x96: {  	_ =	strace s2  }
0x97: {  	_ =	strace $0x8FFFFFFF  }
0x98: {  	s18 =	sld [smem:$0x3FDB];
	_ =	sdelay $0x1  }
0x99: {  	s19 =	simm.s32 $_scs_section_size  }
0x9a: {  	s4 =	simm.s32 $_size__tile_overlayer_lowered;
	s5 =	simm.s32 $_tile_overlayer_lowered  }
0x9b: {  	s22 =	simm.s32 $0x1BFF;
	s21 =	sshll.u32 s5, $0x1;
	s2 =	sadd.s32 s19, s18  }
0x9c: {  	s6 =	simm.s32 $0x0;
	s20 =	sshll.u32 s4, $0x1;
	s4 =	sadd.s32 s21, s2  }
0x9d: {  	[timem:s6], [sflag:s22] =	dma.local [hbm:s4], s20  }
0x9e: {  	_ =	swait.ge [sflag:s22], s20  }
0x9f: {  	s3 =	ssub.s32 $0x0, s20;
	[sflag:s22] =	ssyncset.done $0x0  }
0xa0: {  	[sflag:s22] =	ssyncadd.s32 s3;
	_ =	sdelay $0x1  }
0xa1: {  	s23 =	simm.s32 $0x1B8B  }
0xa2: {  	_ =	swait.ge [sflag:s23], $0x1  }
0xa3: {  	[sflag:s23] =	ssyncset.done $0x0  }
0xa4: {  	s25 =	simm.s32 $0x1B8E;
	s24 =	sld [smem:$0x3FFE];
	[sflag:s23] =	ssyncadd.s32 $0xFFFFFFFF  }
0xa5: {  	s26 =	simm.s32 $execute0_lowered;
	[smem:$0x3FD2] =	sst s25  }
0xa6: {  	s4 =	sshll.u32 s26, $0x1;
	_ =	strace $0x8000004C;
	[dreg:$0x1] =	wrdreg $0xFFFFFFFF  }
0xa7: {  	s28 =	simm.s32 $_size_execute0_lowered;
	s2 =	sadd.s32 s2, s4;
	[dreg:$0x0] =	wrdreg $0x0  }
0xa8: {  	s4 =	sshll.u32 s28, $0x1;
	[dreg:$0x2] =	wrdreg s2  }
0xa9: {  	[dreg:$0x3] =	wrdreg s4  }
0xaa: {  	[dreg:$0x4] =	wrdreg $0xC0  }
0xab: {  	_ =	task [dreg:s6], $0x5FFFF  }
0xac: {  	[dreg:$0x1] =	wrdreg $0xFFFFFFFF  }
0xad: {  	[dreg:$0x0] =	wrdreg $0x60  }
0xae: {  	[dreg:$0x2] =	wrdreg s24  }
0xaf: {  	[dreg:$0x3] =	wrdreg $0x9  }
0xb0: {  	_ =	task.clear_ibuf [dreg:s6], $0x4FFFF;
	_ =	strace $0x9000004C  }
0xb1: {  	s29 =	simm.s32 $0x9;
	_ =	strace $0x8000004E  }
0xb2: {  	_ =	swait.ge [sflag:s29], $0x1  }
0xb3: {  	[sflag:s29] =	ssyncadd.s32 $0xFFFFFFFF  }
0xb4: {  	_ =	strace $0x9000004E  }
0xb5: {  	_ =	sfence  }
0xb6: {  	s30 =	sld [smem:$0x0];
	_ =	sdelay $0x2  }
0xb7: {  	s31 =	sshll.u32 s1, $0xD;
	s1 =	sshrl.u32 s1, $0x2  }
0xb8: {  	s3 =	sand.u32 $0x4000, s31;
	s1 =	sadd.s32 s1, s30  }
0xb9: {  	s0 =	sor.u32 s3, s0;
	s1 =	sshll.u32 s1, $0x11  }
0xba: {  	s0 =	sor.u32 s1, s0  }
0xbb: {  	s0 =	sadd.s32 $0x8F2B, s0  }
0xbc: {  	[sflag:s0] =	ssyncadd.remote.s32 $0x1  }
0xbd: {  	_ =	sfence.sel $0xFFFF  }
0xbe: {  	[dreg:$0x0] =	wrdreg $0xFFFFFFFF;
	(pc) =	sbr.abs _section_cstart, $3  }
0xbf: {  	[dreg:$0x1] =	wrdreg $0xFFFFFFFF  }
0xc0: {  	_ =	task.clear_ibuf [dreg:s6], $0x2FFFF;
	_ =	strace $0x9FFFFFFF  }
0xc1: {  	(tm) =	ssettm $0x7FFFFFFF  }
tec
execute0_lowered:
.L_overlay_start_1:
0x0: {  	(tag) =	ssettag $0x1  }
0x1: {  	s5 =	rddreg [dreg:$0x0];
	s1 =	srdreg.scid  }
0x2: {  	s0 =	rddreg [dreg:$0x1];
	s2 =	simm.s32 $0x0;
	s11 =	simm.s32 $0x17F00  }
0x3: {  	s12 =	simm.s32 $0x200;
	s13 =	simm.s32 $0x400;
	s14 =	simm.s32 $0x3  }
0x4: {  	s15 =	simm.s32 $0xA000;
	s16 =	simm.s32 $0x15F80;
	s17 =	simm.s32 $0x19E80  }
0x5: {  	s18 =	simm.s32 $0x1;
	s19 =	simm.s32 $0x2;
	s4 =	sand.u32 $0x1, s1  }
0x6: {  	s20 =	simm.s32 $0x0;
	s1 =	stileid.u32;
	s3 =	sshll.u32 s4, $0x4  }
0x7: {  	[smem:$0x7FF] =	sst s2;
	s7 =	sadd.s32 $0xB600, s5;
	s6 =	sor.u32 s1, s3  }
0x8: {  	s9 =	sadd.s32 $0x5B600, s5;
	s8 =	ssub.s32 $0x2, s4;
	s6 =	smul.u32 $0x2800, s6  }
0x9: {  	_ =	strace $0x8000004D;
	s4 =	sadd.s32 $0x6600, s5;
	s30 =	sshrl.u32 s8, $0x1  }
0xa: {  	s3 =	sadd.s32 $0x1600, s5;
	s10 =	ssub.s32 s8, s30;
	s31 =	sor.u32 $0x40, s6  }
0xb: {  	s5 =	sadd.s32 s7, s6;
	s6 =	sadd.s32 s9, s6;
	s7 =	sadd.s32 s7, s31  }
0xc: {  	s8 =	sadd.s32 s9, s31;
	s9 =	smax.u32 s10, $0x1;
	s10 =	simm.s32 $0x14000  }
.LBB2_1:
0xd: {  	[tilespmem:s10], [sflag:$0x1] =	stream.linear.gather [hbm4b:s3+s2], $0x1F40, $0x38;
	[tilespmem:$0x1BE00] =	vst v63  }
0xe: {  	_ = 	snop  }
0xf: {  	[tilespmem:s11], [sflag:$0x1] =	stream.linear.gather [hbm4b:s4+s2], $0x1F40, $0x38;
	[tilespmem:$0x1BE00] =	vst v63  }
0x10: {  	_ = 	snop  }
0x11: {  	[tilespmem:s2], [sflag:$0x3] =	stream.strided.gather [hbm4b:s5+s12], $0xA000, s13, s12, $0x38;
	[tilespmem:$0x1BE00] =	vst v63  }
0x12: {  	_ =	swait.ge [sflag:s14], $0xA000  }
0x13: {  	[sflag:s14] =	ssyncset.done $0x0  }
0x14: {  	[sflag:s14] =	ssyncadd.s32 $0xFFFF6000  }
0x15: {  	[tilespmem:s15], [sflag:$0x3] =	stream.strided.gather [hbm4b:s5+s12], $0xA000, s13, s12, $0x38;
	[tilespmem:$0x1BE00] =	vst v63  }
0x16: {  	_ =	swait.ge [sflag:s14], $0xA000  }
0x17: {  	[sflag:s14] =	ssyncset.done $0x0  }
0x18: {  	s21 =	simm.s32 $0x0;
	[sflag:s14] =	ssyncadd.s32 $0xFFFF6000  }
.LBB2_2:
0x19: {  	s22 =	smul.u32 $0x3E80, s21;
	_ =	sdelay $0x1  }
0x1a: {  	s23 =	sshrl.u32 s22, $0x3  }
0x1b: {  	s23 =	sadd.s32 $0x3E8, s23  }
0x1c: {  	s24 =	sadd.s32 s3, s23  }
0x1d: {  	[tilespmem:s16], [sflag:$0x2] =	stream.linear.gather [hbm4b:s24+s2], $0x1F40, $0x38;
	[tilespmem:$0x1BE00] =	vst v63  }
0x1e: {  	s23 =	sadd.s32 s4, s23  }
0x1f: {  	[tilespmem:s17], [sflag:$0x2] =	stream.linear.gather [hbm4b:s23+s2], $0x1F40, $0x38;
	[tilespmem:$0x1BE00] =	vst v63  }
0x20: {  	_ =	swait.ge [sflag:s18], $0x1F40  }
0x21: {  	[sflag:s18] =	ssyncset.done $0x0  }
0x22: {  	[sflag:s18] =	ssyncadd.s32 $0xFFFFE0C0  }
0x23: {  	_ =	swait.ge [sflag:s18], $0x1F40  }
0x24: {  	[sflag:s18] =	ssyncset.done $0x0  }
0x25: {  	s29 =	simm.s32 $0x14020;
	[sflag:s18] =	ssyncadd.s32 $0xFFFFE0C0  }
0x26: {  	v0 =	vld [tilespmem:s29+$0x10]  }
0x27: {  	v1 =	vld [tilespmem:s29+$0xFFFFFFF0]  }
0x28: {  	s30 =	simm.s32 $0x17F20;
	v2 =	vld [tilespmem:s29+$0x0]  }
0x29: {  	v9 =	vld [tilespmem:s30+$0xFFFFFFF0]  }
0x2a: {  	v10 =	vld [tilespmem:s30+$0x0];
	_ =	sdelay $0x1  }
0x2b: {  	v3 =	vld [tilespmem:s29+$0xFFFFFFE0]  }
0x2c: {  	v4 =	vshll.u32 v0, $0x2;
	v5 =	vshll.u32 v1, $0x2  }
0x2d: {  	v6 =	vld [tilespmem:s30+$0x10];
	v0 =	vand.u32 $0x7F, v0;
	v8 =	vshll.u32 v2, $0x2;
	v1 =	vand.u32 $0x7F, v1  }
0x2e: {  	v7 =	vld [tilespmem:s30+$0xFFFFFFE0];
	v2 =	vand.u32 $0x7F, v2;
	v11 =	vshll.u32 v9, $0x2;
	v12 =	vshll.u32 v10, $0x2  }
0x2f: {  	v9 =	vand.u32 $0x7F, v9;
	v4 =	vand.u32 $0xFFFFFE00, v4;
	v5 =	vand.u32 $0xFFFFFE00, v5  }
0x30: {  	v8 =	vand.u32 $0xFFFFFE00, v8;
	v0 =	vor.u32 v0, v4;
	v4 =	vshll.u32 v3, $0x2  }
0x31: {  	v3 =	vand.u32 $0x7F, v3;
	v2 =	vor.u32 v2, v8;
	v4 =	vand.u32 $0xFFFFFE00, v4  }
0x32: {  	s31 =	simm.s32 $0x14060;
	v3 =	vor.u32 v3, v4;
	v4 =	vor.u32 v1, v5;
	v1 =	vshll.u32 v6, $0x2  }
0x33: {  	v50 =	vld [tilespmem:s31+$0xFFFFFFE0];
	v5 =	vshll.u32 v7, $0x2;
	v6 =	vand.u32 $0x7F, v6;
	v1 =	vand.u32 $0xFFFFFE00, v1  }
0x34: {  	v51 =	vld [tilespmem:s31+$0x0];
	v7 =	vand.u32 $0x7F, v7;
	v5 =	vand.u32 $0xFFFFFE00, v5;
	v6 =	vor.u32 v6, v1  }
0x35: {  	s23 =	simm.s32 $0x17F60;
	v1 =	vand.u32 $0xFFFFFE00, v11;
	v11 =	vor.u32 $0x80, v0;
	v5 =	vor.u32 v7, v5;
	v8 =	vld.idx.msk [tilespmem:v0+s2+$0x0], $0xffff  }
0x36: {  	v53 =	vld [tilespmem:s23+$0xFFFFFFF0];
	v7 =	vand.u32 $0xFFFFFE00, v12;
	v9 =	vor.u32 v9, v1;
	v1 =	vand.u32 $0x7F, v10  }
0x37: {  	v10 =	vld.idx.msk [tilespmem:v2+s2+$0x0], $0xffff;
	v1 =	vor.u32 v1, v7  }
0x38: {  	v13 =	vld.idx.msk [tilespmem:v3+s2+$0x0], $0xffff  }
0x39: {  	v44 =	vld.idx.msk [tilespmem:v4+s2+$0x0], $0xffff  }
0x3a: {  	v46 =	vor.u32 $0x80, v2;
	[tilespmem:v6+s15+$0x0] =	vst.idx.add.f32.msk $0xffff, v8  }
0x3b: {  	v7 =	vor.u32 $0x80, v3;
	v8 =	vld.idx.msk [tilespmem:v11+s2+$0x0], $0xffff  }
0x3c: {  	v11 =	vor.u32 $0x80, v6;
	[tilespmem:v1+s15+$0x0] =	vst.idx.add.f32.msk $0xffff, v10  }
0x3d: {  	v45 =	vor.u32 $0x100, v0;
	[tilespmem:v5+s15+$0x0] =	vst.idx.add.f32.msk $0xffff, v13  }
0x3e: {  	v14 =	vor.u32 $0x80, v4;
	[tilespmem:v9+s15+$0x0] =	vst.idx.add.f32.msk $0xffff, v44  }
0x3f: {  	v16 =	vor.u32 $0x80, v1;
	v12 =	vld.idx.msk [tilespmem:v46+s2+$0x0], $0xffff  }
0x40: {  	v10 =	vor.u32 $0x80, v5;
	v7 =	vld.idx.msk [tilespmem:v7+s2+$0x0], $0xffff  }
0x41: {  	v15 =	vor.u32 $0x100, v3;
	[tilespmem:v11+s15+$0x0] =	vst.idx.add.f32.msk $0xffff, v8  }
0x42: {  	v11 =	vor.u32 $0x100, v6;
	v8 =	vld.idx.msk [tilespmem:v45+s2+$0x0], $0xffff  }
0x43: {  	v48 =	vor.u32 $0x80, v9;
	v47 =	vld.idx.msk [tilespmem:v14+s2+$0x0], $0xffff  }
0x44: {  	v0 =	vor.u32 $0x180, v0;
	[tilespmem:v16+s15+$0x0] =	vst.idx.add.f32.msk $0xffff, v12  }
0x45: {  	v49 =	vor.u32 $0x100, v2;
	[tilespmem:v10+s15+$0x0] =	vst.idx.add.f32.msk $0xffff, v7  }
0x46: {  	v7 =	vor.u32 $0x100, v4;
	v10 =	vld.idx.msk [tilespmem:v15+s2+$0x0], $0xffff  }
0x47: {  	[tilespmem:v11+s15+$0x0] =	vst.idx.add.f32.msk $0xffff, v8;
	v8 =	vor.u32 $0x100, v5  }
0x48: {  	[tilespmem:v48+s15+$0x0] =	vst.idx.add.f32.msk $0xffff, v47  }
0x49: {  	v6 =	vor.u32 $0x180, v6;
	v0 =	vld.idx.msk [tilespmem:v0+s2+$0x0], $0xffff  }
0x4a: {  	v11 =	vld.idx.msk [tilespmem:v49+s2+$0x0], $0xffff  }
0x4b: {  	v3 =	vor.u32 $0x180, v3;
	v7 =	vld.idx.msk [tilespmem:v7+s2+$0x0], $0xffff  }
0x4c: {  	[tilespmem:v8+s15+$0x0] =	vst.idx.add.f32.msk $0xffff, v10;
	v8 =	vor.u32 $0x100, v9  }
0x4d: {  	v10 =	vld [tilespmem:s31+$0xFFFFFFF0]  }
0x4e: {  	[tilespmem:v6+s15+$0x0] =	vst.idx.add.f32.msk $0xffff, v0;
	v6 =	vor.u32 $0x100, v1  }
0x4f: {  	v0 =	vld [tilespmem:s31+$0x10]  }
0x50: {  	v4 =	vor.u32 $0x180, v4;
	v3 =	vld.idx.msk [tilespmem:v3+s2+$0x0], $0xffff  }
0x51: {  	[tilespmem:v8+s15+$0x0] =	vst.idx.add.f32.msk $0xffff, v7  }
0x52: {  	v52 =	vshll.u32 v51, $0x2;
	v17 =	vshll.u32 v53, $0x2;
	v8 =	vld [tilespmem:s23+$0x10]  }
0x53: {  	v17 =	vand.u32 $0xFFFFFE00, v17;
	v2 =	vor.u32 $0x180, v2;
	v5 =	vor.u32 $0x180, v5;
	[tilespmem:v6+s15+$0x0] =	vst.idx.add.f32.msk $0xffff, v11  }
0x54: {  	v9 =	vor.u32 $0x180, v9;
	v7 =	vshll.u32 v0, $0x2;
	v6 =	vshll.u32 v10, $0x2;
	v11 =	vld [tilespmem:s23+$0xFFFFFFE0]  }
0x55: {  	v0 =	vand.u32 $0x7F, v0;
	v10 =	vand.u32 $0x7F, v10;
	v4 =	vld.idx.msk [tilespmem:v4+s2+$0x0], $0xffff;
	v7 =	vand.u32 $0xFFFFFE00, v7  }
0x56: {  	v6 =	vand.u32 $0xFFFFFE00, v6;
	v7 =	vor.u32 v0, v7;
	v0 =	vshll.u32 v50, $0x2  }
0x57: {  	v12 =	vand.u32 $0x7F, v50;
	v6 =	vor.u32 v10, v6;
	v0 =	vand.u32 $0xFFFFFE00, v0  }
0x58: {  	v54 =	vld [tilespmem:s23+$0x0];
	v14 =	vand.u32 $0xFFFFFE00, v52;
	v12 =	vor.u32 v12, v0;
	v0 =	vand.u32 $0x7F, v51  }
0x59: {  	v15 =	vand.u32 $0x7F, v53;
	[tilespmem:v5+s15+$0x0] =	vst.idx.add.f32.msk $0xffff, v3;
	v10 =	vshll.u32 v8, $0x2;
	v13 =	vor.u32 v0, v14  }
0x5a: {  	v0 =	vand.u32 $0x7F, v8;
	v8 =	vand.u32 $0xFFFFFE00, v10;
	v55 =	vshll.u32 v11, $0x2;
	[tilespmem:v9+s15+$0x0] =	vst.idx.add.f32.msk $0xffff, v4  }
0x5b: {  	v11 =	vand.u32 $0x7F, v11;
	v8 =	vor.u32 v0, v8;
	v14 =	vand.u32 $0xFFFFFE00, v55;
	v10 =	vld.idx.msk [tilespmem:v7+s2+$0x0], $0xffff  }
0x5c: {  	v15 =	vor.u32 v15, v17;
	v14 =	vor.u32 v11, v14;
	v11 =	vld.idx.msk [tilespmem:v6+s2+$0x0], $0xffff  }
0x5d: {  	v0 =	vld.idx.msk [tilespmem:v2+s2+$0x0], $0xffff;
	v2 =	vor.u32 $0x80, v7  }
0x5e: {  	v19 =	vshll.u32 v54, $0x2;
	v5 =	vor.u32 $0x80, v6;
	v18 =	vld.idx.msk [tilespmem:v12+s2+$0x0], $0xffff  }
0x5f: {  	v19 =	vand.u32 $0xFFFFFE00, v19;
	v16 =	vand.u32 $0x7F, v54;
	v56 =	vld.idx.msk [tilespmem:v13+s2+$0x0], $0xffff  }
0x60: {  	v16 =	vor.u32 v16, v19;
	[tilespmem:v8+s15+$0x0] =	vst.idx.add.f32.msk $0xffff, v10  }
0x61: {  	v10 =	vor.u32 $0x80, v12;
	[tilespmem:v15+s15+$0x0] =	vst.idx.add.f32.msk $0xffff, v11  }
0x62: {  	v57 =	vor.u32 $0x80, v8;
	v2 =	vld.idx.msk [tilespmem:v2+s2+$0x0], $0xffff  }
0x63: {  	v3 =	vor.u32 $0x100, v7;
	v5 =	vld.idx.msk [tilespmem:v5+s2+$0x0], $0xffff  }
0x64: {  	v11 =	vor.u32 $0x80, v13;
	[tilespmem:v14+s15+$0x0] =	vst.idx.add.f32.msk $0xffff, v18  }
0x65: {  	v60 =	vor.u32 $0x80, v15;
	[tilespmem:v16+s15+$0x0] =	vst.idx.add.f32.msk $0xffff, v56  }
0x66: {  	v58 =	vor.u32 $0x80, v14;
	v10 =	vld.idx.msk [tilespmem:v10+s2+$0x0], $0xffff  }
0x67: {  	[tilespmem:v57+s15+$0x0] =	vst.idx.add.f32.msk $0xffff, v2;
	v2 =	vor.u32 $0x100, v12  }
0x68: {  	v59 =	vor.u32 $0x100, v8;
	v3 =	vld.idx.msk [tilespmem:v3+s2+$0x0], $0xffff  }
0x69: {  	v7 =	vor.u32 $0x180, v7;
	v11 =	vld.idx.msk [tilespmem:v11+s2+$0x0], $0xffff  }
0x6a: {  	v4 =	vor.u32 $0x80, v16;
	[tilespmem:v60+s15+$0x0] =	vst.idx.add.f32.msk $0xffff, v5  }
0x6b: {  	v9 =	vor.u32 $0x100, v6;
	[tilespmem:v58+s15+$0x0] =	vst.idx.add.f32.msk $0xffff, v10  }
0x6c: {  	v61 =	vor.u32 $0x100, v13;
	v2 =	vld.idx.msk [tilespmem:v2+s2+$0x0], $0xffff  }
0x6d: {  	v62 =	vor.u32 $0x100, v14;
	[tilespmem:v59+s15+$0x0] =	vst.idx.add.f32.msk $0xffff, v3  }
0x6e: {  	v63 =	vor.u32 $0x180, v8;
	v20 =	vld.idx.msk [tilespmem:v7+s2+$0x0], $0xffff  }
0x6f: {  	[tilespmem:v4+s15+$0x0] =	vst.idx.add.f32.msk $0xffff, v11  }
0x70: {  	v10 =	vld.idx.msk [tilespmem:v9+s2+$0x0], $0xffff  }
0x71: {  	v1 =	vor.u32 $0x180, v1;
	v8 =	vor.u32 $0x100, v16;
	v5 =	vor.u32 $0x180, v6;
	v11 =	vld.idx.msk [tilespmem:v61+s2+$0x0], $0xffff  }
0x72: {  	v6 =	vor.u32 $0x180, v13;
	v9 =	vor.u32 $0x100, v15;
	v4 =	vor.u32 $0x180, v16;
	[tilespmem:v62+s15+$0x0] =	vst.idx.add.f32.msk $0xffff, v2  }
0x73: {  	s25 =	simm.s32 $0x140A0;
	s24 =	simm.s32 $0x4;
	v3 =	vor.u32 $0x180, v14;
	v7 =	vor.u32 $0x180, v12;
	v2 =	vor.u32 $0x180, v15;
	[tilespmem:v63+s15+$0x0] =	vst.idx.add.f32.msk $0xffff, v20  }
.LBB2_3:
0x74: {  	v12 =	vld [tilespmem:s25+$0x10];
	s24 =	sadd.s32 $0x4, s24  }
0x75: {  	v13 =	vld [tilespmem:s25+$0xFFFFFFF0];
	p0 =	slt.u32 s24, $0x1F0  }
0x76: {  	v14 =	vld [tilespmem:s25+$0x0]  }
0x77: {  	v15 =	vld [tilespmem:s25+$0xFFFFFFE0]  }
0x78: {  	[tilespmem:v9+s15+$0x0] =	vst.idx.add.f32.msk $0xffff, v10  }
0x79: {  	s23 =	sadd.s32 $0x40, s23;
	v9 =	vshll.u32 v12, $0x2;
	[tilespmem:v8+s15+$0x0] =	vst.idx.add.f32.msk $0xffff, v11  }
0x7a: {  	v11 =	vand.u32 $0x7F, v12;
	v8 =	vshll.u32 v13, $0x2;
	v10 =	vld [tilespmem:s23+$0x10];
	v9 =	vand.u32 $0xFFFFFE00, v9  }
0x7b: {  	v12 =	vld [tilespmem:s23+$0xFFFFFFE0];
	v8 =	vand.u32 $0xFFFFFE00, v8;
	v16 =	vshll.u32 v14, $0x2;
	v11 =	vor.u32 v11, v9  }
0x7c: {  	v9 =	vand.u32 $0x7F, v15;
	v15 =	vshll.u32 v15, $0x2;
	v17 =	vld [tilespmem:s23+$0xFFFFFFF0];
	v16 =	vand.u32 $0xFFFFFE00, v16  }
0x7d: {  	v13 =	vand.u32 $0x7F, v13;
	v14 =	vand.u32 $0x7F, v14;
	v15 =	vand.u32 $0xFFFFFE00, v15;
	v18 =	vld [tilespmem:s23+$0x0]  }
0x7e: {  	v13 =	vor.u32 v13, v8;
	v14 =	vor.u32 v14, v16;
	v15 =	vor.u32 v9, v15;
	v7 =	vld.idx.msk [tilespmem:v7+s2+$0x0], $0xffff  }
0x7f: {  	v19 =	vor.u32 $0x80, v13;
	v16 =	vor.u32 $0x80, v15;
	v8 =	vshll.u32 v10, $0x2;
	v20 =	vld.idx.msk [tilespmem:v5+s2+$0x0], $0xffff  }
0x80: {  	v10 =	vand.u32 $0x7F, v10;
	v5 =	vshll.u32 v12, $0x2;
	v9 =	vld.idx.msk [tilespmem:v11+s2+$0x0], $0xffff;
	v8 =	vand.u32 $0xFFFFFE00, v8  }
0x81: {  	v5 =	vand.u32 $0xFFFFFE00, v5;
	v21 =	vshll.u32 v17, $0x2;
	v10 =	vor.u32 v10, v8;
	v6 =	vld.idx.msk [tilespmem:v6+s2+$0x0], $0xffff  }
0x82: {  	v22 =	vor.u32 $0x80, v11;
	v8 =	vand.u32 $0xFFFFFE00, v21;
	v21 =	vshll.u32 v18, $0x2;
	[tilespmem:v1+s15+$0x0] =	vst.idx.add.f32.msk $0xffff, v0;
	v1 =	vmovc v4  }
0x83: {  	v0 =	vand.u32 $0x7F, v12;
	v12 =	vand.u32 $0x7F, v17;
	v4 =	vld.idx.msk [tilespmem:v15+s2+$0x0], $0xffff;
	v17 =	vand.u32 $0xFFFFFE00, v21  }
0x84: {  	v21 =	vor.u32 v0, v5;
	v12 =	vor.u32 v12, v8;
	v0 =	vand.u32 $0x7F, v18;
	v23 =	vld.idx.msk [tilespmem:v13+s2+$0x0], $0xffff  }
0x85: {  	v25 =	vor.u32 $0x80, v14;
	v18 =	vor.u32 $0x80, v21;
	v17 =	vor.u32 v0, v17;
	v24 =	vld.idx.msk [tilespmem:v14+s2+$0x0], $0xffff  }
0x86: {  	v26 =	vor.u32 $0x100, v15;
	v27 =	vor.u32 $0x80, v12;
	v28 =	vor.u32 $0x80, v17;
	[tilespmem:v10+s15+$0x0] =	vst.idx.add.f32.msk $0xffff, v9  }
0x87: {  	v30 =	vor.u32 $0x100, v13;
	v31 =	vor.u32 $0x100, v14;
	v29 =	vor.u32 $0x100, v21;
	v0 =	vmovc v6;
	v22 =	vld.idx.msk [tilespmem:v22+s2+$0x0], $0xffff  }
0x88: {  	v32 =	vor.u32 $0x80, v10;
	v8 =	vor.u32 $0x100, v17;
	v9 =	vor.u32 $0x100, v12;
	[tilespmem:v3+s15+$0x0] =	vst.idx.add.f32.msk $0xffff, v7  }
0x89: {  	v5 =	vor.u32 $0x180, v13;
	v13 =	vor.u32 $0x100, v11;
	v7 =	vor.u32 $0x180, v15;
	[tilespmem:v21+s15+$0x0] =	vst.idx.add.f32.msk $0xffff, v4  }
0x8a: {  	v6 =	vor.u32 $0x180, v14;
	v3 =	vor.u32 $0x180, v21;
	[tilespmem:v12+s15+$0x0] =	vst.idx.add.f32.msk $0xffff, v23;
	v12 =	vor.u32 $0x180, v12  }
0x8b: {  	v4 =	vor.u32 $0x180, v17;
	[tilespmem:v17+s15+$0x0] =	vst.idx.add.f32.msk $0xffff, v24  }
0x8c: {  	v14 =	vld.idx.msk [tilespmem:v16+s2+$0x0], $0xffff  }
0x8d: {  	[tilespmem:v32+s15+$0x0] =	vst.idx.add.f32.msk $0xffff, v22  }
0x8e: {  	v13 =	vld.idx.msk [tilespmem:v13+s2+$0x0], $0xffff  }
0x8f: {  	v16 =	vor.u32 $0x100, v10;
	v15 =	vld.idx.msk [tilespmem:v19+s2+$0x0], $0xffff  }
0x90: {  	v11 =	vor.u32 $0x180, v11;
	v17 =	vld.idx.msk [tilespmem:v25+s2+$0x0], $0xffff  }
0x91: {  	[tilespmem:v2+s15+$0x0] =	vst.idx.add.f32.msk $0xffff, v20;
	v2 =	vmov v12  }
0x92: {  	[tilespmem:v18+s15+$0x0] =	vst.idx.add.f32.msk $0xffff, v14  }
0x93: {  	v12 =	vld.idx.msk [tilespmem:v26+s2+$0x0], $0xffff  }
0x94: {  	[tilespmem:v16+s15+$0x0] =	vst.idx.add.f32.msk $0xffff, v13  }
0x95: {  	v13 =	vld.idx.msk [tilespmem:v11+s2+$0x0], $0xffff  }
0x96: {  	v14 =	vor.u32 $0x180, v10;
	[tilespmem:v27+s15+$0x0] =	vst.idx.add.f32.msk $0xffff, v15  }
.Ltmp0:
0x97: {  	[tilespmem:v28+s15+$0x0] =	vst.idx.add.f32.msk $0xffff, v17;
	(pc) =	sbr.rel @p0 .LBB2_3-.Ltmp0, $4  }
0x98: {  	v10 =	vld.idx.msk [tilespmem:v30+s2+$0x0], $0xffff  }
0x99: {  	v11 =	vld.idx.msk [tilespmem:v31+s2+$0x0], $0xffff  }
0x9a: {  	[tilespmem:v29+s15+$0x0] =	vst.idx.add.f32.msk $0xffff, v12  }
0x9b: {  	s25 =	sadd.s32 $0x40, s25;
	[tilespmem:v14+s15+$0x0] =	vst.idx.add.f32.msk $0xffff, v13  }
0x9c: {  	_ =	sdelay $0x3  }
0x9d: {  	v7 =	vld.idx.msk [tilespmem:v7+s2+$0x0], $0xffff  }
0x9e: {  	[tilespmem:v9+s15+$0x0] =	vst.idx.add.f32.msk $0xffff, v10  }
0x9f: {  	[tilespmem:v8+s15+$0x0] =	vst.idx.add.f32.msk $0xffff, v11  }
0xa0: {  	v5 =	vld.idx.msk [tilespmem:v5+s2+$0x0], $0xffff  }
0xa1: {  	v6 =	vld.idx.msk [tilespmem:v6+s2+$0x0], $0xffff;
	_ =	sdelay $0x1  }
0xa2: {  	[tilespmem:v1+s15+$0x0] =	vst.idx.add.f32.msk $0xffff, v0;
	p0 =	seq.s32 s21, $0x9  }
0xa3: {  	s22 =	sshrl.u32 @!p0 s22, $0x3;
	[tilespmem:v3+s15+$0x0] =	vst.idx.add.f32.msk $0xffff, v7  }
0xa4: {  	s22 =	sadd.s32 @!p0 $0x7D0, s22;
	[tilespmem:v2+s15+$0x0] =	vst.idx.add.f32.msk $0xffff, v5  }
0xa5: {  	s24 =	simm.s32 @!p0 $0x0;
	s25 =	simm.s32 @!p0 $0x14000;
	s23 =	sadd.s32 @!p0 s3, s22;
	[tilespmem:v4+s15+$0x0] =	vst.idx.add.f32.msk $0xffff, v6  }
0xa6: {  	[tilespmem:s25], [sflag:$0x1] =	stream.linear.gather @!p0 [hbm4b:s23+s24], $0x1F40, $0x38;
	[tilespmem:$0x1BE00] =	vst v63  }
0xa7: {  	s22 =	sadd.s32 @!p0 s4, s22;
	s23 =	simm.s32 @!p0 $0x17F00  }
0xa8: {  	[tilespmem:s23], [sflag:$0x1] =	stream.linear.gather @!p0 [hbm4b:s22+s24], $0x1F40, $0x38;
	[tilespmem:$0x1BE00] =	vst v63  }
0xa9: {  	_ =	swait.ge [sflag:s19], $0x1F40  }
0xaa: {  	[sflag:s19] =	ssyncset.done $0x0  }
0xab: {  	[sflag:s19] =	ssyncadd.s32 $0xFFFFE0C0  }
0xac: {  	_ =	swait.ge [sflag:s19], $0x1F40  }
0xad: {  	[sflag:s19] =	ssyncset.done $0x0  }
0xae: {  	s29 =	simm.s32 $0x15FA0;
	[sflag:s19] =	ssyncadd.s32 $0xFFFFE0C0  }
0xaf: {  	v0 =	vld [tilespmem:s29+$0x10]  }
0xb0: {  	v1 =	vld [tilespmem:s29+$0xFFFFFFF0]  }
0xb1: {  	s30 =	simm.s32 $0x19EA0;
	v2 =	vld [tilespmem:s29+$0x0]  }
0xb2: {  	v9 =	vld [tilespmem:s30+$0xFFFFFFF0]  }
0xb3: {  	v10 =	vld [tilespmem:s30+$0x0];
	_ =	sdelay $0x1  }
0xb4: {  	v3 =	vld [tilespmem:s29+$0xFFFFFFE0]  }
0xb5: {  	v4 =	vshll.u32 v0, $0x2;
	v5 =	vshll.u32 v1, $0x2  }
0xb6: {  	v6 =	vld [tilespmem:s30+$0x10];
	v0 =	vand.u32 $0x7F, v0;
	v8 =	vshll.u32 v2, $0x2;
	v1 =	vand.u32 $0x7F, v1  }
0xb7: {  	v7 =	vld [tilespmem:s30+$0xFFFFFFE0];
	v2 =	vand.u32 $0x7F, v2;
	v11 =	vshll.u32 v9, $0x2;
	v12 =	vshll.u32 v10, $0x2  }
0xb8: {  	v9 =	vand.u32 $0x7F, v9;
	v4 =	vand.u32 $0xFFFFFE00, v4;
	v5 =	vand.u32 $0xFFFFFE00, v5  }
0xb9: {  	v8 =	vand.u32 $0xFFFFFE00, v8;
	v0 =	vor.u32 v0, v4;
	v4 =	vshll.u32 v3, $0x2  }
0xba: {  	v3 =	vand.u32 $0x7F, v3;
	v2 =	vor.u32 v2, v8;
	v4 =	vand.u32 $0xFFFFFE00, v4  }
0xbb: {  	s31 =	simm.s32 $0x15FE0;
	v3 =	vor.u32 v3, v4;
	v4 =	vor.u32 v1, v5;
	v1 =	vshll.u32 v6, $0x2  }
0xbc: {  	v50 =	vld [tilespmem:s31+$0xFFFFFFE0];
	v5 =	vshll.u32 v7, $0x2;
	v6 =	vand.u32 $0x7F, v6;
	v1 =	vand.u32 $0xFFFFFE00, v1  }
0xbd: {  	v51 =	vld [tilespmem:s31+$0x0];
	v7 =	vand.u32 $0x7F, v7;
	v5 =	vand.u32 $0xFFFFFE00, v5;
	v6 =	vor.u32 v6, v1  }
0xbe: {  	s22 =	simm.s32 $0x19EE0;
	v1 =	vand.u32 $0xFFFFFE00, v11;
	v11 =	vor.u32 $0x80, v0;
	v5 =	vor.u32 v7, v5;
	v8 =	vld.idx.msk [tilespmem:v0+s2+$0x0], $0xffff  }
0xbf: {  	v53 =	vld [tilespmem:s22+$0xFFFFFFF0];
	v7 =	vand.u32 $0xFFFFFE00, v12;
	v9 =	vor.u32 v9, v1;
	v1 =	vand.u32 $0x7F, v10  }
0xc0: {  	v10 =	vld.idx.msk [tilespmem:v2+s2+$0x0], $0xffff;
	v1 =	vor.u32 v1, v7  }
0xc1: {  	v13 =	vld.idx.msk [tilespmem:v3+s2+$0x0], $0xffff  }
0xc2: {  	v44 =	vld.idx.msk [tilespmem:v4+s2+$0x0], $0xffff  }
0xc3: {  	v46 =	vor.u32 $0x80, v2;
	[tilespmem:v6+s15+$0x0] =	vst.idx.add.f32.msk $0xffff, v8  }
0xc4: {  	v7 =	vor.u32 $0x80, v3;
	v8 =	vld.idx.msk [tilespmem:v11+s2+$0x0], $0xffff  }
0xc5: {  	v11 =	vor.u32 $0x80, v6;
	[tilespmem:v1+s15+$0x0] =	vst.idx.add.f32.msk $0xffff, v10  }
0xc6: {  	v45 =	vor.u32 $0x100, v0;
	[tilespmem:v5+s15+$0x0] =	vst.idx.add.f32.msk $0xffff, v13  }
0xc7: {  	v14 =	vor.u32 $0x80, v4;
	[tilespmem:v9+s15+$0x0] =	vst.idx.add.f32.msk $0xffff, v44  }
0xc8: {  	v16 =	vor.u32 $0x80, v1;
	v12 =	vld.idx.msk [tilespmem:v46+s2+$0x0], $0xffff  }
0xc9: {  	v10 =	vor.u32 $0x80, v5;
	v7 =	vld.idx.msk [tilespmem:v7+s2+$0x0], $0xffff  }
0xca: {  	v15 =	vor.u32 $0x100, v3;
	[tilespmem:v11+s15+$0x0] =	vst.idx.add.f32.msk $0xffff, v8  }
0xcb: {  	v11 =	vor.u32 $0x100, v6;
	v8 =	vld.idx.msk [tilespmem:v45+s2+$0x0], $0xffff  }
0xcc: {  	v48 =	vor.u32 $0x80, v9;
	v47 =	vld.idx.msk [tilespmem:v14+s2+$0x0], $0xffff  }
0xcd: {  	v0 =	vor.u32 $0x180, v0;
	[tilespmem:v16+s15+$0x0] =	vst.idx.add.f32.msk $0xffff, v12  }
0xce: {  	v49 =	vor.u32 $0x100, v2;
	[tilespmem:v10+s15+$0x0] =	vst.idx.add.f32.msk $0xffff, v7  }
0xcf: {  	v7 =	vor.u32 $0x100, v4;
	v10 =	vld.idx.msk [tilespmem:v15+s2+$0x0], $0xffff  }
0xd0: {  	[tilespmem:v11+s15+$0x0] =	vst.idx.add.f32.msk $0xffff, v8;
	v8 =	vor.u32 $0x100, v5  }
0xd1: {  	[tilespmem:v48+s15+$0x0] =	vst.idx.add.f32.msk $0xffff, v47  }
0xd2: {  	v6 =	vor.u32 $0x180, v6;
	v0 =	vld.idx.msk [tilespmem:v0+s2+$0x0], $0xffff  }
0xd3: {  	v11 =	vld.idx.msk [tilespmem:v49+s2+$0x0], $0xffff  }
0xd4: {  	v3 =	vor.u32 $0x180, v3;
	v7 =	vld.idx.msk [tilespmem:v7+s2+$0x0], $0xffff  }
0xd5: {  	[tilespmem:v8+s15+$0x0] =	vst.idx.add.f32.msk $0xffff, v10;
	v8 =	vor.u32 $0x100, v9  }
0xd6: {  	v10 =	vld [tilespmem:s31+$0xFFFFFFF0]  }
0xd7: {  	[tilespmem:v6+s15+$0x0] =	vst.idx.add.f32.msk $0xffff, v0;
	v6 =	vor.u32 $0x100, v1  }
0xd8: {  	v0 =	vld [tilespmem:s31+$0x10]  }
0xd9: {  	v4 =	vor.u32 $0x180, v4;
	v3 =	vld.idx.msk [tilespmem:v3+s2+$0x0], $0xffff  }
0xda: {  	[tilespmem:v8+s15+$0x0] =	vst.idx.add.f32.msk $0xffff, v7  }
0xdb: {  	v52 =	vshll.u32 v51, $0x2;
	v17 =	vshll.u32 v53, $0x2;
	v8 =	vld [tilespmem:s22+$0x10]  }
0xdc: {  	v17 =	vand.u32 $0xFFFFFE00, v17;
	v2 =	vor.u32 $0x180, v2;
	v5 =	vor.u32 $0x180, v5;
	[tilespmem:v6+s15+$0x0] =	vst.idx.add.f32.msk $0xffff, v11  }
0xdd: {  	v9 =	vor.u32 $0x180, v9;
	v7 =	vshll.u32 v0, $0x2;
	v6 =	vshll.u32 v10, $0x2;
	v11 =	vld [tilespmem:s22+$0xFFFFFFE0]  }
0xde: {  	v0 =	vand.u32 $0x7F, v0;
	v10 =	vand.u32 $0x7F, v10;
	v4 =	vld.idx.msk [tilespmem:v4+s2+$0x0], $0xffff;
	v7 =	vand.u32 $0xFFFFFE00, v7  }
0xdf: {  	v6 =	vand.u32 $0xFFFFFE00, v6;
	v7 =	vor.u32 v0, v7;
	v0 =	vshll.u32 v50, $0x2  }
0xe0: {  	v12 =	vand.u32 $0x7F, v50;
	v6 =	vor.u32 v10, v6;
	v0 =	vand.u32 $0xFFFFFE00, v0  }
0xe1: {  	v54 =	vld [tilespmem:s22+$0x0];
	v14 =	vand.u32 $0xFFFFFE00, v52;
	v12 =	vor.u32 v12, v0;
	v0 =	vand.u32 $0x7F, v51  }
0xe2: {  	v15 =	vand.u32 $0x7F, v53;
	[tilespmem:v5+s15+$0x0] =	vst.idx.add.f32.msk $0xffff, v3;
	v10 =	vshll.u32 v8, $0x2;
	v13 =	vor.u32 v0, v14  }
0xe3: {  	v0 =	vand.u32 $0x7F, v8;
	v8 =	vand.u32 $0xFFFFFE00, v10;
	v55 =	vshll.u32 v11, $0x2;
	[tilespmem:v9+s15+$0x0] =	vst.idx.add.f32.msk $0xffff, v4  }
0xe4: {  	v11 =	vand.u32 $0x7F, v11;
	v8 =	vor.u32 v0, v8;
	v14 =	vand.u32 $0xFFFFFE00, v55;
	v10 =	vld.idx.msk [tilespmem:v7+s2+$0x0], $0xffff  }
0xe5: {  	v15 =	vor.u32 v15, v17;
	v14 =	vor.u32 v11, v14;
	v11 =	vld.idx.msk [tilespmem:v6+s2+$0x0], $0xffff  }
0xe6: {  	v0 =	vld.idx.msk [tilespmem:v2+s2+$0x0], $0xffff;
	v2 =	vor.u32 $0x80, v7  }
0xe7: {  	v19 =	vshll.u32 v54, $0x2;
	v5 =	vor.u32 $0x80, v6;
	v18 =	vld.idx.msk [tilespmem:v12+s2+$0x0], $0xffff  }
0xe8: {  	v19 =	vand.u32 $0xFFFFFE00, v19;
	v16 =	vand.u32 $0x7F, v54;
	v56 =	vld.idx.msk [tilespmem:v13+s2+$0x0], $0xffff  }
0xe9: {  	v16 =	vor.u32 v16, v19;
	[tilespmem:v8+s15+$0x0] =	vst.idx.add.f32.msk $0xffff, v10  }
0xea: {  	v10 =	vor.u32 $0x80, v12;
	[tilespmem:v15+s15+$0x0] =	vst.idx.add.f32.msk $0xffff, v11  }
0xeb: {  	v57 =	vor.u32 $0x80, v8;
	v2 =	vld.idx.msk [tilespmem:v2+s2+$0x0], $0xffff  }
0xec: {  	v3 =	vor.u32 $0x100, v7;
	v5 =	vld.idx.msk [tilespmem:v5+s2+$0x0], $0xffff  }
0xed: {  	v11 =	vor.u32 $0x80, v13;
	[tilespmem:v14+s15+$0x0] =	vst.idx.add.f32.msk $0xffff, v18  }
0xee: {  	v60 =	vor.u32 $0x80, v15;
	[tilespmem:v16+s15+$0x0] =	vst.idx.add.f32.msk $0xffff, v56  }
0xef: {  	v58 =	vor.u32 $0x80, v14;
	v10 =	vld.idx.msk [tilespmem:v10+s2+$0x0], $0xffff  }
0xf0: {  	[tilespmem:v57+s15+$0x0] =	vst.idx.add.f32.msk $0xffff, v2;
	v2 =	vor.u32 $0x100, v12  }
0xf1: {  	v59 =	vor.u32 $0x100, v8;
	v3 =	vld.idx.msk [tilespmem:v3+s2+$0x0], $0xffff  }
0xf2: {  	v7 =	vor.u32 $0x180, v7;
	v11 =	vld.idx.msk [tilespmem:v11+s2+$0x0], $0xffff  }
0xf3: {  	v4 =	vor.u32 $0x80, v16;
	[tilespmem:v60+s15+$0x0] =	vst.idx.add.f32.msk $0xffff, v5  }
0xf4: {  	v9 =	vor.u32 $0x100, v6;
	[tilespmem:v58+s15+$0x0] =	vst.idx.add.f32.msk $0xffff, v10  }
0xf5: {  	v61 =	vor.u32 $0x100, v13;
	v2 =	vld.idx.msk [tilespmem:v2+s2+$0x0], $0xffff  }
0xf6: {  	v62 =	vor.u32 $0x100, v14;
	[tilespmem:v59+s15+$0x0] =	vst.idx.add.f32.msk $0xffff, v3  }
0xf7: {  	v63 =	vor.u32 $0x180, v8;
	v20 =	vld.idx.msk [tilespmem:v7+s2+$0x0], $0xffff  }
0xf8: {  	[tilespmem:v4+s15+$0x0] =	vst.idx.add.f32.msk $0xffff, v11  }
0xf9: {  	v10 =	vld.idx.msk [tilespmem:v9+s2+$0x0], $0xffff  }
0xfa: {  	v1 =	vor.u32 $0x180, v1;
	v8 =	vor.u32 $0x100, v16;
	v5 =	vor.u32 $0x180, v6;
	v11 =	vld.idx.msk [tilespmem:v61+s2+$0x0], $0xffff  }
0xfb: {  	v6 =	vor.u32 $0x180, v13;
	v9 =	vor.u32 $0x100, v15;
	v4 =	vor.u32 $0x180, v16;
	[tilespmem:v62+s15+$0x0] =	vst.idx.add.f32.msk $0xffff, v2  }
0xfc: {  	s23 =	simm.s32 $0x4;
	s24 =	simm.s32 $0x16020;
	v3 =	vor.u32 $0x180, v14;
	v7 =	vor.u32 $0x180, v12;
	v2 =	vor.u32 $0x180, v15;
	[tilespmem:v63+s15+$0x0] =	vst.idx.add.f32.msk $0xffff, v20  }
.LBB2_5:
0xfd: {  	v12 =	vld [tilespmem:s24+$0x10];
	s23 =	sadd.s32 $0x4, s23  }
0xfe: {  	v13 =	vld [tilespmem:s24+$0xFFFFFFF0];
	p0 =	slt.u32 s23, $0x1F0  }
0xff: {  	v14 =	vld [tilespmem:s24+$0x0]  }
0x100: {  	v15 =	vld [tilespmem:s24+$0xFFFFFFE0]  }
0x101: {  	[tilespmem:v9+s15+$0x0] =	vst.idx.add.f32.msk $0xffff, v10  }
0x102: {  	s22 =	sadd.s32 $0x40, s22;
	v9 =	vshll.u32 v12, $0x2;
	[tilespmem:v8+s15+$0x0] =	vst.idx.add.f32.msk $0xffff, v11  }
0x103: {  	v11 =	vand.u32 $0x7F, v12;
	v8 =	vshll.u32 v13, $0x2;
	v10 =	vld [tilespmem:s22+$0x10];
	v9 =	vand.u32 $0xFFFFFE00, v9  }
0x104: {  	v12 =	vld [tilespmem:s22+$0xFFFFFFE0];
	v8 =	vand.u32 $0xFFFFFE00, v8;
	v16 =	vshll.u32 v14, $0x2;
	v11 =	vor.u32 v11, v9  }
0x105: {  	v9 =	vand.u32 $0x7F, v15;
	v15 =	vshll.u32 v15, $0x2;
	v17 =	vld [tilespmem:s22+$0xFFFFFFF0];
	v16 =	vand.u32 $0xFFFFFE00, v16  }
0x106: {  	v13 =	vand.u32 $0x7F, v13;
	v14 =	vand.u32 $0x7F, v14;
	v15 =	vand.u32 $0xFFFFFE00, v15;
	v18 =	vld [tilespmem:s22+$0x0]  }
0x107: {  	v13 =	vor.u32 v13, v8;
	v14 =	vor.u32 v14, v16;
	v15 =	vor.u32 v9, v15;
	v7 =	vld.idx.msk [tilespmem:v7+s2+$0x0], $0xffff  }
0x108: {  	v19 =	vor.u32 $0x80, v13;
	v16 =	vor.u32 $0x80, v15;
	v8 =	vshll.u32 v10, $0x2;
	v20 =	vld.idx.msk [tilespmem:v5+s2+$0x0], $0xffff  }
0x109: {  	v10 =	vand.u32 $0x7F, v10;
	v5 =	vshll.u32 v12, $0x2;
	v9 =	vld.idx.msk [tilespmem:v11+s2+$0x0], $0xffff;
	v8 =	vand.u32 $0xFFFFFE00, v8  }
0x10a: {  	v5 =	vand.u32 $0xFFFFFE00, v5;
	v21 =	vshll.u32 v17, $0x2;
	v10 =	vor.u32 v10, v8;
	v6 =	vld.idx.msk [tilespmem:v6+s2+$0x0], $0xffff  }
0x10b: {  	v22 =	vor.u32 $0x80, v11;
	v8 =	vand.u32 $0xFFFFFE00, v21;
	v21 =	vshll.u32 v18, $0x2;
	[tilespmem:v1+s15+$0x0] =	vst.idx.add.f32.msk $0xffff, v0;
	v1 =	vmovc v4  }
0x10c: {  	v0 =	vand.u32 $0x7F, v12;
	v12 =	vand.u32 $0x7F, v17;
	v4 =	vld.idx.msk [tilespmem:v15+s2+$0x0], $0xffff;
	v17 =	vand.u32 $0xFFFFFE00, v21  }
0x10d: {  	v21 =	vor.u32 v0, v5;
	v12 =	vor.u32 v12, v8;
	v0 =	vand.u32 $0x7F, v18;
	v23 =	vld.idx.msk [tilespmem:v13+s2+$0x0], $0xffff  }
0x10e: {  	v25 =	vor.u32 $0x80, v14;
	v18 =	vor.u32 $0x80, v21;
	v17 =	vor.u32 v0, v17;
	v24 =	vld.idx.msk [tilespmem:v14+s2+$0x0], $0xffff  }
0x10f: {  	v26 =	vor.u32 $0x100, v15;
	v27 =	vor.u32 $0x80, v12;
	v28 =	vor.u32 $0x80, v17;
	[tilespmem:v10+s15+$0x0] =	vst.idx.add.f32.msk $0xffff, v9  }
0x110: {  	v30 =	vor.u32 $0x100, v13;
	v31 =	vor.u32 $0x100, v14;
	v29 =	vor.u32 $0x100, v21;
	v0 =	vmovc v6;
	v22 =	vld.idx.msk [tilespmem:v22+s2+$0x0], $0xffff  }
0x111: {  	v32 =	vor.u32 $0x80, v10;
	v8 =	vor.u32 $0x100, v17;
	v9 =	vor.u32 $0x100, v12;
	[tilespmem:v3+s15+$0x0] =	vst.idx.add.f32.msk $0xffff, v7  }
0x112: {  	v5 =	vor.u32 $0x180, v13;
	v13 =	vor.u32 $0x100, v11;
	v7 =	vor.u32 $0x180, v15;
	[tilespmem:v21+s15+$0x0] =	vst.idx.add.f32.msk $0xffff, v4  }
0x113: {  	v6 =	vor.u32 $0x180, v14;
	v3 =	vor.u32 $0x180, v21;
	[tilespmem:v12+s15+$0x0] =	vst.idx.add.f32.msk $0xffff, v23;
	v12 =	vor.u32 $0x180, v12  }
0x114: {  	v4 =	vor.u32 $0x180, v17;
	[tilespmem:v17+s15+$0x0] =	vst.idx.add.f32.msk $0xffff, v24  }
0x115: {  	v14 =	vld.idx.msk [tilespmem:v16+s2+$0x0], $0xffff  }
0x116: {  	[tilespmem:v32+s15+$0x0] =	vst.idx.add.f32.msk $0xffff, v22  }
0x117: {  	v13 =	vld.idx.msk [tilespmem:v13+s2+$0x0], $0xffff  }
0x118: {  	v16 =	vor.u32 $0x100, v10;
	v15 =	vld.idx.msk [tilespmem:v19+s2+$0x0], $0xffff  }
0x119: {  	v11 =	vor.u32 $0x180, v11;
	v17 =	vld.idx.msk [tilespmem:v25+s2+$0x0], $0xffff  }
0x11a: {  	[tilespmem:v2+s15+$0x0] =	vst.idx.add.f32.msk $0xffff, v20;
	v2 =	vmov v12  }
0x11b: {  	[tilespmem:v18+s15+$0x0] =	vst.idx.add.f32.msk $0xffff, v14  }
0x11c: {  	v12 =	vld.idx.msk [tilespmem:v26+s2+$0x0], $0xffff  }
0x11d: {  	[tilespmem:v16+s15+$0x0] =	vst.idx.add.f32.msk $0xffff, v13  }
0x11e: {  	v13 =	vld.idx.msk [tilespmem:v11+s2+$0x0], $0xffff  }
0x11f: {  	v14 =	vor.u32 $0x180, v10;
	[tilespmem:v27+s15+$0x0] =	vst.idx.add.f32.msk $0xffff, v15  }
.Ltmp1:
0x120: {  	[tilespmem:v28+s15+$0x0] =	vst.idx.add.f32.msk $0xffff, v17;
	(pc) =	sbr.rel @p0 .LBB2_5-.Ltmp1, $4  }
0x121: {  	v10 =	vld.idx.msk [tilespmem:v30+s2+$0x0], $0xffff  }
0x122: {  	v11 =	vld.idx.msk [tilespmem:v31+s2+$0x0], $0xffff  }
0x123: {  	[tilespmem:v29+s15+$0x0] =	vst.idx.add.f32.msk $0xffff, v12  }
0x124: {  	s24 =	sadd.s32 $0x40, s24;
	[tilespmem:v14+s15+$0x0] =	vst.idx.add.f32.msk $0xffff, v13  }
0x125: {  	_ =	sdelay $0x3  }
0x126: {  	v7 =	vld.idx.msk [tilespmem:v7+s2+$0x0], $0xffff  }
0x127: {  	[tilespmem:v9+s15+$0x0] =	vst.idx.add.f32.msk $0xffff, v10  }
0x128: {  	[tilespmem:v8+s15+$0x0] =	vst.idx.add.f32.msk $0xffff, v11  }
0x129: {  	s21 =	sadd.s32 $0x1, s21;
	v5 =	vld.idx.msk [tilespmem:v5+s2+$0x0], $0xffff  }
0x12a: {  	p0 =	sne.s32 s21, $0xA;
	v6 =	vld.idx.msk [tilespmem:v6+s2+$0x0], $0xffff  }
.Ltmp2:
0x12b: {  	_ = 	snop;
	(pc) =	sbr.rel @p0 .LBB2_2-.Ltmp2, $4  }
0x12c: {  	[tilespmem:v1+s15+$0x0] =	vst.idx.add.f32.msk $0xffff, v0  }
0x12d: {  	[tilespmem:v3+s15+$0x0] =	vst.idx.add.f32.msk $0xffff, v7  }
0x12e: {  	[tilespmem:v2+s15+$0x0] =	vst.idx.add.f32.msk $0xffff, v5  }
0x12f: {  	[tilespmem:v4+s15+$0x0] =	vst.idx.add.f32.msk $0xffff, v6  }
0x130: {  	[hbm4b:s6+s12] =	stream.strided.scatter [tilespmem:s15], [sflag:$0x3], $0xA000, s13, s12, $0x38;
	[tilespmem:$0x1BE00] =	vst v63  }
0x131: {  	_ =	swait.ge [sflag:s14], $0xA000  }
0x132: {  	[sflag:s14] =	ssyncset.done $0x0  }
0x133: {  	s21 =	simm.s32 $0x0;
	[sflag:s14] =	ssyncadd.s32 $0xFFFF6000  }
0x134: {  	[tilespmem:s10], [sflag:$0x1] =	stream.linear.gather [hbm4b:s3+s21], $0x1F40, $0x38;
	[tilespmem:$0x1BE00] =	vst v63  }
0x135: {  	_ = 	snop  }
0x136: {  	[tilespmem:s11], [sflag:$0x1] =	stream.linear.gather [hbm4b:s4+s21], $0x1F40, $0x38;
	[tilespmem:$0x1BE00] =	vst v63  }
0x137: {  	_ = 	snop  }
0x138: {  	[tilespmem:s21], [sflag:$0x3] =	stream.strided.gather [hbm4b:s7+s12], $0xA000, s13, s12, $0x38;
	[tilespmem:$0x1BE00] =	vst v63  }
0x139: {  	_ =	swait.ge [sflag:s14], $0xA000  }
0x13a: {  	[sflag:s14] =	ssyncset.done $0x0  }
0x13b: {  	[sflag:s14] =	ssyncadd.s32 $0xFFFF6000  }
0x13c: {  	[tilespmem:s15], [sflag:$0x3] =	stream.strided.gather [hbm4b:s7+s12], $0xA000, s13, s12, $0x38;
	[tilespmem:$0x1BE00] =	vst v63  }
0x13d: {  	_ =	swait.ge [sflag:s14], $0xA000  }
0x13e: {  	[sflag:s14] =	ssyncset.done $0x0  }
0x13f: {  	[sflag:s14] =	ssyncadd.s32 $0xFFFF6000  }
.LBB2_8:
0x140: {  	s22 =	smul.u32 $0x3E80, s21;
	_ =	sdelay $0x1  }
0x141: {  	s23 =	sshrl.u32 s22, $0x3  }
0x142: {  	s23 =	sadd.s32 $0x3E8, s23  }
0x143: {  	s24 =	sadd.s32 s3, s23  }
0x144: {  	[tilespmem:s16], [sflag:$0x2] =	stream.linear.gather [hbm4b:s24+s2], $0x1F40, $0x38;
	[tilespmem:$0x1BE00] =	vst v63  }
0x145: {  	s23 =	sadd.s32 s4, s23  }
0x146: {  	[tilespmem:s17], [sflag:$0x2] =	stream.linear.gather [hbm4b:s23+s2], $0x1F40, $0x38;
	[tilespmem:$0x1BE00] =	vst v63  }
0x147: {  	_ =	swait.ge [sflag:s18], $0x1F40  }
0x148: {  	[sflag:s18] =	ssyncset.done $0x0  }
0x149: {  	[sflag:s18] =	ssyncadd.s32 $0xFFFFE0C0  }
0x14a: {  	_ =	swait.ge [sflag:s18], $0x1F40  }
0x14b: {  	[sflag:s18] =	ssyncset.done $0x0  }
0x14c: {  	s29 =	simm.s32 $0x14020;
	[sflag:s18] =	ssyncadd.s32 $0xFFFFE0C0  }
0x14d: {  	v0 =	vld [tilespmem:s29+$0x10]  }
0x14e: {  	v1 =	vld [tilespmem:s29+$0xFFFFFFF0]  }
0x14f: {  	s30 =	simm.s32 $0x17F20;
	v2 =	vld [tilespmem:s29+$0x0]  }
0x150: {  	v9 =	vld [tilespmem:s30+$0xFFFFFFF0]  }
0x151: {  	v10 =	vld [tilespmem:s30+$0x0];
	_ =	sdelay $0x1  }
0x152: {  	v3 =	vld [tilespmem:s29+$0xFFFFFFE0]  }
0x153: {  	v4 =	vshll.u32 v0, $0x2;
	v5 =	vshll.u32 v1, $0x2  }
0x154: {  	v6 =	vld [tilespmem:s30+$0x10];
	v0 =	vand.u32 $0x7F, v0;
	v8 =	vshll.u32 v2, $0x2;
	v1 =	vand.u32 $0x7F, v1  }
0x155: {  	v7 =	vld [tilespmem:s30+$0xFFFFFFE0];
	v2 =	vand.u32 $0x7F, v2;
	v11 =	vshll.u32 v9, $0x2;
	v12 =	vshll.u32 v10, $0x2  }
0x156: {  	v9 =	vand.u32 $0x7F, v9;
	v4 =	vand.u32 $0xFFFFFE00, v4;
	v5 =	vand.u32 $0xFFFFFE00, v5  }
0x157: {  	v8 =	vand.u32 $0xFFFFFE00, v8;
	v0 =	vor.u32 v0, v4;
	v4 =	vshll.u32 v3, $0x2  }
0x158: {  	v3 =	vand.u32 $0x7F, v3;
	v2 =	vor.u32 v2, v8;
	v4 =	vand.u32 $0xFFFFFE00, v4  }
0x159: {  	s31 =	simm.s32 $0x14060;
	v3 =	vor.u32 v3, v4;
	v4 =	vor.u32 v1, v5;
	v1 =	vshll.u32 v6, $0x2  }
0x15a: {  	v50 =	vld [tilespmem:s31+$0xFFFFFFE0];
	v5 =	vshll.u32 v7, $0x2;
	v6 =	vand.u32 $0x7F, v6;
	v1 =	vand.u32 $0xFFFFFE00, v1  }
0x15b: {  	v51 =	vld [tilespmem:s31+$0x0];
	v7 =	vand.u32 $0x7F, v7;
	v5 =	vand.u32 $0xFFFFFE00, v5;
	v6 =	vor.u32 v6, v1  }
0x15c: {  	s23 =	simm.s32 $0x17F60;
	v1 =	vand.u32 $0xFFFFFE00, v11;
	v11 =	vor.u32 $0x80, v0;
	v5 =	vor.u32 v7, v5;
	v8 =	vld.idx.msk [tilespmem:v0+s2+$0x0], $0xffff  }
0x15d: {  	v53 =	vld [tilespmem:s23+$0xFFFFFFF0];
	v7 =	vand.u32 $0xFFFFFE00, v12;
	v9 =	vor.u32 v9, v1;
	v1 =	vand.u32 $0x7F, v10  }
0x15e: {  	v10 =	vld.idx.msk [tilespmem:v2+s2+$0x0], $0xffff;
	v1 =	vor.u32 v1, v7  }
0x15f: {  	v13 =	vld.idx.msk [tilespmem:v3+s2+$0x0], $0xffff  }
0x160: {  	v44 =	vld.idx.msk [tilespmem:v4+s2+$0x0], $0xffff  }
0x161: {  	v46 =	vor.u32 $0x80, v2;
	[tilespmem:v6+s15+$0x0] =	vst.idx.add.f32.msk $0xffff, v8  }
0x162: {  	v7 =	vor.u32 $0x80, v3;
	v8 =	vld.idx.msk [tilespmem:v11+s2+$0x0], $0xffff  }
0x163: {  	v11 =	vor.u32 $0x80, v6;
	[tilespmem:v1+s15+$0x0] =	vst.idx.add.f32.msk $0xffff, v10  }
0x164: {  	v45 =	vor.u32 $0x100, v0;
	[tilespmem:v5+s15+$0x0] =	vst.idx.add.f32.msk $0xffff, v13  }
0x165: {  	v14 =	vor.u32 $0x80, v4;
	[tilespmem:v9+s15+$0x0] =	vst.idx.add.f32.msk $0xffff, v44  }
0x166: {  	v16 =	vor.u32 $0x80, v1;
	v12 =	vld.idx.msk [tilespmem:v46+s2+$0x0], $0xffff  }
0x167: {  	v10 =	vor.u32 $0x80, v5;
	v7 =	vld.idx.msk [tilespmem:v7+s2+$0x0], $0xffff  }
0x168: {  	v15 =	vor.u32 $0x100, v3;
	[tilespmem:v11+s15+$0x0] =	vst.idx.add.f32.msk $0xffff, v8  }
0x169: {  	v11 =	vor.u32 $0x100, v6;
	v8 =	vld.idx.msk [tilespmem:v45+s2+$0x0], $0xffff  }
0x16a: {  	v48 =	vor.u32 $0x80, v9;
	v47 =	vld.idx.msk [tilespmem:v14+s2+$0x0], $0xffff  }
0x16b: {  	v0 =	vor.u32 $0x180, v0;
	[tilespmem:v16+s15+$0x0] =	vst.idx.add.f32.msk $0xffff, v12  }
0x16c: {  	v49 =	vor.u32 $0x100, v2;
	[tilespmem:v10+s15+$0x0] =	vst.idx.add.f32.msk $0xffff, v7  }
0x16d: {  	v7 =	vor.u32 $0x100, v4;
	v10 =	vld.idx.msk [tilespmem:v15+s2+$0x0], $0xffff  }
0x16e: {  	[tilespmem:v11+s15+$0x0] =	vst.idx.add.f32.msk $0xffff, v8;
	v8 =	vor.u32 $0x100, v5  }
0x16f: {  	[tilespmem:v48+s15+$0x0] =	vst.idx.add.f32.msk $0xffff, v47  }
0x170: {  	v6 =	vor.u32 $0x180, v6;
	v0 =	vld.idx.msk [tilespmem:v0+s2+$0x0], $0xffff  }
0x171: {  	v11 =	vld.idx.msk [tilespmem:v49+s2+$0x0], $0xffff  }
0x172: {  	v3 =	vor.u32 $0x180, v3;
	v7 =	vld.idx.msk [tilespmem:v7+s2+$0x0], $0xffff  }
0x173: {  	[tilespmem:v8+s15+$0x0] =	vst.idx.add.f32.msk $0xffff, v10;
	v8 =	vor.u32 $0x100, v9  }
0x174: {  	v10 =	vld [tilespmem:s31+$0xFFFFFFF0]  }
0x175: {  	[tilespmem:v6+s15+$0x0] =	vst.idx.add.f32.msk $0xffff, v0;
	v6 =	vor.u32 $0x100, v1  }
0x176: {  	v0 =	vld [tilespmem:s31+$0x10]  }
0x177: {  	v4 =	vor.u32 $0x180, v4;
	v3 =	vld.idx.msk [tilespmem:v3+s2+$0x0], $0xffff  }
0x178: {  	[tilespmem:v8+s15+$0x0] =	vst.idx.add.f32.msk $0xffff, v7  }
0x179: {  	v52 =	vshll.u32 v51, $0x2;
	v17 =	vshll.u32 v53, $0x2;
	v8 =	vld [tilespmem:s23+$0x10]  }
0x17a: {  	v17 =	vand.u32 $0xFFFFFE00, v17;
	v2 =	vor.u32 $0x180, v2;
	v5 =	vor.u32 $0x180, v5;
	[tilespmem:v6+s15+$0x0] =	vst.idx.add.f32.msk $0xffff, v11  }
0x17b: {  	v9 =	vor.u32 $0x180, v9;
	v7 =	vshll.u32 v0, $0x2;
	v6 =	vshll.u32 v10, $0x2;
	v11 =	vld [tilespmem:s23+$0xFFFFFFE0]  }
0x17c: {  	v0 =	vand.u32 $0x7F, v0;
	v10 =	vand.u32 $0x7F, v10;
	v4 =	vld.idx.msk [tilespmem:v4+s2+$0x0], $0xffff;
	v7 =	vand.u32 $0xFFFFFE00, v7  }
0x17d: {  	v6 =	vand.u32 $0xFFFFFE00, v6;
	v7 =	vor.u32 v0, v7;
	v0 =	vshll.u32 v50, $0x2  }
0x17e: {  	v12 =	vand.u32 $0x7F, v50;
	v6 =	vor.u32 v10, v6;
	v0 =	vand.u32 $0xFFFFFE00, v0  }
0x17f: {  	v54 =	vld [tilespmem:s23+$0x0];
	v14 =	vand.u32 $0xFFFFFE00, v52;
	v12 =	vor.u32 v12, v0;
	v0 =	vand.u32 $0x7F, v51  }
0x180: {  	v15 =	vand.u32 $0x7F, v53;
	[tilespmem:v5+s15+$0x0] =	vst.idx.add.f32.msk $0xffff, v3;
	v10 =	vshll.u32 v8, $0x2;
	v13 =	vor.u32 v0, v14  }
0x181: {  	v0 =	vand.u32 $0x7F, v8;
	v8 =	vand.u32 $0xFFFFFE00, v10;
	v55 =	vshll.u32 v11, $0x2;
	[tilespmem:v9+s15+$0x0] =	vst.idx.add.f32.msk $0xffff, v4  }
0x182: {  	v11 =	vand.u32 $0x7F, v11;
	v8 =	vor.u32 v0, v8;
	v14 =	vand.u32 $0xFFFFFE00, v55;
	v10 =	vld.idx.msk [tilespmem:v7+s2+$0x0], $0xffff  }
0x183: {  	v15 =	vor.u32 v15, v17;
	v14 =	vor.u32 v11, v14;
	v11 =	vld.idx.msk [tilespmem:v6+s2+$0x0], $0xffff  }
0x184: {  	v0 =	vld.idx.msk [tilespmem:v2+s2+$0x0], $0xffff;
	v2 =	vor.u32 $0x80, v7  }
0x185: {  	v19 =	vshll.u32 v54, $0x2;
	v5 =	vor.u32 $0x80, v6;
	v18 =	vld.idx.msk [tilespmem:v12+s2+$0x0], $0xffff  }
0x186: {  	v19 =	vand.u32 $0xFFFFFE00, v19;
	v16 =	vand.u32 $0x7F, v54;
	v56 =	vld.idx.msk [tilespmem:v13+s2+$0x0], $0xffff  }
0x187: {  	v16 =	vor.u32 v16, v19;
	[tilespmem:v8+s15+$0x0] =	vst.idx.add.f32.msk $0xffff, v10  }
0x188: {  	v10 =	vor.u32 $0x80, v12;
	[tilespmem:v15+s15+$0x0] =	vst.idx.add.f32.msk $0xffff, v11  }
0x189: {  	v57 =	vor.u32 $0x80, v8;
	v2 =	vld.idx.msk [tilespmem:v2+s2+$0x0], $0xffff  }
0x18a: {  	v3 =	vor.u32 $0x100, v7;
	v5 =	vld.idx.msk [tilespmem:v5+s2+$0x0], $0xffff  }
0x18b: {  	v11 =	vor.u32 $0x80, v13;
	[tilespmem:v14+s15+$0x0] =	vst.idx.add.f32.msk $0xffff, v18  }
0x18c: {  	v60 =	vor.u32 $0x80, v15;
	[tilespmem:v16+s15+$0x0] =	vst.idx.add.f32.msk $0xffff, v56  }
0x18d: {  	v58 =	vor.u32 $0x80, v14;
	v10 =	vld.idx.msk [tilespmem:v10+s2+$0x0], $0xffff  }
0x18e: {  	[tilespmem:v57+s15+$0x0] =	vst.idx.add.f32.msk $0xffff, v2;
	v2 =	vor.u32 $0x100, v12  }
0x18f: {  	v59 =	vor.u32 $0x100, v8;
	v3 =	vld.idx.msk [tilespmem:v3+s2+$0x0], $0xffff  }
0x190: {  	v7 =	vor.u32 $0x180, v7;
	v11 =	vld.idx.msk [tilespmem:v11+s2+$0x0], $0xffff  }
0x191: {  	v4 =	vor.u32 $0x80, v16;
	[tilespmem:v60+s15+$0x0] =	vst.idx.add.f32.msk $0xffff, v5  }
0x192: {  	v9 =	vor.u32 $0x100, v6;
	[tilespmem:v58+s15+$0x0] =	vst.idx.add.f32.msk $0xffff, v10  }
0x193: {  	v61 =	vor.u32 $0x100, v13;
	v2 =	vld.idx.msk [tilespmem:v2+s2+$0x0], $0xffff  }
0x194: {  	v62 =	vor.u32 $0x100, v14;
	[tilespmem:v59+s15+$0x0] =	vst.idx.add.f32.msk $0xffff, v3  }
0x195: {  	v63 =	vor.u32 $0x180, v8;
	v20 =	vld.idx.msk [tilespmem:v7+s2+$0x0], $0xffff  }
0x196: {  	[tilespmem:v4+s15+$0x0] =	vst.idx.add.f32.msk $0xffff, v11  }
0x197: {  	v10 =	vld.idx.msk [tilespmem:v9+s2+$0x0], $0xffff  }
0x198: {  	v1 =	vor.u32 $0x180, v1;
	v8 =	vor.u32 $0x100, v16;
	v5 =	vor.u32 $0x180, v6;
	v11 =	vld.idx.msk [tilespmem:v61+s2+$0x0], $0xffff  }
0x199: {  	v6 =	vor.u32 $0x180, v13;
	v9 =	vor.u32 $0x100, v15;
	v4 =	vor.u32 $0x180, v16;
	[tilespmem:v62+s15+$0x0] =	vst.idx.add.f32.msk $0xffff, v2  }
0x19a: {  	s25 =	simm.s32 $0x140A0;
	s24 =	simm.s32 $0x4;
	v3 =	vor.u32 $0x180, v14;
	v7 =	vor.u32 $0x180, v12;
	v2 =	vor.u32 $0x180, v15;
	[tilespmem:v63+s15+$0x0] =	vst.idx.add.f32.msk $0xffff, v20  }
.LBB2_9:
0x19b: {  	v12 =	vld [tilespmem:s25+$0x10];
	s24 =	sadd.s32 $0x4, s24  }
0x19c: {  	v13 =	vld [tilespmem:s25+$0xFFFFFFF0];
	p0 =	slt.u32 s24, $0x1F0  }
0x19d: {  	v14 =	vld [tilespmem:s25+$0x0]  }
0x19e: {  	v15 =	vld [tilespmem:s25+$0xFFFFFFE0]  }
0x19f: {  	[tilespmem:v9+s15+$0x0] =	vst.idx.add.f32.msk $0xffff, v10  }
0x1a0: {  	s23 =	sadd.s32 $0x40, s23;
	v9 =	vshll.u32 v12, $0x2;
	[tilespmem:v8+s15+$0x0] =	vst.idx.add.f32.msk $0xffff, v11  }
0x1a1: {  	v11 =	vand.u32 $0x7F, v12;
	v8 =	vshll.u32 v13, $0x2;
	v10 =	vld [tilespmem:s23+$0x10];
	v9 =	vand.u32 $0xFFFFFE00, v9  }
0x1a2: {  	v12 =	vld [tilespmem:s23+$0xFFFFFFE0];
	v8 =	vand.u32 $0xFFFFFE00, v8;
	v16 =	vshll.u32 v14, $0x2;
	v11 =	vor.u32 v11, v9  }
0x1a3: {  	v9 =	vand.u32 $0x7F, v15;
	v15 =	vshll.u32 v15, $0x2;
	v17 =	vld [tilespmem:s23+$0xFFFFFFF0];
	v16 =	vand.u32 $0xFFFFFE00, v16  }
0x1a4: {  	v13 =	vand.u32 $0x7F, v13;
	v14 =	vand.u32 $0x7F, v14;
	v15 =	vand.u32 $0xFFFFFE00, v15;
	v18 =	vld [tilespmem:s23+$0x0]  }
0x1a5: {  	v13 =	vor.u32 v13, v8;
	v14 =	vor.u32 v14, v16;
	v15 =	vor.u32 v9, v15;
	v7 =	vld.idx.msk [tilespmem:v7+s2+$0x0], $0xffff  }
0x1a6: {  	v19 =	vor.u32 $0x80, v13;
	v16 =	vor.u32 $0x80, v15;
	v8 =	vshll.u32 v10, $0x2;
	v20 =	vld.idx.msk [tilespmem:v5+s2+$0x0], $0xffff  }
0x1a7: {  	v10 =	vand.u32 $0x7F, v10;
	v5 =	vshll.u32 v12, $0x2;
	v9 =	vld.idx.msk [tilespmem:v11+s2+$0x0], $0xffff;
	v8 =	vand.u32 $0xFFFFFE00, v8  }
0x1a8: {  	v5 =	vand.u32 $0xFFFFFE00, v5;
	v21 =	vshll.u32 v17, $0x2;
	v10 =	vor.u32 v10, v8;
	v6 =	vld.idx.msk [tilespmem:v6+s2+$0x0], $0xffff  }
0x1a9: {  	v22 =	vor.u32 $0x80, v11;
	v8 =	vand.u32 $0xFFFFFE00, v21;
	v21 =	vshll.u32 v18, $0x2;
	[tilespmem:v1+s15+$0x0] =	vst.idx.add.f32.msk $0xffff, v0;
	v1 =	vmovc v4  }
0x1aa: {  	v0 =	vand.u32 $0x7F, v12;
	v12 =	vand.u32 $0x7F, v17;
	v4 =	vld.idx.msk [tilespmem:v15+s2+$0x0], $0xffff;
	v17 =	vand.u32 $0xFFFFFE00, v21  }
0x1ab: {  	v21 =	vor.u32 v0, v5;
	v12 =	vor.u32 v12, v8;
	v0 =	vand.u32 $0x7F, v18;
	v23 =	vld.idx.msk [tilespmem:v13+s2+$0x0], $0xffff  }
0x1ac: {  	v25 =	vor.u32 $0x80, v14;
	v18 =	vor.u32 $0x80, v21;
	v17 =	vor.u32 v0, v17;
	v24 =	vld.idx.msk [tilespmem:v14+s2+$0x0], $0xffff  }
0x1ad: {  	v26 =	vor.u32 $0x100, v15;
	v27 =	vor.u32 $0x80, v12;
	v28 =	vor.u32 $0x80, v17;
	[tilespmem:v10+s15+$0x0] =	vst.idx.add.f32.msk $0xffff, v9  }
0x1ae: {  	v30 =	vor.u32 $0x100, v13;
	v31 =	vor.u32 $0x100, v14;
	v29 =	vor.u32 $0x100, v21;
	v0 =	vmovc v6;
	v22 =	vld.idx.msk [tilespmem:v22+s2+$0x0], $0xffff  }
0x1af: {  	v32 =	vor.u32 $0x80, v10;
	v8 =	vor.u32 $0x100, v17;
	v9 =	vor.u32 $0x100, v12;
	[tilespmem:v3+s15+$0x0] =	vst.idx.add.f32.msk $0xffff, v7  }
0x1b0: {  	v5 =	vor.u32 $0x180, v13;
	v13 =	vor.u32 $0x100, v11;
	v7 =	vor.u32 $0x180, v15;
	[tilespmem:v21+s15+$0x0] =	vst.idx.add.f32.msk $0xffff, v4  }
0x1b1: {  	v6 =	vor.u32 $0x180, v14;
	v3 =	vor.u32 $0x180, v21;
	[tilespmem:v12+s15+$0x0] =	vst.idx.add.f32.msk $0xffff, v23;
	v12 =	vor.u32 $0x180, v12  }
0x1b2: {  	v4 =	vor.u32 $0x180, v17;
	[tilespmem:v17+s15+$0x0] =	vst.idx.add.f32.msk $0xffff, v24  }
0x1b3: {  	v14 =	vld.idx.msk [tilespmem:v16+s2+$0x0], $0xffff  }
0x1b4: {  	[tilespmem:v32+s15+$0x0] =	vst.idx.add.f32.msk $0xffff, v22  }
0x1b5: {  	v13 =	vld.idx.msk [tilespmem:v13+s2+$0x0], $0xffff  }
0x1b6: {  	v16 =	vor.u32 $0x100, v10;
	v15 =	vld.idx.msk [tilespmem:v19+s2+$0x0], $0xffff  }
0x1b7: {  	v11 =	vor.u32 $0x180, v11;
	v17 =	vld.idx.msk [tilespmem:v25+s2+$0x0], $0xffff  }
0x1b8: {  	[tilespmem:v2+s15+$0x0] =	vst.idx.add.f32.msk $0xffff, v20;
	v2 =	vmov v12  }
0x1b9: {  	[tilespmem:v18+s15+$0x0] =	vst.idx.add.f32.msk $0xffff, v14  }
0x1ba: {  	v12 =	vld.idx.msk [tilespmem:v26+s2+$0x0], $0xffff  }
0x1bb: {  	[tilespmem:v16+s15+$0x0] =	vst.idx.add.f32.msk $0xffff, v13  }
0x1bc: {  	v13 =	vld.idx.msk [tilespmem:v11+s2+$0x0], $0xffff  }
0x1bd: {  	v14 =	vor.u32 $0x180, v10;
	[tilespmem:v27+s15+$0x0] =	vst.idx.add.f32.msk $0xffff, v15  }
.Ltmp3:
0x1be: {  	[tilespmem:v28+s15+$0x0] =	vst.idx.add.f32.msk $0xffff, v17;
	(pc) =	sbr.rel @p0 .LBB2_9-.Ltmp3, $4  }
0x1bf: {  	v10 =	vld.idx.msk [tilespmem:v30+s2+$0x0], $0xffff  }
0x1c0: {  	v11 =	vld.idx.msk [tilespmem:v31+s2+$0x0], $0xffff  }
0x1c1: {  	[tilespmem:v29+s15+$0x0] =	vst.idx.add.f32.msk $0xffff, v12  }
0x1c2: {  	s25 =	sadd.s32 $0x40, s25;
	[tilespmem:v14+s15+$0x0] =	vst.idx.add.f32.msk $0xffff, v13  }
0x1c3: {  	_ =	sdelay $0x3  }
0x1c4: {  	v7 =	vld.idx.msk [tilespmem:v7+s2+$0x0], $0xffff  }
0x1c5: {  	[tilespmem:v9+s15+$0x0] =	vst.idx.add.f32.msk $0xffff, v10  }
0x1c6: {  	[tilespmem:v8+s15+$0x0] =	vst.idx.add.f32.msk $0xffff, v11  }
0x1c7: {  	v5 =	vld.idx.msk [tilespmem:v5+s2+$0x0], $0xffff  }
0x1c8: {  	v6 =	vld.idx.msk [tilespmem:v6+s2+$0x0], $0xffff;
	_ =	sdelay $0x1  }
0x1c9: {  	[tilespmem:v1+s15+$0x0] =	vst.idx.add.f32.msk $0xffff, v0;
	p0 =	seq.s32 s21, $0x9  }
0x1ca: {  	s22 =	sshrl.u32 @!p0 s22, $0x3;
	[tilespmem:v3+s15+$0x0] =	vst.idx.add.f32.msk $0xffff, v7  }
0x1cb: {  	s22 =	sadd.s32 @!p0 $0x7D0, s22;
	[tilespmem:v2+s15+$0x0] =	vst.idx.add.f32.msk $0xffff, v5  }
0x1cc: {  	s24 =	simm.s32 @!p0 $0x0;
	s25 =	simm.s32 @!p0 $0x14000;
	s23 =	sadd.s32 @!p0 s3, s22;
	[tilespmem:v4+s15+$0x0] =	vst.idx.add.f32.msk $0xffff, v6  }
0x1cd: {  	[tilespmem:s25], [sflag:$0x1] =	stream.linear.gather @!p0 [hbm4b:s23+s24], $0x1F40, $0x38;
	[tilespmem:$0x1BE00] =	vst v63  }
0x1ce: {  	s22 =	sadd.s32 @!p0 s4, s22;
	s23 =	simm.s32 @!p0 $0x17F00  }
0x1cf: {  	[tilespmem:s23], [sflag:$0x1] =	stream.linear.gather @!p0 [hbm4b:s22+s24], $0x1F40, $0x38;
	[tilespmem:$0x1BE00] =	vst v63  }
0x1d0: {  	_ =	swait.ge [sflag:s19], $0x1F40  }
0x1d1: {  	[sflag:s19] =	ssyncset.done $0x0  }
0x1d2: {  	[sflag:s19] =	ssyncadd.s32 $0xFFFFE0C0  }
0x1d3: {  	_ =	swait.ge [sflag:s19], $0x1F40  }
0x1d4: {  	[sflag:s19] =	ssyncset.done $0x0  }
0x1d5: {  	s29 =	simm.s32 $0x15FA0;
	[sflag:s19] =	ssyncadd.s32 $0xFFFFE0C0  }
0x1d6: {  	v0 =	vld [tilespmem:s29+$0x10]  }
0x1d7: {  	v1 =	vld [tilespmem:s29+$0xFFFFFFF0]  }
0x1d8: {  	s30 =	simm.s32 $0x19EA0;
	v2 =	vld [tilespmem:s29+$0x0]  }
0x1d9: {  	v9 =	vld [tilespmem:s30+$0xFFFFFFF0]  }
0x1da: {  	v10 =	vld [tilespmem:s30+$0x0];
	_ =	sdelay $0x1  }
0x1db: {  	v3 =	vld [tilespmem:s29+$0xFFFFFFE0]  }
0x1dc: {  	v4 =	vshll.u32 v0, $0x2;
	v5 =	vshll.u32 v1, $0x2  }
0x1dd: {  	v6 =	vld [tilespmem:s30+$0x10];
	v0 =	vand.u32 $0x7F, v0;
	v8 =	vshll.u32 v2, $0x2;
	v1 =	vand.u32 $0x7F, v1  }
0x1de: {  	v7 =	vld [tilespmem:s30+$0xFFFFFFE0];
	v2 =	vand.u32 $0x7F, v2;
	v11 =	vshll.u32 v9, $0x2;
	v12 =	vshll.u32 v10, $0x2  }
0x1df: {  	v9 =	vand.u32 $0x7F, v9;
	v4 =	vand.u32 $0xFFFFFE00, v4;
	v5 =	vand.u32 $0xFFFFFE00, v5  }
0x1e0: {  	v8 =	vand.u32 $0xFFFFFE00, v8;
	v0 =	vor.u32 v0, v4;
	v4 =	vshll.u32 v3, $0x2  }
0x1e1: {  	v3 =	vand.u32 $0x7F, v3;
	v2 =	vor.u32 v2, v8;
	v4 =	vand.u32 $0xFFFFFE00, v4  }
0x1e2: {  	s31 =	simm.s32 $0x15FE0;
	v3 =	vor.u32 v3, v4;
	v4 =	vor.u32 v1, v5;
	v1 =	vshll.u32 v6, $0x2  }
0x1e3: {  	v50 =	vld [tilespmem:s31+$0xFFFFFFE0];
	v5 =	vshll.u32 v7, $0x2;
	v6 =	vand.u32 $0x7F, v6;
	v1 =	vand.u32 $0xFFFFFE00, v1  }
0x1e4: {  	v51 =	vld [tilespmem:s31+$0x0];
	v7 =	vand.u32 $0x7F, v7;
	v5 =	vand.u32 $0xFFFFFE00, v5;
	v6 =	vor.u32 v6, v1  }
0x1e5: {  	s22 =	simm.s32 $0x19EE0;
	v1 =	vand.u32 $0xFFFFFE00, v11;
	v11 =	vor.u32 $0x80, v0;
	v5 =	vor.u32 v7, v5;
	v8 =	vld.idx.msk [tilespmem:v0+s2+$0x0], $0xffff  }
0x1e6: {  	v53 =	vld [tilespmem:s22+$0xFFFFFFF0];
	v7 =	vand.u32 $0xFFFFFE00, v12;
	v9 =	vor.u32 v9, v1;
	v1 =	vand.u32 $0x7F, v10  }
0x1e7: {  	v10 =	vld.idx.msk [tilespmem:v2+s2+$0x0], $0xffff;
	v1 =	vor.u32 v1, v7  }
0x1e8: {  	v13 =	vld.idx.msk [tilespmem:v3+s2+$0x0], $0xffff  }
0x1e9: {  	v44 =	vld.idx.msk [tilespmem:v4+s2+$0x0], $0xffff  }
0x1ea: {  	v46 =	vor.u32 $0x80, v2;
	[tilespmem:v6+s15+$0x0] =	vst.idx.add.f32.msk $0xffff, v8  }
0x1eb: {  	v7 =	vor.u32 $0x80, v3;
	v8 =	vld.idx.msk [tilespmem:v11+s2+$0x0], $0xffff  }
0x1ec: {  	v11 =	vor.u32 $0x80, v6;
	[tilespmem:v1+s15+$0x0] =	vst.idx.add.f32.msk $0xffff, v10  }
0x1ed: {  	v45 =	vor.u32 $0x100, v0;
	[tilespmem:v5+s15+$0x0] =	vst.idx.add.f32.msk $0xffff, v13  }
0x1ee: {  	v14 =	vor.u32 $0x80, v4;
	[tilespmem:v9+s15+$0x0] =	vst.idx.add.f32.msk $0xffff, v44  }
0x1ef: {  	v16 =	vor.u32 $0x80, v1;
	v12 =	vld.idx.msk [tilespmem:v46+s2+$0x0], $0xffff  }
0x1f0: {  	v10 =	vor.u32 $0x80, v5;
	v7 =	vld.idx.msk [tilespmem:v7+s2+$0x0], $0xffff  }
0x1f1: {  	v15 =	vor.u32 $0x100, v3;
	[tilespmem:v11+s15+$0x0] =	vst.idx.add.f32.msk $0xffff, v8  }
0x1f2: {  	v11 =	vor.u32 $0x100, v6;
	v8 =	vld.idx.msk [tilespmem:v45+s2+$0x0], $0xffff  }
0x1f3: {  	v48 =	vor.u32 $0x80, v9;
	v47 =	vld.idx.msk [tilespmem:v14+s2+$0x0], $0xffff  }
0x1f4: {  	v0 =	vor.u32 $0x180, v0;
	[tilespmem:v16+s15+$0x0] =	vst.idx.add.f32.msk $0xffff, v12  }
0x1f5: {  	v49 =	vor.u32 $0x100, v2;
	[tilespmem:v10+s15+$0x0] =	vst.idx.add.f32.msk $0xffff, v7  }
0x1f6: {  	v7 =	vor.u32 $0x100, v4;
	v10 =	vld.idx.msk [tilespmem:v15+s2+$0x0], $0xffff  }
0x1f7: {  	[tilespmem:v11+s15+$0x0] =	vst.idx.add.f32.msk $0xffff, v8;
	v8 =	vor.u32 $0x100, v5  }
0x1f8: {  	[tilespmem:v48+s15+$0x0] =	vst.idx.add.f32.msk $0xffff, v47  }
0x1f9: {  	v6 =	vor.u32 $0x180, v6;
	v0 =	vld.idx.msk [tilespmem:v0+s2+$0x0], $0xffff  }
0x1fa: {  	v11 =	vld.idx.msk [tilespmem:v49+s2+$0x0], $0xffff  }
0x1fb: {  	v3 =	vor.u32 $0x180, v3;
	v7 =	vld.idx.msk [tilespmem:v7+s2+$0x0], $0xffff  }
0x1fc: {  	[tilespmem:v8+s15+$0x0] =	vst.idx.add.f32.msk $0xffff, v10;
	v8 =	vor.u32 $0x100, v9  }
0x1fd: {  	v10 =	vld [tilespmem:s31+$0xFFFFFFF0]  }
0x1fe: {  	[tilespmem:v6+s15+$0x0] =	vst.idx.add.f32.msk $0xffff, v0;
	v6 =	vor.u32 $0x100, v1  }
0x1ff: {  	v0 =	vld [tilespmem:s31+$0x10]  }
0x200: {  	v4 =	vor.u32 $0x180, v4;
	v3 =	vld.idx.msk [tilespmem:v3+s2+$0x0], $0xffff  }
0x201: {  	[tilespmem:v8+s15+$0x0] =	vst.idx.add.f32.msk $0xffff, v7  }
0x202: {  	v52 =	vshll.u32 v51, $0x2;
	v17 =	vshll.u32 v53, $0x2;
	v8 =	vld [tilespmem:s22+$0x10]  }
0x203: {  	v17 =	vand.u32 $0xFFFFFE00, v17;
	v2 =	vor.u32 $0x180, v2;
	v5 =	vor.u32 $0x180, v5;
	[tilespmem:v6+s15+$0x0] =	vst.idx.add.f32.msk $0xffff, v11  }
0x204: {  	v9 =	vor.u32 $0x180, v9;
	v7 =	vshll.u32 v0, $0x2;
	v6 =	vshll.u32 v10, $0x2;
	v11 =	vld [tilespmem:s22+$0xFFFFFFE0]  }
0x205: {  	v0 =	vand.u32 $0x7F, v0;
	v10 =	vand.u32 $0x7F, v10;
	v4 =	vld.idx.msk [tilespmem:v4+s2+$0x0], $0xffff;
	v7 =	vand.u32 $0xFFFFFE00, v7  }
0x206: {  	v6 =	vand.u32 $0xFFFFFE00, v6;
	v7 =	vor.u32 v0, v7;
	v0 =	vshll.u32 v50, $0x2  }
0x207: {  	v12 =	vand.u32 $0x7F, v50;
	v6 =	vor.u32 v10, v6;
	v0 =	vand.u32 $0xFFFFFE00, v0  }
0x208: {  	v54 =	vld [tilespmem:s22+$0x0];
	v14 =	vand.u32 $0xFFFFFE00, v52;
	v12 =	vor.u32 v12, v0;
	v0 =	vand.u32 $0x7F, v51  }
0x209: {  	v15 =	vand.u32 $0x7F, v53;
	[tilespmem:v5+s15+$0x0] =	vst.idx.add.f32.msk $0xffff, v3;
	v10 =	vshll.u32 v8, $0x2;
	v13 =	vor.u32 v0, v14  }
0x20a: {  	v0 =	vand.u32 $0x7F, v8;
	v8 =	vand.u32 $0xFFFFFE00, v10;
	v55 =	vshll.u32 v11, $0x2;
	[tilespmem:v9+s15+$0x0] =	vst.idx.add.f32.msk $0xffff, v4  }
0x20b: {  	v11 =	vand.u32 $0x7F, v11;
	v8 =	vor.u32 v0, v8;
	v14 =	vand.u32 $0xFFFFFE00, v55;
	v10 =	vld.idx.msk [tilespmem:v7+s2+$0x0], $0xffff  }
0x20c: {  	v15 =	vor.u32 v15, v17;
	v14 =	vor.u32 v11, v14;
	v11 =	vld.idx.msk [tilespmem:v6+s2+$0x0], $0xffff  }
0x20d: {  	v0 =	vld.idx.msk [tilespmem:v2+s2+$0x0], $0xffff;
	v2 =	vor.u32 $0x80, v7  }
0x20e: {  	v19 =	vshll.u32 v54, $0x2;
	v5 =	vor.u32 $0x80, v6;
	v18 =	vld.idx.msk [tilespmem:v12+s2+$0x0], $0xffff  }
0x20f: {  	v19 =	vand.u32 $0xFFFFFE00, v19;
	v16 =	vand.u32 $0x7F, v54;
	v56 =	vld.idx.msk [tilespmem:v13+s2+$0x0], $0xffff  }
0x210: {  	v16 =	vor.u32 v16, v19;
	[tilespmem:v8+s15+$0x0] =	vst.idx.add.f32.msk $0xffff, v10  }
0x211: {  	v10 =	vor.u32 $0x80, v12;
	[tilespmem:v15+s15+$0x0] =	vst.idx.add.f32.msk $0xffff, v11  }
0x212: {  	v57 =	vor.u32 $0x80, v8;
	v2 =	vld.idx.msk [tilespmem:v2+s2+$0x0], $0xffff  }
0x213: {  	v3 =	vor.u32 $0x100, v7;
	v5 =	vld.idx.msk [tilespmem:v5+s2+$0x0], $0xffff  }
0x214: {  	v11 =	vor.u32 $0x80, v13;
	[tilespmem:v14+s15+$0x0] =	vst.idx.add.f32.msk $0xffff, v18  }
0x215: {  	v60 =	vor.u32 $0x80, v15;
	[tilespmem:v16+s15+$0x0] =	vst.idx.add.f32.msk $0xffff, v56  }
0x216: {  	v58 =	vor.u32 $0x80, v14;
	v10 =	vld.idx.msk [tilespmem:v10+s2+$0x0], $0xffff  }
0x217: {  	[tilespmem:v57+s15+$0x0] =	vst.idx.add.f32.msk $0xffff, v2;
	v2 =	vor.u32 $0x100, v12  }
0x218: {  	v59 =	vor.u32 $0x100, v8;
	v3 =	vld.idx.msk [tilespmem:v3+s2+$0x0], $0xffff  }
0x219: {  	v7 =	vor.u32 $0x180, v7;
	v11 =	vld.idx.msk [tilespmem:v11+s2+$0x0], $0xffff  }
0x21a: {  	v4 =	vor.u32 $0x80, v16;
	[tilespmem:v60+s15+$0x0] =	vst.idx.add.f32.msk $0xffff, v5  }
0x21b: {  	v9 =	vor.u32 $0x100, v6;
	[tilespmem:v58+s15+$0x0] =	vst.idx.add.f32.msk $0xffff, v10  }
0x21c: {  	v61 =	vor.u32 $0x100, v13;
	v2 =	vld.idx.msk [tilespmem:v2+s2+$0x0], $0xffff  }
0x21d: {  	v62 =	vor.u32 $0x100, v14;
	[tilespmem:v59+s15+$0x0] =	vst.idx.add.f32.msk $0xffff, v3  }
0x21e: {  	v63 =	vor.u32 $0x180, v8;
	v20 =	vld.idx.msk [tilespmem:v7+s2+$0x0], $0xffff  }
0x21f: {  	[tilespmem:v4+s15+$0x0] =	vst.idx.add.f32.msk $0xffff, v11  }
0x220: {  	v10 =	vld.idx.msk [tilespmem:v9+s2+$0x0], $0xffff  }
0x221: {  	v1 =	vor.u32 $0x180, v1;
	v8 =	vor.u32 $0x100, v16;
	v5 =	vor.u32 $0x180, v6;
	v11 =	vld.idx.msk [tilespmem:v61+s2+$0x0], $0xffff  }
0x222: {  	v6 =	vor.u32 $0x180, v13;
	v9 =	vor.u32 $0x100, v15;
	v4 =	vor.u32 $0x180, v16;
	[tilespmem:v62+s15+$0x0] =	vst.idx.add.f32.msk $0xffff, v2  }
0x223: {  	s23 =	simm.s32 $0x4;
	s24 =	simm.s32 $0x16020;
	v3 =	vor.u32 $0x180, v14;
	v7 =	vor.u32 $0x180, v12;
	v2 =	vor.u32 $0x180, v15;
	[tilespmem:v63+s15+$0x0] =	vst.idx.add.f32.msk $0xffff, v20  }
.LBB2_11:
0x224: {  	v12 =	vld [tilespmem:s24+$0x10];
	s23 =	sadd.s32 $0x4, s23  }
0x225: {  	v13 =	vld [tilespmem:s24+$0xFFFFFFF0];
	p0 =	slt.u32 s23, $0x1F0  }
0x226: {  	v14 =	vld [tilespmem:s24+$0x0]  }
0x227: {  	v15 =	vld [tilespmem:s24+$0xFFFFFFE0]  }
0x228: {  	[tilespmem:v9+s15+$0x0] =	vst.idx.add.f32.msk $0xffff, v10  }
0x229: {  	s22 =	sadd.s32 $0x40, s22;
	v9 =	vshll.u32 v12, $0x2;
	[tilespmem:v8+s15+$0x0] =	vst.idx.add.f32.msk $0xffff, v11  }
0x22a: {  	v11 =	vand.u32 $0x7F, v12;
	v8 =	vshll.u32 v13, $0x2;
	v10 =	vld [tilespmem:s22+$0x10];
	v9 =	vand.u32 $0xFFFFFE00, v9  }
0x22b: {  	v12 =	vld [tilespmem:s22+$0xFFFFFFE0];
	v8 =	vand.u32 $0xFFFFFE00, v8;
	v16 =	vshll.u32 v14, $0x2;
	v11 =	vor.u32 v11, v9  }
0x22c: {  	v9 =	vand.u32 $0x7F, v15;
	v15 =	vshll.u32 v15, $0x2;
	v17 =	vld [tilespmem:s22+$0xFFFFFFF0];
	v16 =	vand.u32 $0xFFFFFE00, v16  }
0x22d: {  	v13 =	vand.u32 $0x7F, v13;
	v14 =	vand.u32 $0x7F, v14;
	v15 =	vand.u32 $0xFFFFFE00, v15;
	v18 =	vld [tilespmem:s22+$0x0]  }
0x22e: {  	v13 =	vor.u32 v13, v8;
	v14 =	vor.u32 v14, v16;
	v15 =	vor.u32 v9, v15;
	v7 =	vld.idx.msk [tilespmem:v7+s2+$0x0], $0xffff  }
0x22f: {  	v19 =	vor.u32 $0x80, v13;
	v16 =	vor.u32 $0x80, v15;
	v8 =	vshll.u32 v10, $0x2;
	v20 =	vld.idx.msk [tilespmem:v5+s2+$0x0], $0xffff  }
0x230: {  	v10 =	vand.u32 $0x7F, v10;
	v5 =	vshll.u32 v12, $0x2;
	v9 =	vld.idx.msk [tilespmem:v11+s2+$0x0], $0xffff;
	v8 =	vand.u32 $0xFFFFFE00, v8  }
0x231: {  	v5 =	vand.u32 $0xFFFFFE00, v5;
	v21 =	vshll.u32 v17, $0x2;
	v10 =	vor.u32 v10, v8;
	v6 =	vld.idx.msk [tilespmem:v6+s2+$0x0], $0xffff  }
0x232: {  	v22 =	vor.u32 $0x80, v11;
	v8 =	vand.u32 $0xFFFFFE00, v21;
	v21 =	vshll.u32 v18, $0x2;
	[tilespmem:v1+s15+$0x0] =	vst.idx.add.f32.msk $0xffff, v0;
	v1 =	vmovc v4  }
0x233: {  	v0 =	vand.u32 $0x7F, v12;
	v12 =	vand.u32 $0x7F, v17;
	v4 =	vld.idx.msk [tilespmem:v15+s2+$0x0], $0xffff;
	v17 =	vand.u32 $0xFFFFFE00, v21  }
0x234: {  	v21 =	vor.u32 v0, v5;
	v12 =	vor.u32 v12, v8;
	v0 =	vand.u32 $0x7F, v18;
	v23 =	vld.idx.msk [tilespmem:v13+s2+$0x0], $0xffff  }
0x235: {  	v25 =	vor.u32 $0x80, v14;
	v18 =	vor.u32 $0x80, v21;
	v17 =	vor.u32 v0, v17;
	v24 =	vld.idx.msk [tilespmem:v14+s2+$0x0], $0xffff  }
0x236: {  	v26 =	vor.u32 $0x100, v15;
	v27 =	vor.u32 $0x80, v12;
	v28 =	vor.u32 $0x80, v17;
	[tilespmem:v10+s15+$0x0] =	vst.idx.add.f32.msk $0xffff, v9  }
0x237: {  	v30 =	vor.u32 $0x100, v13;
	v31 =	vor.u32 $0x100, v14;
	v29 =	vor.u32 $0x100, v21;
	v0 =	vmovc v6;
	v22 =	vld.idx.msk [tilespmem:v22+s2+$0x0], $0xffff  }
0x238: {  	v32 =	vor.u32 $0x80, v10;
	v8 =	vor.u32 $0x100, v17;
	v9 =	vor.u32 $0x100, v12;
	[tilespmem:v3+s15+$0x0] =	vst.idx.add.f32.msk $0xffff, v7  }
0x239: {  	v5 =	vor.u32 $0x180, v13;
	v13 =	vor.u32 $0x100, v11;
	v7 =	vor.u32 $0x180, v15;
	[tilespmem:v21+s15+$0x0] =	vst.idx.add.f32.msk $0xffff, v4  }
0x23a: {  	v6 =	vor.u32 $0x180, v14;
	v3 =	vor.u32 $0x180, v21;
	[tilespmem:v12+s15+$0x0] =	vst.idx.add.f32.msk $0xffff, v23;
	v12 =	vor.u32 $0x180, v12  }
0x23b: {  	v4 =	vor.u32 $0x180, v17;
	[tilespmem:v17+s15+$0x0] =	vst.idx.add.f32.msk $0xffff, v24  }
0x23c: {  	v14 =	vld.idx.msk [tilespmem:v16+s2+$0x0], $0xffff  }
0x23d: {  	[tilespmem:v32+s15+$0x0] =	vst.idx.add.f32.msk $0xffff, v22  }
0x23e: {  	v13 =	vld.idx.msk [tilespmem:v13+s2+$0x0], $0xffff  }
0x23f: {  	v16 =	vor.u32 $0x100, v10;
	v15 =	vld.idx.msk [tilespmem:v19+s2+$0x0], $0xffff  }
0x240: {  	v11 =	vor.u32 $0x180, v11;
	v17 =	vld.idx.msk [tilespmem:v25+s2+$0x0], $0xffff  }
0x241: {  	[tilespmem:v2+s15+$0x0] =	vst.idx.add.f32.msk $0xffff, v20;
	v2 =	vmov v12  }
0x242: {  	[tilespmem:v18+s15+$0x0] =	vst.idx.add.f32.msk $0xffff, v14  }
0x243: {  	v12 =	vld.idx.msk [tilespmem:v26+s2+$0x0], $0xffff  }
0x244: {  	[tilespmem:v16+s15+$0x0] =	vst.idx.add.f32.msk $0xffff, v13  }
0x245: {  	v13 =	vld.idx.msk [tilespmem:v11+s2+$0x0], $0xffff  }
0x246: {  	v14 =	vor.u32 $0x180, v10;
	[tilespmem:v27+s15+$0x0] =	vst.idx.add.f32.msk $0xffff, v15  }
.Ltmp4:
0x247: {  	[tilespmem:v28+s15+$0x0] =	vst.idx.add.f32.msk $0xffff, v17;
	(pc) =	sbr.rel @p0 .LBB2_11-.Ltmp4, $4  }
0x248: {  	v10 =	vld.idx.msk [tilespmem:v30+s2+$0x0], $0xffff  }
0x249: {  	v11 =	vld.idx.msk [tilespmem:v31+s2+$0x0], $0xffff  }
0x24a: {  	[tilespmem:v29+s15+$0x0] =	vst.idx.add.f32.msk $0xffff, v12  }
0x24b: {  	s24 =	sadd.s32 $0x40, s24;
	[tilespmem:v14+s15+$0x0] =	vst.idx.add.f32.msk $0xffff, v13  }
0x24c: {  	_ =	sdelay $0x3  }
0x24d: {  	v7 =	vld.idx.msk [tilespmem:v7+s2+$0x0], $0xffff  }
0x24e: {  	[tilespmem:v9+s15+$0x0] =	vst.idx.add.f32.msk $0xffff, v10  }
0x24f: {  	[tilespmem:v8+s15+$0x0] =	vst.idx.add.f32.msk $0xffff, v11  }
0x250: {  	s21 =	sadd.s32 $0x1, s21;
	v5 =	vld.idx.msk [tilespmem:v5+s2+$0x0], $0xffff  }
0x251: {  	p0 =	sne.s32 s21, $0xA;
	v6 =	vld.idx.msk [tilespmem:v6+s2+$0x0], $0xffff  }
.Ltmp5:
0x252: {  	_ = 	snop;
	(pc) =	sbr.rel @p0 .LBB2_8-.Ltmp5, $4  }
0x253: {  	[tilespmem:v1+s15+$0x0] =	vst.idx.add.f32.msk $0xffff, v0  }
0x254: {  	[tilespmem:v3+s15+$0x0] =	vst.idx.add.f32.msk $0xffff, v7  }
0x255: {  	[tilespmem:v2+s15+$0x0] =	vst.idx.add.f32.msk $0xffff, v5  }
0x256: {  	[tilespmem:v4+s15+$0x0] =	vst.idx.add.f32.msk $0xffff, v6  }
0x257: {  	s20 =	sadd.s32 $0x1, s20  }
0x258: {  	p0 =	sne.s32 s20, s9  }
.Ltmp6:
0x259: {  	_ = 	snop;
	(pc) =	sbr.rel @p0 .LBB2_1-.Ltmp6, $4  }
0x25a: {  	[hbm4b:s8+s12] =	stream.strided.scatter [tilespmem:s15], [sflag:$0x3], $0xA000, s13, s12, $0x38;
	[tilespmem:$0x1BE00] =	vst v63  }
0x25b: {  	_ =	swait.ge [sflag:s14], $0xA000  }
0x25c: {  	[sflag:s14] =	ssyncset.done $0x0  }
0x25d: {  	[sflag:s14] =	ssyncadd.s32 $0xFFFF6000  }
0x25e: {  	_ =	sfence.sel $0x180000  }
0x25f: {  	[bflag:$0x0] =	sbarrier.arrive $0xFFFF  }
0x260: {  	p0 =	sne.s32 s1, $0x0;
	_ =	strace $0x9000004D  }
0x261: {  	s0 =	sadd.s32 @!p0 $0x100000, s0;
	[bflag:$0x2] =	sbarrier.arrive $0xFFFF  }
0x262: {  	[sflag:s0] =	ssyncadd.tile.s32 @!p0 $0x1;
	_ =	shalt  }
.Lfunc_end2:
_tile_overlayer_lowered:
.L_overlay_start_2:
0x263: {  	(tag) =	ssettag $0x2  }
0x264: {  	s0 =	rddreg [dreg:$0x0];
	s2 =	stileid.u32  }
0x265: {  	s1 =	rddreg [dreg:$0x1];
	p0 =	sne.s32 s2, $0x0  }
0x266: {  	s3 =	rddreg [dreg:$0x2];
	[bflag:$0x3] =	sbarrier.arrive $0xFFFF;
	s2 =	simm.s32 @!p0 $0x1C03  }
0x267: {  	[timem:s3], [sflag:s2] =	dma.local @!p0 [hbm:s0], s1  }
0x268: {  	s0 =	simm.s32 @!p0 $0x3  }
0x269: {  	_ =	swait.ge @!p0 [sflag:s0], s1  }
0x26a: {  	s1 =	ssub.s32 @!p0 $0x0, s1;
	[sflag:s0] =	ssyncset.done @!p0 $0x0  }
0x26b: {  	[sflag:s0] =	ssyncadd.s32 @!p0 s1  }
0x26c: {  	[bflag:$0x3] =	sbarrier.arrive $0xFFFF  }
0x26d: {  	_ =	shalt  }

// kernel: kernel.8.cloned.1.call-start
scs
__scs_entry_jumppad:
0x0: {  	(pc) =	sbr.rel $0x88, $3  }
0x1: {  	(tag) =	ssettag $0x0;
	lr =	simm.s32 $0x1  }
0x2: {  	[smem:$0x3F9B] =	sst lr;
	_ =	strace $0xD0000000  }
0x3: {  	_ = 	snop  }
0x4: {  	_ = 	snop  }
0x5: {  	_ = 	snop  }
0x6: {  	_ = 	snop  }
0x7: {  	_ = 	snop  }
__scs_overlays_trampoline_lowered:
0x8: {  	[smem:$0x3FAA] =	sst s0  }
0x9: {  	[smem:$0x3FAB] =	sst s1  }
0xa: {  	[smem:$0x3FAC] =	sst s2  }
0xb: {  	[smem:$0x3FAD] =	sst s3  }
0xc: {  	[smem:$0x3FAE] =	sst s4  }
0xd: {  	[smem:$0x3FAF] =	sst s5  }
0xe: {  	[smem:$0x3FB0] =	sst s6  }
0xf: {  	[smem:$0x3FB1] =	sst s7  }
0x10: {  	[smem:$0x3FB2] =	sst s8  }
0x11: {  	[smem:$0x3FB3] =	sst s9;
	s0 =	simm.s32 @!p0 $0x0  }
0x12: {  	s1 =	sld [smem:$0x3F99];
	s0 =	simm.s32 @p0 $0x1  }
0x13: {  	[smem:$0x3FB4] =	sst s0;
	s0 =	simm.s32 @!p1 $0x0  }
0x14: {  	s2 =	sld [smem:$0x3F98];
	s0 =	simm.s32 @p1 $0x1  }
0x15: {  	[smem:$0x3FB5] =	sst s0;
	s0 =	simm.s32 @!p2 $0x0  }
0x16: {  	s3 =	sld [smem:$0x3FDB];
	s0 =	simm.s32 @p2 $0x1  }
0x17: {  	s4 =	simm.s32 $0x1BF5;
	[smem:$0x3FB7] =	sst s0  }
0x18: {  	s0 =	sld [smem:$0x3F9A];
	_ =	swait.ge [sflag:s4], $0x0  }
0x19: {  	s7 =	sld [smem:$0x3F9B]  }
0x1a: {  	s8 =	sadd.s32 $0xFFFFE003, lr  }
0x1b: {  	s9 =	sadd.s32 $0xFFFFFEF7, lr;
	s5 =	simm.s32 $0xFFFFFFFF;
	p2 =	slt.u32 s8, $0xFFFFF086  }
0x1c: {  	p1 =	slt.u32 s9, $0xF7A;
	s5 =	simm.s32 @!p2 $0x0  }
0x1d: {  	s5 =	simm.s32 @p1 $0x1;
	p0 =	seq.s32 s7, s2  }
0x1e: {  	s7 =	smul.u32 @!p0 $0xF7A, s2;
	p2 =	seq.s32 @!p0 s5, $0x0  }
0x1f: {  	s9 =	smul.u32 $0xF7A, s1;
	s8 =	simm.s32 @!p0 $0x1BF5;
	p2 =	por !p2, p0  }
0x20: {  	[sflag:s8] =	ssyncset.s32 @!p0 $0xFFFFF086;
	s6 =	sadd.s32 @!p0 s3, s7;
	s7 =	simm.s32 @!p0 $0x108  }
0x21: {  	s3 =	sadd.s32 s3, s9;
	s6 =	sadd.s32 @!p0 $0x88, s6;
	s7 =	simm.s32 @p2 $0x1082  }
0x22: {  	[simem:s7], [sflag:s8] =	dma.local @!p0 [hbm:s6], $0xF7A  }
0x23: {  	s9 =	sor.u32 $0xD0000000, s2;
	s6 =	simm.s32 $0x108;
	_ =	swait.ge @!p0 [sflag:s8], $0x0  }
0x24: {  	s3 =	sadd.s32 $0x88, s3;
	s6 =	simm.s32 @!p1 $0x1082;
	[sflag:s4] =	ssyncset.s32 $0xFFFFF086  }
0x25: {  	[simem:s6], [sflag:s4] =	dma.local [hbm:s3], $0xF7A  }
0x26: {  	[smem:$0x3F9B] =	sst s1;
	(tag) =	ssettag s2;
	_ =	strace s9  }
0x27: {  	s1 =	sld [smem:$0x3FAB]  }
0x28: {  	s2 =	sld [smem:$0x3FAC]  }
0x29: {  	s4 =	sld [smem:$0x3FAE]  }
0x2a: {  	p0 =	seq.s32 s5, $0x0;
	s5 =	sld [smem:$0x3FAF]  }
0x2b: {  	s6 =	sld [smem:$0x3FB0]  }
0x2c: {  	s7 =	sld [smem:$0x3FB1]  }
0x2d: {  	s3 =	simm.s32 $0x108;
	s8 =	sld [smem:$0x3FB2]  }
0x2e: {  	s3 =	simm.s32 @!p0 $0x1082;
	s9 =	sld [smem:$0x3FB3]  }
0x2f: {  	lr =	sadd.s32 s0, s3;
	s0 =	sld [smem:$0x3FAA]  }
0x30: {  	s3 =	sld [smem:$0x3FAD]  }
0x31: {  	[smem:$0x3FB6] =	sst s10  }
0x32: {  	s10 =	sld [smem:$0x3FB4];
	_ =	sdelay $0x3  }
0x33: {  	p0 =	seq.s32 s10, $0x1;
	s10 =	sld [smem:$0x3FB6];
	_ =	sdelay $0x3  }
0x34: {  	[smem:$0x3FB6] =	sst s10  }
0x35: {  	s10 =	sld [smem:$0x3FB5];
	_ =	sdelay $0x3  }
0x36: {  	p1 =	seq.s32 s10, $0x1;
	s10 =	sld [smem:$0x3FB6];
	_ =	sdelay $0x3  }
0x37: {  	[smem:$0x3FB6] =	sst s10  }
0x38: {  	s10 =	sld [smem:$0x3FB7]  }
0x39: {  	_ = 	snop;
	(pc) =	sbr.ind lr, $3  }
0x3a: {  	_ = 	snop  }
0x3b: {  	_ = 	snop  }
0x3c: {  	p2 =	seq.s32 s10, $0x1;
	s10 =	sld [smem:$0x3FB6]  }
0x3d: {  	_ =	shalt  }
0x3e: {  	_ =	shalt  }
0x3f: {  	_ =	shalt  }
0x40: {  	_ =	shalt  }
0x41: {  	_ =	shalt  }
0x42: {  	_ =	shalt  }
0x43: {  	_ =	shalt  }
0x44: {  	_ =	shalt  }
0x45: {  	_ =	shalt  }
0x46: {  	_ =	shalt  }
0x47: {  	_ =	shalt  }
0x48: {  	_ =	shalt  }
0x49: {  	_ =	shalt  }
0x4a: {  	_ =	shalt  }
0x4b: {  	_ =	shalt  }
0x4c: {  	_ =	shalt  }
0x4d: {  	_ =	shalt  }
0x4e: {  	_ =	shalt  }
0x4f: {  	_ =	shalt  }
0x50: {  	_ =	shalt  }
0x51: {  	_ =	shalt  }
0x52: {  	_ =	shalt  }
0x53: {  	_ =	shalt  }
0x54: {  	_ =	shalt  }
0x55: {  	_ =	shalt  }
0x56: {  	_ =	shalt  }
0x57: {  	_ =	shalt  }
0x58: {  	_ =	shalt  }
0x59: {  	_ =	shalt  }
0x5a: {  	_ =	shalt  }
0x5b: {  	_ =	shalt  }
0x5c: {  	_ =	shalt  }
0x5d: {  	_ =	shalt  }
0x5e: {  	_ =	shalt  }
0x5f: {  	_ =	shalt  }
0x60: {  	_ =	shalt  }
0x61: {  	_ =	shalt  }
0x62: {  	_ =	shalt  }
0x63: {  	_ =	shalt  }
0x64: {  	_ =	shalt  }
0x65: {  	_ =	shalt  }
0x66: {  	_ =	shalt  }
0x67: {  	_ =	shalt  }
0x68: {  	_ =	shalt  }
0x69: {  	_ =	shalt  }
0x6a: {  	_ =	shalt  }
0x6b: {  	_ =	shalt  }
0x6c: {  	_ =	shalt  }
0x6d: {  	_ =	shalt  }
0x6e: {  	_ =	shalt  }
0x6f: {  	_ =	shalt  }
0x70: {  	_ =	shalt  }
0x71: {  	_ =	shalt  }
0x72: {  	_ =	shalt  }
0x73: {  	_ =	shalt  }
0x74: {  	_ =	shalt  }
0x75: {  	_ =	shalt  }
0x76: {  	_ =	shalt  }
0x77: {  	_ =	shalt  }
0x78: {  	_ =	shalt  }
0x79: {  	_ =	shalt  }
0x7a: {  	_ =	shalt  }
0x7b: {  	_ =	shalt  }
0x7c: {  	_ =	shalt  }
0x7d: {  	_ =	shalt  }
0x7e: {  	_ =	shalt  }
0x7f: {  	_ =	shalt  }
0x80: {  	_ =	shalt  }
0x81: {  	_ =	shalt  }
0x82: {  	_ =	shalt  }
0x83: {  	_ =	shalt  }
0x84: {  	_ =	shalt  }
0x85: {  	_ =	shalt  }
0x86: {  	_ =	shalt  }
0x87: {  	_ =	shalt  }
.Lfunc_end0:
.L_simem_size_0:
called_computation_lowered:
.L_overlay_start_0:
0x88: {  	s2 =	sld [smem:$0x3FD9]  }
0x89: {  	s3 =	sld [smem:$0x3FFE];
	_ =	sdelay $0x1  }
0x8a: {  	s1 =	srdreg.scid  }
0x8b: {  	s0 =	sand.u32 $0x1, s1  }
0x8c: {  	s17 =	sshll.u32 s0, $0xA;
	s2 =	sadd.s32 s3, s2  }
0x8d: {  	s2 =	sadd.s32 s2, s17  }
0x8e: {  	[smem:$0x3FC2] =	sst s2  }
0x8f: {  	_ = 	snop  }
0x90: {  	s2 =	sld [smem:$0x3FD0];
	(tm) =	ssettm $0x1  }
0x91: {  	s18 =	sld [smem:$0x3FFB];
	_ =	sdelay $0x3  }
0x92: {  	_ =	strace s18  }
0x93: {  	s3 =	sld [smem:$0x3FFC];
	_ =	sdelay $0x3  }
0x94: {  	_ =	strace s3  }
0x95: {  	s3 =	sld [smem:$0x3FFD];
	_ =	sdelay $0x3  }
0x96: {  	_ =	strace s3  }
0x97: {  	_ =	strace $0x8FFFFFFF  }
0x98: {  	s19 =	sld [smem:$0x3FDB];
	_ =	sdelay $0x1  }
0x99: {  	s4 =	simm.s32 $_scs_section_size  }
0x9a: {  	s5 =	simm.s32 $_size__tile_overlayer_lowered;
	s6 =	simm.s32 $_tile_overlayer_lowered  }
0x9b: {  	s22 =	simm.s32 $0x1BFF;
	s21 =	sshll.u32 s6, $0x1;
	s3 =	sadd.s32 s4, s19  }
0x9c: {  	s7 =	simm.s32 $0x0;
	s20 =	sshll.u32 s5, $0x1;
	s5 =	sadd.s32 s21, s3  }
0x9d: {  	[timem:s7], [sflag:s22] =	dma.local [hbm:s5], s20  }
0x9e: {  	_ =	swait.ge [sflag:s22], s20  }
0x9f: {  	s4 =	ssub.s32 $0x0, s20;
	[sflag:s22] =	ssyncset.done $0x0  }
0xa0: {  	[sflag:s22] =	ssyncadd.s32 s4;
	_ =	sdelay $0x1  }
0xa1: {  	s23 =	simm.s32 $0x1B8B  }
0xa2: {  	_ =	swait.ge [sflag:s23], $0x1  }
0xa3: {  	[sflag:s23] =	ssyncset.done $0x0  }
0xa4: {  	s25 =	simm.s32 $0x1B8E;
	s24 =	sld [smem:$0x3FFE];
	[sflag:s23] =	ssyncadd.s32 $0xFFFFFFFF  }
0xa5: {  	s26 =	simm.s32 $execute0_lowered;
	[smem:$0x3FD2] =	sst s25  }
0xa6: {  	s5 =	sshll.u32 s26, $0x1;
	_ =	strace $0x80000046;
	[dreg:$0x1] =	wrdreg $0xFFFFFFFF  }
0xa7: {  	s28 =	simm.s32 $_size_execute0_lowered;
	s3 =	sadd.s32 s3, s5;
	[dreg:$0x0] =	wrdreg $0x0  }
0xa8: {  	s5 =	sshll.u32 s28, $0x1;
	[dreg:$0x2] =	wrdreg s3  }
0xa9: {  	[dreg:$0x3] =	wrdreg s5  }
0xaa: {  	[dreg:$0x4] =	wrdreg $0xC0  }
0xab: {  	_ =	task [dreg:s7], $0x5FFFF  }
0xac: {  	[dreg:$0x1] =	wrdreg $0xFFFFFFFF  }
0xad: {  	[dreg:$0x0] =	wrdreg $0x60  }
0xae: {  	[dreg:$0x2] =	wrdreg s24  }
0xaf: {  	[dreg:$0x3] =	wrdreg s2  }
0xb0: {  	[dreg:$0x4] =	wrdreg $0x9  }
0xb1: {  	_ =	task.clear_ibuf [dreg:s7], $0x5FFFF;
	_ =	strace $0x90000046  }
0xb2: {  	s29 =	simm.s32 $0x9;
	_ =	strace $0x80000048  }
0xb3: {  	_ =	swait.ge [sflag:s29], $0x1  }
0xb4: {  	[sflag:s29] =	ssyncadd.s32 $0xFFFFFFFF  }
0xb5: {  	_ =	strace $0x90000048  }
0xb6: {  	_ =	sfence  }
0xb7: {  	s30 =	sld [smem:$0x0];
	_ =	sdelay $0x2  }
0xb8: {  	s31 =	sshll.u32 s1, $0xD;
	s1 =	sshrl.u32 s1, $0x2  }
0xb9: {  	s3 =	sand.u32 $0x4000, s31;
	s1 =	sadd.s32 s1, s30  }
0xba: {  	s0 =	sor.u32 s3, s0;
	s1 =	sshll.u32 s1, $0x11  }
0xbb: {  	s0 =	sor.u32 s1, s0  }
0xbc: {  	s0 =	sadd.s32 $0x8F2B, s0  }
0xbd: {  	[sflag:s0] =	ssyncadd.remote.s32 $0x1  }
0xbe: {  	_ =	sfence.sel $0xFFFF  }
0xbf: {  	[dreg:$0x0] =	wrdreg $0xFFFFFFFF;
	(pc) =	sbr.abs _section_cstart, $3  }
0xc0: {  	[dreg:$0x1] =	wrdreg $0xFFFFFFFF  }
0xc1: {  	_ =	task.clear_ibuf [dreg:s7], $0x2FFFF;
	_ =	strace $0x9FFFFFFF  }
0xc2: {  	(tm) =	ssettm $0x7FFFFFFF  }
0xc3: {  	_ =	shalt  }
tec
execute0_lowered:
.L_overlay_start_1:
0x0: {  	(tag) =	ssettag $0x1  }
0x1: {  	s0 =	srdreg.scid  }
0x2: {  	s4 =	rddreg [dreg:$0x0];
	s3 =	sand.u32 $0x1, s0  }
0x3: {  	s5 =	rddreg [dreg:$0x1];
	s0 =	stileid.u32;
	s1 =	sshll.u32 s3, $0x4  }
0x4: {  	s2 =	simm.s32 $0x0;
	s9 =	simm.s32 $0x400;
	s6 =	sor.u32 s0, s1  }
0x5: {  	s10 =	simm.s32 $0x0;
	[smem:$0x7FF] =	sst s2;
	s7 =	sshrl.u32 s6, $0x3  }
0x6: {  	s8 =	sshll.u32 s0, $0x7;
	s3 =	ssub.s32 $0x2, s3;
	s7 =	smul.u32 $0x14000, s7  }
0x7: {  	s1 =	rddreg [dreg:$0x2];
	s8 =	sand.u32 $0x380, s8;
	s6 =	smul.u32 $0x271, s6  }
0x8: {  	_ =	strace $0x80000047;
	s31 =	sshrl.u32 s3, $0x1;
	s7 =	sor.u32 s8, s7  }
0x9: {  	s4 =	sadd.s32 s6, s4;
	s6 =	ssub.s32 s3, s31;
	s7 =	sshrl.u32 s7, $0x3  }
0xa: {  	s3 =	sadd.s32 $0x6600, s4;
	s8 =	simm.s32 $0x80;
	s4 =	sadd.s32 s5, s7  }
0xb: {  	v0 =	vimm.f32 $0.0e+00;
	v1 =	vimm.s32 $0x2800;
	v2 =	vimm.f32 $1.000000000e+00;
	s5 =	smax.u32 s6, $0x1;
	s6 =	simm.s32 $0x2880;
	s7 =	simm.s32 $0x1  }
.LBB2_1:
0xc: {  	s11 =	simm.s32 $0x40;
	s12 =	simm.s32 $0x0  }
.LBB2_2:
0xd: {  	p0 =	sne.s32 s11, $0xA000;
	[tilespmem:s12+$0x0] =	vst v0;
	s12 =	smov.u32 s11;
	s11 =	sadd.s32 $0x40, s11  }
.Ltmp0:
0xe: {  	(pc) =	sbr.rel @p0 .LBB2_2-.Ltmp0, $2  }
0xf: {  	_ =	sdelay $0x2  }
0x10: {  	s12 =	sshra.s32 s12, $0x2  }
0x11: {  	[tilespmem:s12+$0x0] =	vst v0  }
0x12: {  	s11 =	simm.s32 $0x0;
	[tilespmem:$0x3C00] =	vst v1  }
0x13: {  	[tilespmem:s6], [sflag:$0x1] =	stream.linear.gather [hbm4b:s3+s11], $0x1388, $0x38;
	[tilespmem:$0x3C80] =	vst v63  }
0x14: {  	_ =	swait.ge [sflag:s7], $0x1388  }
0x15: {  	[sflag:s7] =	ssyncset.done $0x0  }
0x16: {  	s12 =	simm.s32 $0x0;
	s11 =	simm.s32 $0x40;
	[sflag:s7] =	ssyncadd.s32 $0xFFFFEC78  }
.LBB2_4:
0x17: {  	p0 =	sne.s32 s11, $0x4E00;
	v3 =	vld [tilespmem:s12+$0x2880];
	_ =	sdelay $0x3  }
.Ltmp1:
0x18: {  	(pc) =	sbr.rel @p0 .LBB2_4-.Ltmp1, $2  }
0x19: {  	_ =	sdelay $0x2  }
0x1a: {  	s12 =	sshra.s32 s11, $0x2;
	s11 =	sadd.s32 $0x40, s11;
	[tilespmem:v3+s2+$0x0] =	vst.idx.add.f32.msk $0xffff, v2  }
0x1b: {  	v3 =	vld [tilespmem:s12+$0x2880];
	_ =	sdelay $0x5  }
0x1c: {  	s10 =	sadd.s32 $0x1, s10  }
0x1d: {  	p0 =	sne.s32 s10, s5  }
.Ltmp2:
0x1e: {  	[tilespmem:v3+s2+$0x0] =	vst.idx.add.f32.msk $0xffff, v2;
	(pc) =	sbr.rel @p0 .LBB2_1-.Ltmp2, $4  }
0x1f: {  	[hbm4b:s4+s8] =	stream.strided.scatter [tilespmem:s2], [sflag:$0x1], $0x2800, s9, s8, $0x38;
	[tilespmem:$0x3C80] =	vst v63  }
0x20: {  	_ =	swait.ge [sflag:s7], $0x2800  }
0x21: {  	[sflag:s7] =	ssyncset.done $0x0  }
0x22: {  	[sflag:s7] =	ssyncadd.s32 $0xFFFFD800  }
0x23: {  	_ =	sfence.sel $0x180000  }
0x24: {  	[bflag:$0x0] =	sbarrier.arrive $0xFFFF  }
0x25: {  	p0 =	sne.s32 s0, $0x0;
	_ =	strace $0x90000047  }
0x26: {  	s0 =	sadd.s32 @!p0 $0x100000, s1;
	[bflag:$0x2] =	sbarrier.arrive $0xFFFF  }
0x27: {  	[sflag:s0] =	ssyncadd.tile.s32 @!p0 $0x1;
	_ =	shalt  }
.Lfunc_end2:
_tile_overlayer_lowered:
.L_overlay_start_2:
0x28: {  	(tag) =	ssettag $0x2  }
0x29: {  	s0 =	rddreg [dreg:$0x0];
	s2 =	stileid.u32  }
0x2a: {  	s1 =	rddreg [dreg:$0x1];
	p0 =	sne.s32 s2, $0x0  }
0x2b: {  	s3 =	rddreg [dreg:$0x2];
	[bflag:$0x3] =	sbarrier.arrive $0xFFFF;
	s2 =	simm.s32 @!p0 $0x1C01  }
0x2c: {  	[timem:s3], [sflag:s2] =	dma.local @!p0 [hbm:s0], s1  }
0x2d: {  	s0 =	simm.s32 @!p0 $0x1  }
0x2e: {  	_ =	swait.ge @!p0 [sflag:s0], s1  }
0x2f: {  	s1 =	ssub.s32 @!p0 $0x0, s1;
	[sflag:s0] =	ssyncset.done @!p0 $0x0  }
0x30: {  	[sflag:s0] =	ssyncadd.s32 @!p0 s1  }
0x31: {  	[bflag:$0x3] =	sbarrier.arrive $0xFFFF  }
0x32: {  	_ =	shalt  }

</sc_bundles>
